<compile_context>
chip_gen: v7x
topology: tpu7x:2x2x1
jax: 0.10.2.dev20260603
libtpu: 0.0.44.dev20260713+nightly
codegen_flags: <defaults>
</compile_context>

<pallas_src>
import functools

import jax
import jax.numpy as jnp
from jax import lax
from jax.experimental import pallas as pl
from jax.experimental.pallas import tpu as pltpu
from jax.experimental.pallas import tpu_sc as plsc

N_NODES = 10000
N_EDGES = 320000
F = 128

NC = 2
NS = 16
NW = NC * NS
C = 128
K = 79
E_PAD = NW * K * C

NROW = 10240
RPT = NROW // NS
ZCH = RPT // C
R_BLK = 512
GRID = NROW // R_BLK

_MESH = plsc.VectorSubcoreMesh(core_axis_name="c", subcore_axis_name="s")


@functools.partial(
    pl.kernel,
    out_type=jax.ShapeDtypeStruct((NC, NROW, F), jnp.float32),
    mesh=_MESH,
    scratch_types=[
        pltpu.VMEM_SHARED((NROW, F), jnp.float32),
        pltpu.VMEM((C,), jnp.int32),
        pltpu.VMEM((C,), jnp.int32),
        pltpu.VMEM((C, F), jnp.float32),
        pltpu.SemaphoreType.DMA,
    ])
def _sc_agg(table, src, dst, z128, p_out, acc, si, di, rows0, gsem):
  c = lax.axis_index("c")
  s = lax.axis_index("s")
  wid = c * NS + s
  base = s * RPT
  pltpu.sync_copy(z128, rows0)
  for k in range(ZCH):
    pltpu.sync_copy(rows0, acc.at[pl.ds(base + k * C, C)])
  plsc.subcore_barrier()

  def step(j, carry):
    pltpu.sync_copy(src.at[wid, j], si)
    pltpu.sync_copy(dst.at[wid, j], di)
    cp = pltpu.make_async_copy(table.at[si], rows0, gsem)
    cp.start()
    cp.wait()
    pltpu.sync_copy(rows0, acc.at[di], add=True)
    return carry

  lax.fori_loop(0, K, step, 0)
  plsc.subcore_barrier()
  for k in range(ZCH):
    r = base + k * C
    pltpu.sync_copy(acc.at[pl.ds(r, C)], rows0)
    pltpu.sync_copy(rows0, p_out.at[c, pl.ds(r, C)])


@functools.partial(
    pl.kernel,
    out_type=jax.ShapeDtypeStruct((NC, NROW, F), jnp.float32),
    mesh=_MESH,
    scratch_types=[
        pltpu.VMEM_SHARED((NROW, F), jnp.float32),
        pltpu.VMEM((C,), jnp.int32),
        pltpu.VMEM((C, F), jnp.float32),
        pltpu.SemaphoreType.DMA,
    ])
def _sc_deg(dst, z128, o128, pd_out, acc, di, ones_v, sem):
  c = lax.axis_index("c")
  s = lax.axis_index("s")
  wid = c * NS + s
  base = s * RPT
  pltpu.sync_copy(z128, ones_v)
  for k in range(ZCH):
    pltpu.sync_copy(ones_v, acc.at[pl.ds(base + k * C, C)])
  pltpu.sync_copy(o128, ones_v)
  plsc.subcore_barrier()

  def step(j, carry):
    pltpu.sync_copy(dst.at[wid, j], di)
    pltpu.sync_copy(ones_v, acc.at[di], add=True)
    return carry

  lax.fori_loop(0, K, step, 0)
  plsc.subcore_barrier()
  for k in range(ZCH):
    r = base + k * C
    pltpu.sync_copy(acc.at[pl.ds(r, C)], ones_v)
    pltpu.sync_copy(ones_v, pd_out.at[c, pl.ds(r, C)])


def _make_dense(first, relu):

  def body(*refs):
    if first:
      h_ref, p_ref, d_ref, ws_ref, wn_ref, b_ref, o_ref, do_ref = refs
      deg = jnp.maximum(d_ref[0] + d_ref[1], 1.0)
      do_ref[...] = deg
    else:
      h_ref, p_ref, d_ref, ws_ref, wn_ref, b_ref, o_ref = refs
      deg = d_ref[...]
    agg = p_ref[0] + p_ref[1]
    hn = agg / deg
    out = (jnp.dot(h_ref[...], ws_ref[...], preferred_element_type=jnp.float32)
           + jnp.dot(hn, wn_ref[...], preferred_element_type=jnp.float32)
           + b_ref[...])
    if relu:
      out = jnp.maximum(out, 0.0)
    o_ref[...] = out

  in_specs = [
      pl.BlockSpec((R_BLK, F), lambda i: (i, 0)),
      pl.BlockSpec((NC, R_BLK, F), lambda i: (0, i, 0)),
      (pl.BlockSpec((NC, R_BLK, F), lambda i: (0, i, 0)) if first
       else pl.BlockSpec((R_BLK, F), lambda i: (i, 0))),
      pl.BlockSpec((F, F), lambda i: (0, 0)),
      pl.BlockSpec((F, F), lambda i: (0, 0)),
      pl.BlockSpec((1, F), lambda i: (0, 0)),
  ]
  out_shape = [jax.ShapeDtypeStruct((NROW, F), jnp.float32)]
  out_specs = [pl.BlockSpec((R_BLK, F), lambda i: (i, 0))]
  if first:
    out_shape.append(jax.ShapeDtypeStruct((NROW, F), jnp.float32))
    out_specs.append(pl.BlockSpec((R_BLK, F), lambda i: (i, 0)))

  return pl.pallas_call(
      body,
      grid=(GRID,),
      in_specs=in_specs,
      out_specs=out_specs,
      out_shape=out_shape,
  )


_dense_first = _make_dense(True, True)
_dense_mid = _make_dense(False, True)
_dense_last = _make_dense(False, False)


def _pack_idx(flat, pad_value):
  return jnp.concatenate(
      [flat, jnp.full((E_PAD - N_EDGES,), pad_value, jnp.int32)]
  ).reshape(NW, K, C)


@jax.jit
def kernel(x, edge_index, W_self1, W_neigh1, b1, W_self2, W_neigh2, b2,
           W_self3, W_neigh3, b3):
  src = _pack_idx(edge_index[0], 0)
  dst = _pack_idx(edge_index[1], N_NODES)
  h = jnp.concatenate([x, jnp.zeros((NROW - N_NODES, F), jnp.float32)])
  z128 = jnp.zeros((C, F), jnp.float32)
  o128 = jnp.ones((C, F), jnp.float32)

  pd = _sc_deg(dst, z128, o128)
  p = _sc_agg(h, src, dst, z128)
  h, deg = _dense_first(h, p, pd, W_self1.T, W_neigh1.T, b1[None, :])
  p = _sc_agg(h, src, dst, z128)
  (h,) = _dense_mid(h, p, deg, W_self2.T, W_neigh2.T, b2[None, :])
  p = _sc_agg(h, src, dst, z128)
  (out,) = _dense_last(h, p, deg, W_self3.T, W_neigh3.T, b3[None, :])
  return out[:N_NODES]

# --- scband reference (transcript-rebuilt; emitter-appended) ---
"""Pipeline reference for scband-sage-12043088298174 (READ-ONLY COPY).

The authoritative reference and input builder live on the scoring server;
editing this copy changes nothing except your own understanding.
"""

import jax, jax.numpy as jnp
import numpy as np

N_NODES = 10000
N_EDGES = 320000
IN_SIZE = 128
HIDDEN = 128
OUT_SIZE = 128


def setup_inputs(seed: int = 0) -> dict:
    key = jax.random.key(seed)
    ks = jax.random.split(key, 12)
    x = jax.random.normal(ks[0], (N_NODES, IN_SIZE), dtype=jnp.float32)
    edge_index = jax.random.randint(ks[1], (2, N_EDGES), 0, N_NODES, dtype=jnp.int32)
    s_in = 1.0 / np.sqrt(IN_SIZE)
    s_h = 1.0 / np.sqrt(HIDDEN)
    W_self1 = jax.random.uniform(ks[2], (HIDDEN, IN_SIZE), jnp.float32, -s_in, s_in)
    W_neigh1 = jax.random.uniform(ks[3], (HIDDEN, IN_SIZE), jnp.float32, -s_in, s_in)
    b1 = jnp.zeros((HIDDEN,), jnp.float32)
    W_self2 = jax.random.uniform(ks[4], (HIDDEN, HIDDEN), jnp.float32, -s_h, s_h)
    W_neigh2 = jax.random.uniform(ks[5], (HIDDEN, HIDDEN), jnp.float32, -s_h, s_h)
    b2 = jnp.zeros((HIDDEN,), jnp.float32)
    W_self3 = jax.random.uniform(ks[6], (OUT_SIZE, HIDDEN), jnp.float32, -s_h, s_h)
    W_neigh3 = jax.random.uniform(ks[7], (OUT_SIZE, HIDDEN), jnp.float32, -s_h, s_h)
    b3 = jnp.zeros((OUT_SIZE,), jnp.float32)
    return {"x": x, "edge_index": edge_index,
            "W_self1": W_self1, "W_neigh1": W_neigh1, "b1": b1,
            "W_self2": W_self2, "W_neigh2": W_neigh2, "b2": b2,
            "W_self3": W_self3, "W_neigh3": W_neigh3, "b3": b3}


def _sage_layer(h, edge_index, W_self, W_neigh, b):
    # DGL SAGEConv with 'mean' aggregator:
    #   h_neigh = mean over incoming neighbors of h[src]
    #   out = fc_self(h_dst) + fc_neigh(h_neigh) + bias
    src = edge_index[0]
    dst = edge_index[1]
    msg = jnp.take(h, src, axis=0)
    agg = jax.ops.segment_sum(msg, dst, num_segments=N_NODES)
    deg = jax.ops.segment_sum(jnp.ones((msg.shape[0],), dtype=h.dtype), dst, num_segments=N_NODES)
    h_neigh = agg / jnp.maximum(deg, 1.0)[:, None]
    return h @ W_self.T + h_neigh @ W_neigh.T + b


def reference(x, edge_index, W_self1, W_neigh1, b1, W_self2, W_neigh2, b2, W_self3, W_neigh3, b3):
    # Layer 1
    h = _sage_layer(x, edge_index, W_self1, W_neigh1, b1)
    h = jax.nn.relu(h)
    # dropout(p=0.5) is identity in eval mode
    # Layer 2
    h = _sage_layer(h, edge_index, W_self2, W_neigh2, b2)
    h = jax.nn.relu(h)
    # Layer 3 (no activation)
    h = _sage_layer(h, edge_index, W_self3, W_neigh3, b3)
    return h

if __name__ == "__main__":
    import jax
    _d = setup_inputs()
    print(jax.jit(kernel)(*tuple(_d.values())))

</pallas_src>

<mosaic_0001>
#map = affine_map<(d0, d1) -> (0, 0)>
#map1 = affine_map<(d0, d1) -> (0, 0, 0)>
module attributes {stable_mosaic.version = 14 : i64} {
  func.func @_sc_agg(%arg0: i32, %arg1: i32, %arg2: memref<10240x128xf32, #tpu.memory_space<hbm>>, %arg3: memref<32x79x128xi32, #tpu.memory_space<hbm>>, %arg4: memref<32x79x128xi32, #tpu.memory_space<hbm>>, %arg5: memref<128x128xf32, #tpu.memory_space<hbm>>, %arg6: memref<2x10240x128xf32, #tpu.memory_space<hbm>>, %arg7: memref<10240x128xf32, #tpu.memory_space<vmem_shared>>, %arg8: memref<128xi32, #tpu.memory_space<vmem>>, %arg9: memref<128xi32, #tpu.memory_space<vmem>>, %arg10: memref<128x128xf32, #tpu.memory_space<vmem>>, %arg11: memref<!tpu.dma_semaphore, #tpu.memory_space<semaphore_mem>>) attributes {dimension_semantics = [#tpu.dimension_semantics<core_parallel>, #tpu.dimension_semantics<subcore_parallel>], iteration_bounds = array<i64: 2, 16>, scalar_prefetch = 0 : i64, scratch_operands = 5 : i64, tpu.core_type = #tpu.core_type<sc_vector_subcore>, window_params = [{transform_indices = #map}, {transform_indices = #map1}, {transform_indices = #map1}, {transform_indices = #map}, {transform_indices = #map1}]} {
    %mul3A = arith.constant 16 : i32
    %mul3A_0 = arith.muli %arg0, %mul3A : i32
    %add3A = arith.addi %mul3A_0, %arg1 : i32
    %mul3A_1 = arith.constant 640 : i32
    %mul3A_2 = arith.muli %arg1, %mul3A_1 : i32
    "tpu.region"() ({
      %run_scoped3A = tpu.sem_alloc : memref<!tpu.dma_semaphore, #tpu.memory_space<semaphore_mem>>
      tpu.enqueue_dma source(%arg5 : memref<128x128xf32, #tpu.memory_space<hbm>>) target(%arg10 : memref<128x128xf32, #tpu.memory_space<vmem>>) target_semaphore(%run_scoped3A : memref<!tpu.dma_semaphore, #tpu.memory_space<semaphore_mem>>)
      tpu.wait_dma2 semaphore(%run_scoped3A : memref<!tpu.dma_semaphore, #tpu.memory_space<semaphore_mem>>) src(%arg5 : memref<128x128xf32, #tpu.memory_space<hbm>>) dst(%arg10 : memref<128x128xf32, #tpu.memory_space<vmem>>)
      tpu.yield
    }) : () -> ()
    %add3A_3 = arith.constant 0 : i32
    %add3A_4 = arith.addi %mul3A_2, %add3A_3 : i32
    "tpu.region"() ({
      %run_scoped3A = tpu.sem_alloc : memref<!tpu.dma_semaphore, #tpu.memory_space<semaphore_mem>>
      %dma_start3A = arith.constant 0 : i32
      %dma_start3A_29 = tpu.memref_slice %arg7[%add3A_4, %dma_start3A] : memref<10240x128xf32, #tpu.memory_space<vmem_shared>> -> memref<128x128xf32, #tpu.memory_space<vmem_shared>>
      %dma_start3A_30 = arith.constant 0 : i32
      %dma_start3A_31 = tpu.memref_slice %arg7[%add3A_4, %dma_start3A_30] : memref<10240x128xf32, #tpu.memory_space<vmem_shared>> -> memref<128x128xf32, #tpu.memory_space<vmem_shared>>
      tpu.enqueue_dma source(%arg10 : memref<128x128xf32, #tpu.memory_space<vmem>>) target(%dma_start3A_31 : memref<128x128xf32, #tpu.memory_space<vmem_shared>>) target_semaphore(%run_scoped3A : memref<!tpu.dma_semaphore, #tpu.memory_space<semaphore_mem>>)
      %dma_wait3A = arith.constant 0 : i32
      %dma_wait3A_32 = tpu.memref_slice %arg7[%add3A_4, %dma_wait3A] : memref<10240x128xf32, #tpu.memory_space<vmem_shared>> -> memref<128x128xf32, #tpu.memory_space<vmem_shared>>
      %dma_wait3A_33 = arith.constant 0 : i32
      %dma_wait3A_34 = tpu.memref_slice %arg7[%add3A_4, %dma_wait3A_33] : memref<10240x128xf32, #tpu.memory_space<vmem_shared>> -> memref<128x128xf32, #tpu.memory_space<vmem_shared>>
      tpu.wait_dma2 semaphore(%run_scoped3A : memref<!tpu.dma_semaphore, #tpu.memory_space<semaphore_mem>>) src(%arg10 : memref<128x128xf32, #tpu.memory_space<vmem>>) dst(%dma_wait3A_34 : memref<128x128xf32, #tpu.memory_space<vmem_shared>>)
      tpu.yield
    }) : () -> ()
    %add3A_5 = arith.constant 128 : i32
    %add3A_6 = arith.addi %mul3A_2, %add3A_5 : i32
    "tpu.region"() ({
      %run_scoped3A = tpu.sem_alloc : memref<!tpu.dma_semaphore, #tpu.memory_space<semaphore_mem>>
      %dma_start3A = arith.constant 0 : i32
      %dma_start3A_29 = tpu.memref_slice %arg7[%add3A_6, %dma_start3A] : memref<10240x128xf32, #tpu.memory_space<vmem_shared>> -> memref<128x128xf32, #tpu.memory_space<vmem_shared>>
      %dma_start3A_30 = arith.constant 0 : i32
      %dma_start3A_31 = tpu.memref_slice %arg7[%add3A_6, %dma_start3A_30] : memref<10240x128xf32, #tpu.memory_space<vmem_shared>> -> memref<128x128xf32, #tpu.memory_space<vmem_shared>>
      tpu.enqueue_dma source(%arg10 : memref<128x128xf32, #tpu.memory_space<vmem>>) target(%dma_start3A_31 : memref<128x128xf32, #tpu.memory_space<vmem_shared>>) target_semaphore(%run_scoped3A : memref<!tpu.dma_semaphore, #tpu.memory_space<semaphore_mem>>)
      %dma_wait3A = arith.constant 0 : i32
      %dma_wait3A_32 = tpu.memref_slice %arg7[%add3A_6, %dma_wait3A] : memref<10240x128xf32, #tpu.memory_space<vmem_shared>> -> memref<128x128xf32, #tpu.memory_space<vmem_shared>>
      %dma_wait3A_33 = arith.constant 0 : i32
      %dma_wait3A_34 = tpu.memref_slice %arg7[%add3A_6, %dma_wait3A_33] : memref<10240x128xf32, #tpu.memory_space<vmem_shared>> -> memref<128x128xf32, #tpu.memory_space<vmem_shared>>
      tpu.wait_dma2 semaphore(%run_scoped3A : memref<!tpu.dma_semaphore, #tpu.memory_space<semaphore_mem>>) src(%arg10 : memref<128x128xf32, #tpu.memory_space<vmem>>) dst(%dma_wait3A_34 : memref<128x128xf32, #tpu.memory_space<vmem_shared>>)
      tpu.yield
    }) : () -> ()
    %add3A_7 = arith.constant 256 : i32
    %add3A_8 = arith.addi %mul3A_2, %add3A_7 : i32
    "tpu.region"() ({
      %run_scoped3A = tpu.sem_alloc : memref<!tpu.dma_semaphore, #tpu.memory_space<semaphore_mem>>
      %dma_start3A = arith.constant 0 : i32
      %dma_start3A_29 = tpu.memref_slice %arg7[%add3A_8, %dma_start3A] : memref<10240x128xf32, #tpu.memory_space<vmem_shared>> -> memref<128x128xf32, #tpu.memory_space<vmem_shared>>
      %dma_start3A_30 = arith.constant 0 : i32
      %dma_start3A_31 = tpu.memref_slice %arg7[%add3A_8, %dma_start3A_30] : memref<10240x128xf32, #tpu.memory_space<vmem_shared>> -> memref<128x128xf32, #tpu.memory_space<vmem_shared>>
      tpu.enqueue_dma source(%arg10 : memref<128x128xf32, #tpu.memory_space<vmem>>) target(%dma_start3A_31 : memref<128x128xf32, #tpu.memory_space<vmem_shared>>) target_semaphore(%run_scoped3A : memref<!tpu.dma_semaphore, #tpu.memory_space<semaphore_mem>>)
      %dma_wait3A = arith.constant 0 : i32
      %dma_wait3A_32 = tpu.memref_slice %arg7[%add3A_8, %dma_wait3A] : memref<10240x128xf32, #tpu.memory_space<vmem_shared>> -> memref<128x128xf32, #tpu.memory_space<vmem_shared>>
      %dma_wait3A_33 = arith.constant 0 : i32
      %dma_wait3A_34 = tpu.memref_slice %arg7[%add3A_8, %dma_wait3A_33] : memref<10240x128xf32, #tpu.memory_space<vmem_shared>> -> memref<128x128xf32, #tpu.memory_space<vmem_shared>>
      tpu.wait_dma2 semaphore(%run_scoped3A : memref<!tpu.dma_semaphore, #tpu.memory_space<semaphore_mem>>) src(%arg10 : memref<128x128xf32, #tpu.memory_space<vmem>>) dst(%dma_wait3A_34 : memref<128x128xf32, #tpu.memory_space<vmem_shared>>)
      tpu.yield
    }) : () -> ()
    %add3A_9 = arith.constant 384 : i32
    %add3A_10 = arith.addi %mul3A_2, %add3A_9 : i32
    "tpu.region"() ({
      %run_scoped3A = tpu.sem_alloc : memref<!tpu.dma_semaphore, #tpu.memory_space<semaphore_mem>>
      %dma_start3A = arith.constant 0 : i32
      %dma_start3A_29 = tpu.memref_slice %arg7[%add3A_10, %dma_start3A] : memref<10240x128xf32, #tpu.memory_space<vmem_shared>> -> memref<128x128xf32, #tpu.memory_space<vmem_shared>>
      %dma_start3A_30 = arith.constant 0 : i32
      %dma_start3A_31 = tpu.memref_slice %arg7[%add3A_10, %dma_start3A_30] : memref<10240x128xf32, #tpu.memory_space<vmem_shared>> -> memref<128x128xf32, #tpu.memory_space<vmem_shared>>
      tpu.enqueue_dma source(%arg10 : memref<128x128xf32, #tpu.memory_space<vmem>>) target(%dma_start3A_31 : memref<128x128xf32, #tpu.memory_space<vmem_shared>>) target_semaphore(%run_scoped3A : memref<!tpu.dma_semaphore, #tpu.memory_space<semaphore_mem>>)
      %dma_wait3A = arith.constant 0 : i32
      %dma_wait3A_32 = tpu.memref_slice %arg7[%add3A_10, %dma_wait3A] : memref<10240x128xf32, #tpu.memory_space<vmem_shared>> -> memref<128x128xf32, #tpu.memory_space<vmem_shared>>
      %dma_wait3A_33 = arith.constant 0 : i32
      %dma_wait3A_34 = tpu.memref_slice %arg7[%add3A_10, %dma_wait3A_33] : memref<10240x128xf32, #tpu.memory_space<vmem_shared>> -> memref<128x128xf32, #tpu.memory_space<vmem_shared>>
      tpu.wait_dma2 semaphore(%run_scoped3A : memref<!tpu.dma_semaphore, #tpu.memory_space<semaphore_mem>>) src(%arg10 : memref<128x128xf32, #tpu.memory_space<vmem>>) dst(%dma_wait3A_34 : memref<128x128xf32, #tpu.memory_space<vmem_shared>>)
      tpu.yield
    }) : () -> ()
    %add3A_11 = arith.constant 512 : i32
    %add3A_12 = arith.addi %mul3A_2, %add3A_11 : i32
    "tpu.region"() ({
      %run_scoped3A = tpu.sem_alloc : memref<!tpu.dma_semaphore, #tpu.memory_space<semaphore_mem>>
      %dma_start3A = arith.constant 0 : i32
      %dma_start3A_29 = tpu.memref_slice %arg7[%add3A_12, %dma_start3A] : memref<10240x128xf32, #tpu.memory_space<vmem_shared>> -> memref<128x128xf32, #tpu.memory_space<vmem_shared>>
      %dma_start3A_30 = arith.constant 0 : i32
      %dma_start3A_31 = tpu.memref_slice %arg7[%add3A_12, %dma_start3A_30] : memref<10240x128xf32, #tpu.memory_space<vmem_shared>> -> memref<128x128xf32, #tpu.memory_space<vmem_shared>>
      tpu.enqueue_dma source(%arg10 : memref<128x128xf32, #tpu.memory_space<vmem>>) target(%dma_start3A_31 : memref<128x128xf32, #tpu.memory_space<vmem_shared>>) target_semaphore(%run_scoped3A : memref<!tpu.dma_semaphore, #tpu.memory_space<semaphore_mem>>)
      %dma_wait3A = arith.constant 0 : i32
      %dma_wait3A_32 = tpu.memref_slice %arg7[%add3A_12, %dma_wait3A] : memref<10240x128xf32, #tpu.memory_space<vmem_shared>> -> memref<128x128xf32, #tpu.memory_space<vmem_shared>>
      %dma_wait3A_33 = arith.constant 0 : i32
      %dma_wait3A_34 = tpu.memref_slice %arg7[%add3A_12, %dma_wait3A_33] : memref<10240x128xf32, #tpu.memory_space<vmem_shared>> -> memref<128x128xf32, #tpu.memory_space<vmem_shared>>
      tpu.wait_dma2 semaphore(%run_scoped3A : memref<!tpu.dma_semaphore, #tpu.memory_space<semaphore_mem>>) src(%arg10 : memref<128x128xf32, #tpu.memory_space<vmem>>) dst(%dma_wait3A_34 : memref<128x128xf32, #tpu.memory_space<vmem_shared>>)
      tpu.yield
    }) : () -> ()
    %barrier3A = arith.constant 0 : index
    tpu.barrier barrier_id(%barrier3A)
    %scan3A = arith.constant 0 : i32
    %scan3A_13 = arith.constant 0 : i32
    %scan3A_14 = arith.constant 79 : i32
    %scan3A_15 = arith.addi %scan3A_13, %scan3A_14 : i32
    %scan3A_16 = arith.constant 1 : i32
    scf.for %scan3A_29 = %scan3A_13 to %scan3A_15 step %scan3A_16  : i32 {
      "tpu.region"() ({
        %run_scoped3A = tpu.sem_alloc : memref<!tpu.dma_semaphore, #tpu.memory_space<semaphore_mem>>
        %dma_start3A_34 = arith.constant 0 : i32
        %dma_start3A_35 = tpu.memref_slice %arg3[%add3A, %scan3A_29, %dma_start3A_34] : memref<32x79x128xi32, #tpu.memory_space<hbm>> -> memref<1x1x128xi32, #tpu.memory_space<hbm>>
        %dma_start3A_36 = tpu.memref_squeeze %dma_start3A_35 : memref<1x1x128xi32, #tpu.memory_space<hbm>> -> memref<128xi32, #tpu.memory_space<hbm>>
        %dma_start3A_37 = arith.constant 0 : i32
        %dma_start3A_38 = tpu.memref_slice %arg3[%add3A, %scan3A_29, %dma_start3A_37] : memref<32x79x128xi32, #tpu.memory_space<hbm>> -> memref<1x1x128xi32, #tpu.memory_space<hbm>>
        %dma_start3A_39 = tpu.memref_squeeze %dma_start3A_38 : memref<1x1x128xi32, #tpu.memory_space<hbm>> -> memref<128xi32, #tpu.memory_space<hbm>>
        tpu.enqueue_dma source(%dma_start3A_39 : memref<128xi32, #tpu.memory_space<hbm>>) target(%arg8 : memref<128xi32, #tpu.memory_space<vmem>>) target_semaphore(%run_scoped3A : memref<!tpu.dma_semaphore, #tpu.memory_space<semaphore_mem>>)
        %dma_wait3A_40 = arith.constant 0 : i32
        %dma_wait3A_41 = tpu.memref_slice %arg3[%add3A, %scan3A_29, %dma_wait3A_40] : memref<32x79x128xi32, #tpu.memory_space<hbm>> -> memref<1x1x128xi32, #tpu.memory_space<hbm>>
        %dma_wait3A_42 = tpu.memref_squeeze %dma_wait3A_41 : memref<1x1x128xi32, #tpu.memory_space<hbm>> -> memref<128xi32, #tpu.memory_space<hbm>>
        %dma_wait3A_43 = arith.constant 0 : i32
        %dma_wait3A_44 = tpu.memref_slice %arg3[%add3A, %scan3A_29, %dma_wait3A_43] : memref<32x79x128xi32, #tpu.memory_space<hbm>> -> memref<1x1x128xi32, #tpu.memory_space<hbm>>
        %dma_wait3A_45 = tpu.memref_squeeze %dma_wait3A_44 : memref<1x1x128xi32, #tpu.memory_space<hbm>> -> memref<128xi32, #tpu.memory_space<hbm>>
        tpu.wait_dma2 semaphore(%run_scoped3A : memref<!tpu.dma_semaphore, #tpu.memory_space<semaphore_mem>>) src(%dma_wait3A_45 : memref<128xi32, #tpu.memory_space<hbm>>) dst(%arg8 : memref<128xi32, #tpu.memory_space<vmem>>)
        tpu.yield
      }) : () -> ()
      "tpu.region"() ({
        %run_scoped3A = tpu.sem_alloc : memref<!tpu.dma_semaphore, #tpu.memory_space<semaphore_mem>>
        %dma_start3A_34 = arith.constant 0 : i32
        %dma_start3A_35 = tpu.memref_slice %arg4[%add3A, %scan3A_29, %dma_start3A_34] : memref<32x79x128xi32, #tpu.memory_space<hbm>> -> memref<1x1x128xi32, #tpu.memory_space<hbm>>
        %dma_start3A_36 = tpu.memref_squeeze %dma_start3A_35 : memref<1x1x128xi32, #tpu.memory_space<hbm>> -> memref<128xi32, #tpu.memory_space<hbm>>
        %dma_start3A_37 = arith.constant 0 : i32
        %dma_start3A_38 = tpu.memref_slice %arg4[%add3A, %scan3A_29, %dma_start3A_37] : memref<32x79x128xi32, #tpu.memory_space<hbm>> -> memref<1x1x128xi32, #tpu.memory_space<hbm>>
        %dma_start3A_39 = tpu.memref_squeeze %dma_start3A_38 : memref<1x1x128xi32, #tpu.memory_space<hbm>> -> memref<128xi32, #tpu.memory_space<hbm>>
        tpu.enqueue_dma source(%dma_start3A_39 : memref<128xi32, #tpu.memory_space<hbm>>) target(%arg9 : memref<128xi32, #tpu.memory_space<vmem>>) target_semaphore(%run_scoped3A : memref<!tpu.dma_semaphore, #tpu.memory_space<semaphore_mem>>)
        %dma_wait3A_40 = arith.constant 0 : i32
        %dma_wait3A_41 = tpu.memref_slice %arg4[%add3A, %scan3A_29, %dma_wait3A_40] : memref<32x79x128xi32, #tpu.memory_space<hbm>> -> memref<1x1x128xi32, #tpu.memory_space<hbm>>
        %dma_wait3A_42 = tpu.memref_squeeze %dma_wait3A_41 : memref<1x1x128xi32, #tpu.memory_space<hbm>> -> memref<128xi32, #tpu.memory_space<hbm>>
        %dma_wait3A_43 = arith.constant 0 : i32
        %dma_wait3A_44 = tpu.memref_slice %arg4[%add3A, %scan3A_29, %dma_wait3A_43] : memref<32x79x128xi32, #tpu.memory_space<hbm>> -> memref<1x1x128xi32, #tpu.memory_space<hbm>>
        %dma_wait3A_45 = tpu.memref_squeeze %dma_wait3A_44 : memref<1x1x128xi32, #tpu.memory_space<hbm>> -> memref<128xi32, #tpu.memory_space<hbm>>
        tpu.wait_dma2 semaphore(%run_scoped3A : memref<!tpu.dma_semaphore, #tpu.memory_space<semaphore_mem>>) src(%dma_wait3A_45 : memref<128xi32, #tpu.memory_space<hbm>>) dst(%arg9 : memref<128xi32, #tpu.memory_space<vmem>>)
        tpu.yield
      }) : () -> ()
      %dma_start3A = arith.constant 0 : i32
      %dma_start3A_30 = arith.constant 0 : i32
      %dma_start3A_31 = tpu.memref_slice %arg2[%dma_start3A, %dma_start3A_30] : memref<10240x128xf32, #tpu.memory_space<hbm>> -> memref<10240x128xf32, #tpu.memory_space<hbm>>
      tpu.enqueue_indirect_dma source(%dma_start3A_31 : memref<10240x128xf32, #tpu.memory_space<hbm>>) target(%arg10 : memref<128x128xf32, #tpu.memory_space<vmem>>) offsets(%arg8 : memref<128xi32, #tpu.memory_space<vmem>>) semaphore(%arg11 : memref<!tpu.dma_semaphore, #tpu.memory_space<semaphore_mem>>)
      %dma_wait3A = arith.constant 0 : i32
      %dma_wait3A_32 = arith.constant 0 : i32
      %dma_wait3A_33 = tpu.memref_slice %arg2[%dma_wait3A, %dma_wait3A_32] : memref<10240x128xf32, #tpu.memory_space<hbm>> -> memref<10240x128xf32, #tpu.memory_space<hbm>>
      tpu.wait_indirect_dma semaphore(%arg11 : memref<!tpu.dma_semaphore, #tpu.memory_space<semaphore_mem>>) src(%dma_wait3A_33 : memref<10240x128xf32, #tpu.memory_space<hbm>>) dst(%arg10 : memref<128x128xf32, #tpu.memory_space<vmem>>)
      "tpu.region"() ({
        %run_scoped3A = tpu.sem_alloc : memref<!tpu.dma_semaphore, #tpu.memory_space<semaphore_mem>>
        %dma_start3A_34 = arith.constant 0 : i32
        %dma_start3A_35 = arith.constant 0 : i32
        %dma_start3A_36 = tpu.memref_slice %arg7[%dma_start3A_34, %dma_start3A_35] : memref<10240x128xf32, #tpu.memory_space<vmem_shared>> -> memref<10240x128xf32, #tpu.memory_space<vmem_shared>>
        tpu.enqueue_indirect_dma source(%arg10 : memref<128x128xf32, #tpu.memory_space<vmem>>) target(%dma_start3A_36 : memref<10240x128xf32, #tpu.memory_space<vmem_shared>>) offsets(%arg9 : memref<128xi32, #tpu.memory_space<vmem>>) semaphore(%run_scoped3A : memref<!tpu.dma_semaphore, #tpu.memory_space<semaphore_mem>>) {add = true}
        %dma_wait3A_37 = arith.constant 0 : i32
        %dma_wait3A_38 = arith.constant 0 : i32
        %dma_wait3A_39 = tpu.memref_slice %arg7[%dma_wait3A_37, %dma_wait3A_38] : memref<10240x128xf32, #tpu.memory_space<vmem_shared>> -> memref<10240x128xf32, #tpu.memory_space<vmem_shared>>
        tpu.wait_indirect_dma semaphore(%run_scoped3A : memref<!tpu.dma_semaphore, #tpu.memory_space<semaphore_mem>>) src(%arg10 : memref<128x128xf32, #tpu.memory_space<vmem>>) dst(%dma_wait3A_39 : memref<10240x128xf32, #tpu.memory_space<vmem_shared>>)
        tpu.yield
      }) : () -> ()
    }
    %scan3A_17 = arith.constant 79 : i32
    %barrier3A_18 = arith.constant 0 : index
    tpu.barrier barrier_id(%barrier3A_18)
    %add3A_19 = arith.constant 0 : i32
    %add3A_20 = arith.addi %mul3A_2, %add3A_19 : i32
    "tpu.region"() ({
      %run_scoped3A = tpu.sem_alloc : memref<!tpu.dma_semaphore, #tpu.memory_space<semaphore_mem>>
      %dma_start3A = arith.constant 0 : i32
      %dma_start3A_29 = tpu.memref_slice %arg7[%add3A_20, %dma_start3A] : memref<10240x128xf32, #tpu.memory_space<vmem_shared>> -> memref<128x128xf32, #tpu.memory_space<vmem_shared>>
      %dma_start3A_30 = arith.constant 0 : i32
      %dma_start3A_31 = tpu.memref_slice %arg7[%add3A_20, %dma_start3A_30] : memref<10240x128xf32, #tpu.memory_space<vmem_shared>> -> memref<128x128xf32, #tpu.memory_space<vmem_shared>>
      tpu.enqueue_dma source(%dma_start3A_31 : memref<128x128xf32, #tpu.memory_space<vmem_shared>>) target(%arg10 : memref<128x128xf32, #tpu.memory_space<vmem>>) target_semaphore(%run_scoped3A : memref<!tpu.dma_semaphore, #tpu.memory_space<semaphore_mem>>)
      %dma_wait3A = arith.constant 0 : i32
      %dma_wait3A_32 = tpu.memref_slice %arg7[%add3A_20, %dma_wait3A] : memref<10240x128xf32, #tpu.memory_space<vmem_shared>> -> memref<128x128xf32, #tpu.memory_space<vmem_shared>>
      %dma_wait3A_33 = arith.constant 0 : i32
      %dma_wait3A_34 = tpu.memref_slice %arg7[%add3A_20, %dma_wait3A_33] : memref<10240x128xf32, #tpu.memory_space<vmem_shared>> -> memref<128x128xf32, #tpu.memory_space<vmem_shared>>
      tpu.wait_dma2 semaphore(%run_scoped3A : memref<!tpu.dma_semaphore, #tpu.memory_space<semaphore_mem>>) src(%dma_wait3A_34 : memref<128x128xf32, #tpu.memory_space<vmem_shared>>) dst(%arg10 : memref<128x128xf32, #tpu.memory_space<vmem>>)
      tpu.yield
    }) : () -> ()
    "tpu.region"() ({
      %run_scoped3A = tpu.sem_alloc : memref<!tpu.dma_semaphore, #tpu.memory_space<semaphore_mem>>
      %dma_start3A = arith.constant 0 : i32
      %dma_start3A_29 = tpu.memref_slice %arg6[%arg0, %add3A_20, %dma_start3A] : memref<2x10240x128xf32, #tpu.memory_space<hbm>> -> memref<1x128x128xf32, #tpu.memory_space<hbm>>
      %dma_start3A_30 = tpu.memref_squeeze %dma_start3A_29 : memref<1x128x128xf32, #tpu.memory_space<hbm>> -> memref<128x128xf32, #tpu.memory_space<hbm>>
      %dma_start3A_31 = arith.constant 0 : i32
      %dma_start3A_32 = tpu.memref_slice %arg6[%arg0, %add3A_20, %dma_start3A_31] : memref<2x10240x128xf32, #tpu.memory_space<hbm>> -> memref<1x128x128xf32, #tpu.memory_space<hbm>>
      %dma_start3A_33 = tpu.memref_squeeze %dma_start3A_32 : memref<1x128x128xf32, #tpu.memory_space<hbm>> -> memref<128x128xf32, #tpu.memory_space<hbm>>
      tpu.enqueue_dma source(%arg10 : memref<128x128xf32, #tpu.memory_space<vmem>>) target(%dma_start3A_33 : memref<128x128xf32, #tpu.memory_space<hbm>>) target_semaphore(%run_scoped3A : memref<!tpu.dma_semaphore, #tpu.memory_space<semaphore_mem>>)
      %dma_wait3A = arith.constant 0 : i32
      %dma_wait3A_34 = tpu.memref_slice %arg6[%arg0, %add3A_20, %dma_wait3A] : memref<2x10240x128xf32, #tpu.memory_space<hbm>> -> memref<1x128x128xf32, #tpu.memory_space<hbm>>
      %dma_wait3A_35 = tpu.memref_squeeze %dma_wait3A_34 : memref<1x128x128xf32, #tpu.memory_space<hbm>> -> memref<128x128xf32, #tpu.memory_space<hbm>>
      %dma_wait3A_36 = arith.constant 0 : i32
      %dma_wait3A_37 = tpu.memref_slice %arg6[%arg0, %add3A_20, %dma_wait3A_36] : memref<2x10240x128xf32, #tpu.memory_space<hbm>> -> memref<1x128x128xf32, #tpu.memory_space<hbm>>
      %dma_wait3A_38 = tpu.memref_squeeze %dma_wait3A_37 : memref<1x128x128xf32, #tpu.memory_space<hbm>> -> memref<128x128xf32, #tpu.memory_space<hbm>>
      tpu.wait_dma2 semaphore(%run_scoped3A : memref<!tpu.dma_semaphore, #tpu.memory_space<semaphore_mem>>) src(%arg10 : memref<128x128xf32, #tpu.memory_space<vmem>>) dst(%dma_wait3A_38 : memref<128x128xf32, #tpu.memory_space<hbm>>)
      tpu.yield
    }) : () -> ()
    %add3A_21 = arith.constant 128 : i32
    %add3A_22 = arith.addi %mul3A_2, %add3A_21 : i32
    "tpu.region"() ({
      %run_scoped3A = tpu.sem_alloc : memref<!tpu.dma_semaphore, #tpu.memory_space<semaphore_mem>>
      %dma_start3A = arith.constant 0 : i32
      %dma_start3A_29 = tpu.memref_slice %arg7[%add3A_22, %dma_start3A] : memref<10240x128xf32, #tpu.memory_space<vmem_shared>> -> memref<128x128xf32, #tpu.memory_space<vmem_shared>>
      %dma_start3A_30 = arith.constant 0 : i32
      %dma_start3A_31 = tpu.memref_slice %arg7[%add3A_22, %dma_start3A_30] : memref<10240x128xf32, #tpu.memory_space<vmem_shared>> -> memref<128x128xf32, #tpu.memory_space<vmem_shared>>
      tpu.enqueue_dma source(%dma_start3A_31 : memref<128x128xf32, #tpu.memory_space<vmem_shared>>) target(%arg10 : memref<128x128xf32, #tpu.memory_space<vmem>>) target_semaphore(%run_scoped3A : memref<!tpu.dma_semaphore, #tpu.memory_space<semaphore_mem>>)
      %dma_wait3A = arith.constant 0 : i32
      %dma_wait3A_32 = tpu.memref_slice %arg7[%add3A_22, %dma_wait3A] : memref<10240x128xf32, #tpu.memory_space<vmem_shared>> -> memref<128x128xf32, #tpu.memory_space<vmem_shared>>
      %dma_wait3A_33 = arith.constant 0 : i32
      %dma_wait3A_34 = tpu.memref_slice %arg7[%add3A_22, %dma_wait3A_33] : memref<10240x128xf32, #tpu.memory_space<vmem_shared>> -> memref<128x128xf32, #tpu.memory_space<vmem_shared>>
      tpu.wait_dma2 semaphore(%run_scoped3A : memref<!tpu.dma_semaphore, #tpu.memory_space<semaphore_mem>>) src(%dma_wait3A_34 : memref<128x128xf32, #tpu.memory_space<vmem_shared>>) dst(%arg10 : memref<128x128xf32, #tpu.memory_space<vmem>>)
      tpu.yield
    }) : () -> ()
    "tpu.region"() ({
      %run_scoped3A = tpu.sem_alloc : memref<!tpu.dma_semaphore, #tpu.memory_space<semaphore_mem>>
      %dma_start3A = arith.constant 0 : i32
      %dma_start3A_29 = tpu.memref_slice %arg6[%arg0, %add3A_22, %dma_start3A] : memref<2x10240x128xf32, #tpu.memory_space<hbm>> -> memref<1x128x128xf32, #tpu.memory_space<hbm>>
      %dma_start3A_30 = tpu.memref_squeeze %dma_start3A_29 : memref<1x128x128xf32, #tpu.memory_space<hbm>> -> memref<128x128xf32, #tpu.memory_space<hbm>>
      %dma_start3A_31 = arith.constant 0 : i32
      %dma_start3A_32 = tpu.memref_slice %arg6[%arg0, %add3A_22, %dma_start3A_31] : memref<2x10240x128xf32, #tpu.memory_space<hbm>> -> memref<1x128x128xf32, #tpu.memory_space<hbm>>
      %dma_start3A_33 = tpu.memref_squeeze %dma_start3A_32 : memref<1x128x128xf32, #tpu.memory_space<hbm>> -> memref<128x128xf32, #tpu.memory_space<hbm>>
      tpu.enqueue_dma source(%arg10 : memref<128x128xf32, #tpu.memory_space<vmem>>) target(%dma_start3A_33 : memref<128x128xf32, #tpu.memory_space<hbm>>) target_semaphore(%run_scoped3A : memref<!tpu.dma_semaphore, #tpu.memory_space<semaphore_mem>>)
      %dma_wait3A = arith.constant 0 : i32
      %dma_wait3A_34 = tpu.memref_slice %arg6[%arg0, %add3A_22, %dma_wait3A] : memref<2x10240x128xf32, #tpu.memory_space<hbm>> -> memref<1x128x128xf32, #tpu.memory_space<hbm>>
      %dma_wait3A_35 = tpu.memref_squeeze %dma_wait3A_34 : memref<1x128x128xf32, #tpu.memory_space<hbm>> -> memref<128x128xf32, #tpu.memory_space<hbm>>
      %dma_wait3A_36 = arith.constant 0 : i32
      %dma_wait3A_37 = tpu.memref_slice %arg6[%arg0, %add3A_22, %dma_wait3A_36] : memref<2x10240x128xf32, #tpu.memory_space<hbm>> -> memref<1x128x128xf32, #tpu.memory_space<hbm>>
      %dma_wait3A_38 = tpu.memref_squeeze %dma_wait3A_37 : memref<1x128x128xf32, #tpu.memory_space<hbm>> -> memref<128x128xf32, #tpu.memory_space<hbm>>
      tpu.wait_dma2 semaphore(%run_scoped3A : memref<!tpu.dma_semaphore, #tpu.memory_space<semaphore_mem>>) src(%arg10 : memref<128x128xf32, #tpu.memory_space<vmem>>) dst(%dma_wait3A_38 : memref<128x128xf32, #tpu.memory_space<hbm>>)
      tpu.yield
    }) : () -> ()
    %add3A_23 = arith.constant 256 : i32
    %add3A_24 = arith.addi %mul3A_2, %add3A_23 : i32
    "tpu.region"() ({
      %run_scoped3A = tpu.sem_alloc : memref<!tpu.dma_semaphore, #tpu.memory_space<semaphore_mem>>
      %dma_start3A = arith.constant 0 : i32
      %dma_start3A_29 = tpu.memref_slice %arg7[%add3A_24, %dma_start3A] : memref<10240x128xf32, #tpu.memory_space<vmem_shared>> -> memref<128x128xf32, #tpu.memory_space<vmem_shared>>
      %dma_start3A_30 = arith.constant 0 : i32
      %dma_start3A_31 = tpu.memref_slice %arg7[%add3A_24, %dma_start3A_30] : memref<10240x128xf32, #tpu.memory_space<vmem_shared>> -> memref<128x128xf32, #tpu.memory_space<vmem_shared>>
      tpu.enqueue_dma source(%dma_start3A_31 : memref<128x128xf32, #tpu.memory_space<vmem_shared>>) target(%arg10 : memref<128x128xf32, #tpu.memory_space<vmem>>) target_semaphore(%run_scoped3A : memref<!tpu.dma_semaphore, #tpu.memory_space<semaphore_mem>>)
      %dma_wait3A = arith.constant 0 : i32
      %dma_wait3A_32 = tpu.memref_slice %arg7[%add3A_24, %dma_wait3A] : memref<10240x128xf32, #tpu.memory_space<vmem_shared>> -> memref<128x128xf32, #tpu.memory_space<vmem_shared>>
      %dma_wait3A_33 = arith.constant 0 : i32
      %dma_wait3A_34 = tpu.memref_slice %arg7[%add3A_24, %dma_wait3A_33] : memref<10240x128xf32, #tpu.memory_space<vmem_shared>> -> memref<128x128xf32, #tpu.memory_space<vmem_shared>>
      tpu.wait_dma2 semaphore(%run_scoped3A : memref<!tpu.dma_semaphore, #tpu.memory_space<semaphore_mem>>) src(%dma_wait3A_34 : memref<128x128xf32, #tpu.memory_space<vmem_shared>>) dst(%arg10 : memref<128x128xf32, #tpu.memory_space<vmem>>)
      tpu.yield
    }) : () -> ()
    "tpu.region"() ({
      %run_scoped3A = tpu.sem_alloc : memref<!tpu.dma_semaphore, #tpu.memory_space<semaphore_mem>>
      %dma_start3A = arith.constant 0 : i32
      %dma_start3A_29 = tpu.memref_slice %arg6[%arg0, %add3A_24, %dma_start3A] : memref<2x10240x128xf32, #tpu.memory_space<hbm>> -> memref<1x128x128xf32, #tpu.memory_space<hbm>>
      %dma_start3A_30 = tpu.memref_squeeze %dma_start3A_29 : memref<1x128x128xf32, #tpu.memory_space<hbm>> -> memref<128x128xf32, #tpu.memory_space<hbm>>
      %dma_start3A_31 = arith.constant 0 : i32
      %dma_start3A_32 = tpu.memref_slice %arg6[%arg0, %add3A_24, %dma_start3A_31] : memref<2x10240x128xf32, #tpu.memory_space<hbm>> -> memref<1x128x128xf32, #tpu.memory_space<hbm>>
      %dma_start3A_33 = tpu.memref_squeeze %dma_start3A_32 : memref<1x128x128xf32, #tpu.memory_space<hbm>> -> memref<128x128xf32, #tpu.memory_space<hbm>>
      tpu.enqueue_dma source(%arg10 : memref<128x128xf32, #tpu.memory_space<vmem>>) target(%dma_start3A_33 : memref<128x128xf32, #tpu.memory_space<hbm>>) target_semaphore(%run_scoped3A : memref<!tpu.dma_semaphore, #tpu.memory_space<semaphore_mem>>)
      %dma_wait3A = arith.constant 0 : i32
      %dma_wait3A_34 = tpu.memref_slice %arg6[%arg0, %add3A_24, %dma_wait3A] : memref<2x10240x128xf32, #tpu.memory_space<hbm>> -> memref<1x128x128xf32, #tpu.memory_space<hbm>>
      %dma_wait3A_35 = tpu.memref_squeeze %dma_wait3A_34 : memref<1x128x128xf32, #tpu.memory_space<hbm>> -> memref<128x128xf32, #tpu.memory_space<hbm>>
      %dma_wait3A_36 = arith.constant 0 : i32
      %dma_wait3A_37 = tpu.memref_slice %arg6[%arg0, %add3A_24, %dma_wait3A_36] : memref<2x10240x128xf32, #tpu.memory_space<hbm>> -> memref<1x128x128xf32, #tpu.memory_space<hbm>>
      %dma_wait3A_38 = tpu.memref_squeeze %dma_wait3A_37 : memref<1x128x128xf32, #tpu.memory_space<hbm>> -> memref<128x128xf32, #tpu.memory_space<hbm>>
      tpu.wait_dma2 semaphore(%run_scoped3A : memref<!tpu.dma_semaphore, #tpu.memory_space<semaphore_mem>>) src(%arg10 : memref<128x128xf32, #tpu.memory_space<vmem>>) dst(%dma_wait3A_38 : memref<128x128xf32, #tpu.memory_space<hbm>>)
      tpu.yield
    }) : () -> ()
    %add3A_25 = arith.constant 384 : i32
    %add3A_26 = arith.addi %mul3A_2, %add3A_25 : i32
    "tpu.region"() ({
      %run_scoped3A = tpu.sem_alloc : memref<!tpu.dma_semaphore, #tpu.memory_space<semaphore_mem>>
      %dma_start3A = arith.constant 0 : i32
      %dma_start3A_29 = tpu.memref_slice %arg7[%add3A_26, %dma_start3A] : memref<10240x128xf32, #tpu.memory_space<vmem_shared>> -> memref<128x128xf32, #tpu.memory_space<vmem_shared>>
      %dma_start3A_30 = arith.constant 0 : i32
      %dma_start3A_31 = tpu.memref_slice %arg7[%add3A_26, %dma_start3A_30] : memref<10240x128xf32, #tpu.memory_space<vmem_shared>> -> memref<128x128xf32, #tpu.memory_space<vmem_shared>>
      tpu.enqueue_dma source(%dma_start3A_31 : memref<128x128xf32, #tpu.memory_space<vmem_shared>>) target(%arg10 : memref<128x128xf32, #tpu.memory_space<vmem>>) target_semaphore(%run_scoped3A : memref<!tpu.dma_semaphore, #tpu.memory_space<semaphore_mem>>)
      %dma_wait3A = arith.constant 0 : i32
      %dma_wait3A_32 = tpu.memref_slice %arg7[%add3A_26, %dma_wait3A] : memref<10240x128xf32, #tpu.memory_space<vmem_shared>> -> memref<128x128xf32, #tpu.memory_space<vmem_shared>>
      %dma_wait3A_33 = arith.constant 0 : i32
      %dma_wait3A_34 = tpu.memref_slice %arg7[%add3A_26, %dma_wait3A_33] : memref<10240x128xf32, #tpu.memory_space<vmem_shared>> -> memref<128x128xf32, #tpu.memory_space<vmem_shared>>
      tpu.wait_dma2 semaphore(%run_scoped3A : memref<!tpu.dma_semaphore, #tpu.memory_space<semaphore_mem>>) src(%dma_wait3A_34 : memref<128x128xf32, #tpu.memory_space<vmem_shared>>) dst(%arg10 : memref<128x128xf32, #tpu.memory_space<vmem>>)
      tpu.yield
    }) : () -> ()
    "tpu.region"() ({
      %run_scoped3A = tpu.sem_alloc : memref<!tpu.dma_semaphore, #tpu.memory_space<semaphore_mem>>
      %dma_start3A = arith.constant 0 : i32
      %dma_start3A_29 = tpu.memref_slice %arg6[%arg0, %add3A_26, %dma_start3A] : memref<2x10240x128xf32, #tpu.memory_space<hbm>> -> memref<1x128x128xf32, #tpu.memory_space<hbm>>
      %dma_start3A_30 = tpu.memref_squeeze %dma_start3A_29 : memref<1x128x128xf32, #tpu.memory_space<hbm>> -> memref<128x128xf32, #tpu.memory_space<hbm>>
      %dma_start3A_31 = arith.constant 0 : i32
      %dma_start3A_32 = tpu.memref_slice %arg6[%arg0, %add3A_26, %dma_start3A_31] : memref<2x10240x128xf32, #tpu.memory_space<hbm>> -> memref<1x128x128xf32, #tpu.memory_space<hbm>>
      %dma_start3A_33 = tpu.memref_squeeze %dma_start3A_32 : memref<1x128x128xf32, #tpu.memory_space<hbm>> -> memref<128x128xf32, #tpu.memory_space<hbm>>
      tpu.enqueue_dma source(%arg10 : memref<128x128xf32, #tpu.memory_space<vmem>>) target(%dma_start3A_33 : memref<128x128xf32, #tpu.memory_space<hbm>>) target_semaphore(%run_scoped3A : memref<!tpu.dma_semaphore, #tpu.memory_space<semaphore_mem>>)
      %dma_wait3A = arith.constant 0 : i32
      %dma_wait3A_34 = tpu.memref_slice %arg6[%arg0, %add3A_26, %dma_wait3A] : memref<2x10240x128xf32, #tpu.memory_space<hbm>> -> memref<1x128x128xf32, #tpu.memory_space<hbm>>
      %dma_wait3A_35 = tpu.memref_squeeze %dma_wait3A_34 : memref<1x128x128xf32, #tpu.memory_space<hbm>> -> memref<128x128xf32, #tpu.memory_space<hbm>>
      %dma_wait3A_36 = arith.constant 0 : i32
      %dma_wait3A_37 = tpu.memref_slice %arg6[%arg0, %add3A_26, %dma_wait3A_36] : memref<2x10240x128xf32, #tpu.memory_space<hbm>> -> memref<1x128x128xf32, #tpu.memory_space<hbm>>
      %dma_wait3A_38 = tpu.memref_squeeze %dma_wait3A_37 : memref<1x128x128xf32, #tpu.memory_space<hbm>> -> memref<128x128xf32, #tpu.memory_space<hbm>>
      tpu.wait_dma2 semaphore(%run_scoped3A : memref<!tpu.dma_semaphore, #tpu.memory_space<semaphore_mem>>) src(%arg10 : memref<128x128xf32, #tpu.memory_space<vmem>>) dst(%dma_wait3A_38 : memref<128x128xf32, #tpu.memory_space<hbm>>)
      tpu.yield
    }) : () -> ()
    %add3A_27 = arith.constant 512 : i32
    %add3A_28 = arith.addi %mul3A_2, %add3A_27 : i32
    "tpu.region"() ({
      %run_scoped3A = tpu.sem_alloc : memref<!tpu.dma_semaphore, #tpu.memory_space<semaphore_mem>>
      %dma_start3A = arith.constant 0 : i32
      %dma_start3A_29 = tpu.memref_slice %arg7[%add3A_28, %dma_start3A] : memref<10240x128xf32, #tpu.memory_space<vmem_shared>> -> memref<128x128xf32, #tpu.memory_space<vmem_shared>>
      %dma_start3A_30 = arith.constant 0 : i32
      %dma_start3A_31 = tpu.memref_slice %arg7[%add3A_28, %dma_start3A_30] : memref<10240x128xf32, #tpu.memory_space<vmem_shared>> -> memref<128x128xf32, #tpu.memory_space<vmem_shared>>
      tpu.enqueue_dma source(%dma_start3A_31 : memref<128x128xf32, #tpu.memory_space<vmem_shared>>) target(%arg10 : memref<128x128xf32, #tpu.memory_space<vmem>>) target_semaphore(%run_scoped3A : memref<!tpu.dma_semaphore, #tpu.memory_space<semaphore_mem>>)
      %dma_wait3A = arith.constant 0 : i32
      %dma_wait3A_32 = tpu.memref_slice %arg7[%add3A_28, %dma_wait3A] : memref<10240x128xf32, #tpu.memory_space<vmem_shared>> -> memref<128x128xf32, #tpu.memory_space<vmem_shared>>
      %dma_wait3A_33 = arith.constant 0 : i32
      %dma_wait3A_34 = tpu.memref_slice %arg7[%add3A_28, %dma_wait3A_33] : memref<10240x128xf32, #tpu.memory_space<vmem_shared>> -> memref<128x128xf32, #tpu.memory_space<vmem_shared>>
      tpu.wait_dma2 semaphore(%run_scoped3A : memref<!tpu.dma_semaphore, #tpu.memory_space<semaphore_mem>>) src(%dma_wait3A_34 : memref<128x128xf32, #tpu.memory_space<vmem_shared>>) dst(%arg10 : memref<128x128xf32, #tpu.memory_space<vmem>>)
      tpu.yield
    }) : () -> ()
    "tpu.region"() ({
      %run_scoped3A = tpu.sem_alloc : memref<!tpu.dma_semaphore, #tpu.memory_space<semaphore_mem>>
      %dma_start3A = arith.constant 0 : i32
      %dma_start3A_29 = tpu.memref_slice %arg6[%arg0, %add3A_28, %dma_start3A] : memref<2x10240x128xf32, #tpu.memory_space<hbm>> -> memref<1x128x128xf32, #tpu.memory_space<hbm>>
      %dma_start3A_30 = tpu.memref_squeeze %dma_start3A_29 : memref<1x128x128xf32, #tpu.memory_space<hbm>> -> memref<128x128xf32, #tpu.memory_space<hbm>>
      %dma_start3A_31 = arith.constant 0 : i32
      %dma_start3A_32 = tpu.memref_slice %arg6[%arg0, %add3A_28, %dma_start3A_31] : memref<2x10240x128xf32, #tpu.memory_space<hbm>> -> memref<1x128x128xf32, #tpu.memory_space<hbm>>
      %dma_start3A_33 = tpu.memref_squeeze %dma_start3A_32 : memref<1x128x128xf32, #tpu.memory_space<hbm>> -> memref<128x128xf32, #tpu.memory_space<hbm>>
      tpu.enqueue_dma source(%arg10 : memref<128x128xf32, #tpu.memory_space<vmem>>) target(%dma_start3A_33 : memref<128x128xf32, #tpu.memory_space<hbm>>) target_semaphore(%run_scoped3A : memref<!tpu.dma_semaphore, #tpu.memory_space<semaphore_mem>>)
      %dma_wait3A = arith.constant 0 : i32
      %dma_wait3A_34 = tpu.memref_slice %arg6[%arg0, %add3A_28, %dma_wait3A] : memref<2x10240x128xf32, #tpu.memory_space<hbm>> -> memref<1x128x128xf32, #tpu.memory_space<hbm>>
      %dma_wait3A_35 = tpu.memref_squeeze %dma_wait3A_34 : memref<1x128x128xf32, #tpu.memory_space<hbm>> -> memref<128x128xf32, #tpu.memory_space<hbm>>
      %dma_wait3A_36 = arith.constant 0 : i32
      %dma_wait3A_37 = tpu.memref_slice %arg6[%arg0, %add3A_28, %dma_wait3A_36] : memref<2x10240x128xf32, #tpu.memory_space<hbm>> -> memref<1x128x128xf32, #tpu.memory_space<hbm>>
      %dma_wait3A_38 = tpu.memref_squeeze %dma_wait3A_37 : memref<1x128x128xf32, #tpu.memory_space<hbm>> -> memref<128x128xf32, #tpu.memory_space<hbm>>
      tpu.wait_dma2 semaphore(%run_scoped3A : memref<!tpu.dma_semaphore, #tpu.memory_space<semaphore_mem>>) src(%arg10 : memref<128x128xf32, #tpu.memory_space<vmem>>) dst(%dma_wait3A_38 : memref<128x128xf32, #tpu.memory_space<hbm>>)
      tpu.yield
    }) : () -> ()
    return
  }
}

#map = affine_map<(d0, d1) -> (0, 0)>
#map1 = affine_map<(d0, d1) -> (0, 0, 0)>
module attributes {stable_mosaic.version = 14 : i64} {
  func.func @_sc_agg(%arg0: i32, %arg1: i32, %arg2: memref<10240x128xf32, #tpu.memory_space<hbm>>, %arg3: memref<32x79x128xi32, #tpu.memory_space<hbm>>, %arg4: memref<32x79x128xi32, #tpu.memory_space<hbm>>, %arg5: memref<128x128xf32, #tpu.memory_space<hbm>>, %arg6: memref<2x10240x128xf32, #tpu.memory_space<hbm>>, %arg7: memref<10240x128xf32, #tpu.memory_space<vmem_shared>>, %arg8: memref<128xi32, #tpu.memory_space<vmem>>, %arg9: memref<128xi32, #tpu.memory_space<vmem>>, %arg10: memref<128x128xf32, #tpu.memory_space<vmem>>, %arg11: memref<!tpu.dma_semaphore, #tpu.memory_space<semaphore_mem>>) attributes {dimension_semantics = [#tpu.dimension_semantics<core_parallel>, #tpu.dimension_semantics<subcore_parallel>], iteration_bounds = array<i64: 2, 16>, scalar_prefetch = 0 : i64, scratch_operands = 5 : i64, tpu.core_type = #tpu.core_type<sc_vector_subcore>, window_params = [{transform_indices = #map}, {transform_indices = #map1}, {transform_indices = #map1}, {transform_indices = #map}, {transform_indices = #map1}]} {
    %mul3A = arith.constant 16 : i32
    %mul3A_0 = arith.muli %arg0, %mul3A : i32
    %add3A = arith.addi %mul3A_0, %arg1 : i32
    %mul3A_1 = arith.constant 640 : i32
    %mul3A_2 = arith.muli %arg1, %mul3A_1 : i32
    "tpu.region"() ({
      %run_scoped3A = tpu.sem_alloc : memref<!tpu.dma_semaphore, #tpu.memory_space<semaphore_mem>>
      tpu.enqueue_dma source(%arg5 : memref<128x128xf32, #tpu.memory_space<hbm>>) target(%arg10 : memref<128x128xf32, #tpu.memory_space<vmem>>) target_semaphore(%run_scoped3A : memref<!tpu.dma_semaphore, #tpu.memory_space<semaphore_mem>>)
      tpu.wait_dma2 semaphore(%run_scoped3A : memref<!tpu.dma_semaphore, #tpu.memory_space<semaphore_mem>>) src(%arg5 : memref<128x128xf32, #tpu.memory_space<hbm>>) dst(%arg10 : memref<128x128xf32, #tpu.memory_space<vmem>>)
      tpu.yield
    }) : () -> ()
    %add3A_3 = arith.constant 0 : i32
    %add3A_4 = arith.addi %mul3A_2, %add3A_3 : i32
    "tpu.region"() ({
      %run_scoped3A = tpu.sem_alloc : memref<!tpu.dma_semaphore, #tpu.memory_space<semaphore_mem>>
      %dma_start3A = arith.constant 0 : i32
      %dma_start3A_29 = tpu.memref_slice %arg7[%add3A_4, %dma_start3A] : memref<10240x128xf32, #tpu.memory_space<vmem_shared>> -> memref<128x128xf32, #tpu.memory_space<vmem_shared>>
      %dma_start3A_30 = arith.constant 0 : i32
      %dma_start3A_31 = tpu.memref_slice %arg7[%add3A_4, %dma_start3A_30] : memref<10240x128xf32, #tpu.memory_space<vmem_shared>> -> memref<128x128xf32, #tpu.memory_space<vmem_shared>>
      tpu.enqueue_dma source(%arg10 : memref<128x128xf32, #tpu.memory_space<vmem>>) target(%dma_start3A_31 : memref<128x128xf32, #tpu.memory_space<vmem_shared>>) target_semaphore(%run_scoped3A : memref<!tpu.dma_semaphore, #tpu.memory_space<semaphore_mem>>)
      %dma_wait3A = arith.constant 0 : i32
      %dma_wait3A_32 = tpu.memref_slice %arg7[%add3A_4, %dma_wait3A] : memref<10240x128xf32, #tpu.memory_space<vmem_shared>> -> memref<128x128xf32, #tpu.memory_space<vmem_shared>>
      %dma_wait3A_33 = arith.constant 0 : i32
      %dma_wait3A_34 = tpu.memref_slice %arg7[%add3A_4, %dma_wait3A_33] : memref<10240x128xf32, #tpu.memory_space<vmem_shared>> -> memref<128x128xf32, #tpu.memory_space<vmem_shared>>
      tpu.wait_dma2 semaphore(%run_scoped3A : memref<!tpu.dma_semaphore, #tpu.memory_space<semaphore_mem>>) src(%arg10 : memref<128x128xf32, #tpu.memory_space<vmem>>) dst(%dma_wait3A_34 : memref<128x128xf32, #tpu.memory_space<vmem_shared>>)
      tpu.yield
    }) : () -> ()
    %add3A_5 = arith.constant 128 : i32
    %add3A_6 = arith.addi %mul3A_2, %add3A_5 : i32
    "tpu.region"() ({
      %run_scoped3A = tpu.sem_alloc : memref<!tpu.dma_semaphore, #tpu.memory_space<semaphore_mem>>
      %dma_start3A = arith.constant 0 : i32
      %dma_start3A_29 = tpu.memref_slice %arg7[%add3A_6, %dma_start3A] : memref<10240x128xf32, #tpu.memory_space<vmem_shared>> -> memref<128x128xf32, #tpu.memory_space<vmem_shared>>
      %dma_start3A_30 = arith.constant 0 : i32
      %dma_start3A_31 = tpu.memref_slice %arg7[%add3A_6, %dma_start3A_30] : memref<10240x128xf32, #tpu.memory_space<vmem_shared>> -> memref<128x128xf32, #tpu.memory_space<vmem_shared>>
      tpu.enqueue_dma source(%arg10 : memref<128x128xf32, #tpu.memory_space<vmem>>) target(%dma_start3A_31 : memref<128x128xf32, #tpu.memory_space<vmem_shared>>) target_semaphore(%run_scoped3A : memref<!tpu.dma_semaphore, #tpu.memory_space<semaphore_mem>>)
      %dma_wait3A = arith.constant 0 : i32
      %dma_wait3A_32 = tpu.memref_slice %arg7[%add3A_6, %dma_wait3A] : memref<10240x128xf32, #tpu.memory_space<vmem_shared>> -> memref<128x128xf32, #tpu.memory_space<vmem_shared>>
      %dma_wait3A_33 = arith.constant 0 : i32
      %dma_wait3A_34 = tpu.memref_slice %arg7[%add3A_6, %dma_wait3A_33] : memref<10240x128xf32, #tpu.memory_space<vmem_shared>> -> memref<128x128xf32, #tpu.memory_space<vmem_shared>>
      tpu.wait_dma2 semaphore(%run_scoped3A : memref<!tpu.dma_semaphore, #tpu.memory_space<semaphore_mem>>) src(%arg10 : memref<128x128xf32, #tpu.memory_space<vmem>>) dst(%dma_wait3A_34 : memref<128x128xf32, #tpu.memory_space<vmem_shared>>)
      tpu.yield
    }) : () -> ()
    %add3A_7 = arith.constant 256 : i32
    %add3A_8 = arith.addi %mul3A_2, %add3A_7 : i32
    "tpu.region"() ({
      %run_scoped3A = tpu.sem_alloc : memref<!tpu.dma_semaphore, #tpu.memory_space<semaphore_mem>>
      %dma_start3A = arith.constant 0 : i32
      %dma_start3A_29 = tpu.memref_slice %arg7[%add3A_8, %dma_start3A] : memref<10240x128xf32, #tpu.memory_space<vmem_shared>> -> memref<128x128xf32, #tpu.memory_space<vmem_shared>>
      %dma_start3A_30 = arith.constant 0 : i32
      %dma_start3A_31 = tpu.memref_slice %arg7[%add3A_8, %dma_start3A_30] : memref<10240x128xf32, #tpu.memory_space<vmem_shared>> -> memref<128x128xf32, #tpu.memory_space<vmem_shared>>
      tpu.enqueue_dma source(%arg10 : memref<128x128xf32, #tpu.memory_space<vmem>>) target(%dma_start3A_31 : memref<128x128xf32, #tpu.memory_space<vmem_shared>>) target_semaphore(%run_scoped3A : memref<!tpu.dma_semaphore, #tpu.memory_space<semaphore_mem>>)
      %dma_wait3A = arith.constant 0 : i32
      %dma_wait3A_32 = tpu.memref_slice %arg7[%add3A_8, %dma_wait3A] : memref<10240x128xf32, #tpu.memory_space<vmem_shared>> -> memref<128x128xf32, #tpu.memory_space<vmem_shared>>
      %dma_wait3A_33 = arith.constant 0 : i32
      %dma_wait3A_34 = tpu.memref_slice %arg7[%add3A_8, %dma_wait3A_33] : memref<10240x128xf32, #tpu.memory_space<vmem_shared>> -> memref<128x128xf32, #tpu.memory_space<vmem_shared>>
      tpu.wait_dma2 semaphore(%run_scoped3A : memref<!tpu.dma_semaphore, #tpu.memory_space<semaphore_mem>>) src(%arg10 : memref<128x128xf32, #tpu.memory_space<vmem>>) dst(%dma_wait3A_34 : memref<128x128xf32, #tpu.memory_space<vmem_shared>>)
      tpu.yield
    }) : () -> ()
    %add3A_9 = arith.constant 384 : i32
    %add3A_10 = arith.addi %mul3A_2, %add3A_9 : i32
    "tpu.region"() ({
      %run_scoped3A = tpu.sem_alloc : memref<!tpu.dma_semaphore, #tpu.memory_space<semaphore_mem>>
      %dma_start3A = arith.constant 0 : i32
      %dma_start3A_29 = tpu.memref_slice %arg7[%add3A_10, %dma_start3A] : memref<10240x128xf32, #tpu.memory_space<vmem_shared>> -> memref<128x128xf32, #tpu.memory_space<vmem_shared>>
      %dma_start3A_30 = arith.constant 0 : i32
      %dma_start3A_31 = tpu.memref_slice %arg7[%add3A_10, %dma_start3A_30] : memref<10240x128xf32, #tpu.memory_space<vmem_shared>> -> memref<128x128xf32, #tpu.memory_space<vmem_shared>>
      tpu.enqueue_dma source(%arg10 : memref<128x128xf32, #tpu.memory_space<vmem>>) target(%dma_start3A_31 : memref<128x128xf32, #tpu.memory_space<vmem_shared>>) target_semaphore(%run_scoped3A : memref<!tpu.dma_semaphore, #tpu.memory_space<semaphore_mem>>)
      %dma_wait3A = arith.constant 0 : i32
      %dma_wait3A_32 = tpu.memref_slice %arg7[%add3A_10, %dma_wait3A] : memref<10240x128xf32, #tpu.memory_space<vmem_shared>> -> memref<128x128xf32, #tpu.memory_space<vmem_shared>>
      %dma_wait3A_33 = arith.constant 0 : i32
      %dma_wait3A_34 = tpu.memref_slice %arg7[%add3A_10, %dma_wait3A_33] : memref<10240x128xf32, #tpu.memory_space<vmem_shared>> -> memref<128x128xf32, #tpu.memory_space<vmem_shared>>
      tpu.wait_dma2 semaphore(%run_scoped3A : memref<!tpu.dma_semaphore, #tpu.memory_space<semaphore_mem>>) src(%arg10 : memref<128x128xf32, #tpu.memory_space<vmem>>) dst(%dma_wait3A_34 : memref<128x128xf32, #tpu.memory_space<vmem_shared>>)
      tpu.yield
    }) : () -> ()
    %add3A_11 = arith.constant 512 : i32
    %add3A_12 = arith.addi %mul3A_2, %add3A_11 : i32
    "tpu.region"() ({
      %run_scoped3A = tpu.sem_alloc : memref<!tpu.dma_semaphore, #tpu.memory_space<semaphore_mem>>
      %dma_start3A = arith.constant 0 : i32
      %dma_start3A_29 = tpu.memref_slice %arg7[%add3A_12, %dma_start3A] : memref<10240x128xf32, #tpu.memory_space<vmem_shared>> -> memref<128x128xf32, #tpu.memory_space<vmem_shared>>
      %dma_start3A_30 = arith.constant 0 : i32
      %dma_start3A_31 = tpu.memref_slice %arg7[%add3A_12, %dma_start3A_30] : memref<10240x128xf32, #tpu.memory_space<vmem_shared>> -> memref<128x128xf32, #tpu.memory_space<vmem_shared>>
      tpu.enqueue_dma source(%arg10 : memref<128x128xf32, #tpu.memory_space<vmem>>) target(%dma_start3A_31 : memref<128x128xf32, #tpu.memory_space<vmem_shared>>) target_semaphore(%run_scoped3A : memref<!tpu.dma_semaphore, #tpu.memory_space<semaphore_mem>>)
      %dma_wait3A = arith.constant 0 : i32
      %dma_wait3A_32 = tpu.memref_slice %arg7[%add3A_12, %dma_wait3A] : memref<10240x128xf32, #tpu.memory_space<vmem_shared>> -> memref<128x128xf32, #tpu.memory_space<vmem_shared>>
      %dma_wait3A_33 = arith.constant 0 : i32
      %dma_wait3A_34 = tpu.memref_slice %arg7[%add3A_12, %dma_wait3A_33] : memref<10240x128xf32, #tpu.memory_space<vmem_shared>> -> memref<128x128xf32, #tpu.memory_space<vmem_shared>>
      tpu.wait_dma2 semaphore(%run_scoped3A : memref<!tpu.dma_semaphore, #tpu.memory_space<semaphore_mem>>) src(%arg10 : memref<128x128xf32, #tpu.memory_space<vmem>>) dst(%dma_wait3A_34 : memref<128x128xf32, #tpu.memory_space<vmem_shared>>)
      tpu.yield
    }) : () -> ()
    %barrier3A = arith.constant 0 : index
    tpu.barrier barrier_id(%barrier3A)
    %scan3A = arith.constant 0 : i32
    %scan3A_13 = arith.constant 0 : i32
    %scan3A_14 = arith.constant 79 : i32
    %scan3A_15 = arith.addi %scan3A_13, %scan3A_14 : i32
    %scan3A_16 = arith.constant 1 : i32
    scf.for %scan3A_29 = %scan3A_13 to %scan3A_15 step %scan3A_16  : i32 {
      "tpu.region"() ({
        %run_scoped3A = tpu.sem_alloc : memref<!tpu.dma_semaphore, #tpu.memory_space<semaphore_mem>>
        %dma_start3A_34 = arith.constant 0 : i32
        %dma_start3A_35 = tpu.memref_slice %arg3[%add3A, %scan3A_29, %dma_start3A_34] : memref<32x79x128xi32, #tpu.memory_space<hbm>> -> memref<1x1x128xi32, #tpu.memory_space<hbm>>
        %dma_start3A_36 = tpu.memref_squeeze %dma_start3A_35 : memref<1x1x128xi32, #tpu.memory_space<hbm>> -> memref<128xi32, #tpu.memory_space<hbm>>
        %dma_start3A_37 = arith.constant 0 : i32
        %dma_start3A_38 = tpu.memref_slice %arg3[%add3A, %scan3A_29, %dma_start3A_37] : memref<32x79x128xi32, #tpu.memory_space<hbm>> -> memref<1x1x128xi32, #tpu.memory_space<hbm>>
        %dma_start3A_39 = tpu.memref_squeeze %dma_start3A_38 : memref<1x1x128xi32, #tpu.memory_space<hbm>> -> memref<128xi32, #tpu.memory_space<hbm>>
        tpu.enqueue_dma source(%dma_start3A_39 : memref<128xi32, #tpu.memory_space<hbm>>) target(%arg8 : memref<128xi32, #tpu.memory_space<vmem>>) target_semaphore(%run_scoped3A : memref<!tpu.dma_semaphore, #tpu.memory_space<semaphore_mem>>)
        %dma_wait3A_40 = arith.constant 0 : i32
        %dma_wait3A_41 = tpu.memref_slice %arg3[%add3A, %scan3A_29, %dma_wait3A_40] : memref<32x79x128xi32, #tpu.memory_space<hbm>> -> memref<1x1x128xi32, #tpu.memory_space<hbm>>
        %dma_wait3A_42 = tpu.memref_squeeze %dma_wait3A_41 : memref<1x1x128xi32, #tpu.memory_space<hbm>> -> memref<128xi32, #tpu.memory_space<hbm>>
        %dma_wait3A_43 = arith.constant 0 : i32
        %dma_wait3A_44 = tpu.memref_slice %arg3[%add3A, %scan3A_29, %dma_wait3A_43] : memref<32x79x128xi32, #tpu.memory_space<hbm>> -> memref<1x1x128xi32, #tpu.memory_space<hbm>>
        %dma_wait3A_45 = tpu.memref_squeeze %dma_wait3A_44 : memref<1x1x128xi32, #tpu.memory_space<hbm>> -> memref<128xi32, #tpu.memory_space<hbm>>
        tpu.wait_dma2 semaphore(%run_scoped3A : memref<!tpu.dma_semaphore, #tpu.memory_space<semaphore_mem>>) src(%dma_wait3A_45 : memref<128xi32, #tpu.memory_space<hbm>>) dst(%arg8 : memref<128xi32, #tpu.memory_space<vmem>>)
        tpu.yield
      }) : () -> ()
      "tpu.region"() ({
        %run_scoped3A = tpu.sem_alloc : memref<!tpu.dma_semaphore, #tpu.memory_space<semaphore_mem>>
        %dma_start3A_34 = arith.constant 0 : i32
        %dma_start3A_35 = tpu.memref_slice %arg4[%add3A, %scan3A_29, %dma_start3A_34] : memref<32x79x128xi32, #tpu.memory_space<hbm>> -> memref<1x1x128xi32, #tpu.memory_space<hbm>>
        %dma_start3A_36 = tpu.memref_squeeze %dma_start3A_35 : memref<1x1x128xi32, #tpu.memory_space<hbm>> -> memref<128xi32, #tpu.memory_space<hbm>>
        %dma_start3A_37 = arith.constant 0 : i32
        %dma_start3A_38 = tpu.memref_slice %arg4[%add3A, %scan3A_29, %dma_start3A_37] : memref<32x79x128xi32, #tpu.memory_space<hbm>> -> memref<1x1x128xi32, #tpu.memory_space<hbm>>
        %dma_start3A_39 = tpu.memref_squeeze %dma_start3A_38 : memref<1x1x128xi32, #tpu.memory_space<hbm>> -> memref<128xi32, #tpu.memory_space<hbm>>
        tpu.enqueue_dma source(%dma_start3A_39 : memref<128xi32, #tpu.memory_space<hbm>>) target(%arg9 : memref<128xi32, #tpu.memory_space<vmem>>) target_semaphore(%run_scoped3A : memref<!tpu.dma_semaphore, #tpu.memory_space<semaphore_mem>>)
        %dma_wait3A_40 = arith.constant 0 : i32
        %dma_wait3A_41 = tpu.memref_slice %arg4[%add3A, %scan3A_29, %dma_wait3A_40] : memref<32x79x128xi32, #tpu.memory_space<hbm>> -> memref<1x1x128xi32, #tpu.memory_space<hbm>>
        %dma_wait3A_42 = tpu.memref_squeeze %dma_wait3A_41 : memref<1x1x128xi32, #tpu.memory_space<hbm>> -> memref<128xi32, #tpu.memory_space<hbm>>
        %dma_wait3A_43 = arith.constant 0 : i32
        %dma_wait3A_44 = tpu.memref_slice %arg4[%add3A, %scan3A_29, %dma_wait3A_43] : memref<32x79x128xi32, #tpu.memory_space<hbm>> -> memref<1x1x128xi32, #tpu.memory_space<hbm>>
        %dma_wait3A_45 = tpu.memref_squeeze %dma_wait3A_44 : memref<1x1x128xi32, #tpu.memory_space<hbm>> -> memref<128xi32, #tpu.memory_space<hbm>>
        tpu.wait_dma2 semaphore(%run_scoped3A : memref<!tpu.dma_semaphore, #tpu.memory_space<semaphore_mem>>) src(%dma_wait3A_45 : memref<128xi32, #tpu.memory_space<hbm>>) dst(%arg9 : memref<128xi32, #tpu.memory_space<vmem>>)
        tpu.yield
      }) : () -> ()
      %dma_start3A = arith.constant 0 : i32
      %dma_start3A_30 = arith.constant 0 : i32
      %dma_start3A_31 = tpu.memref_slice %arg2[%dma_start3A, %dma_start3A_30] : memref<10240x128xf32, #tpu.memory_space<hbm>> -> memref<10240x128xf32, #tpu.memory_space<hbm>>
      tpu.enqueue_indirect_dma source(%dma_start3A_31 : memref<10240x128xf32, #tpu.memory_space<hbm>>) target(%arg10 : memref<128x128xf32, #tpu.memory_space<vmem>>) offsets(%arg8 : memref<128xi32, #tpu.memory_space<vmem>>) semaphore(%arg11 : memref<!tpu.dma_semaphore, #tpu.memory_space<semaphore_mem>>)
      %dma_wait3A = arith.constant 0 : i32
      %dma_wait3A_32 = arith.constant 0 : i32
      %dma_wait3A_33 = tpu.memref_slice %arg2[%dma_wait3A, %dma_wait3A_32] : memref<10240x128xf32, #tpu.memory_space<hbm>> -> memref<10240x128xf32, #tpu.memory_space<hbm>>
      tpu.wait_indirect_dma semaphore(%arg11 : memref<!tpu.dma_semaphore, #tpu.memory_space<semaphore_mem>>) src(%dma_wait3A_33 : memref<10240x128xf32, #tpu.memory_space<hbm>>) dst(%arg10 : memref<128x128xf32, #tpu.memory_space<vmem>>)
      "tpu.region"() ({
        %run_scoped3A = tpu.sem_alloc : memref<!tpu.dma_semaphore, #tpu.memory_space<semaphore_mem>>
        %dma_start3A_34 = arith.constant 0 : i32
        %dma_start3A_35 = arith.constant 0 : i32
        %dma_start3A_36 = tpu.memref_slice %arg7[%dma_start3A_34, %dma_start3A_35] : memref<10240x128xf32, #tpu.memory_space<vmem_shared>> -> memref<10240x128xf32, #tpu.memory_space<vmem_shared>>
        tpu.enqueue_indirect_dma source(%arg10 : memref<128x128xf32, #tpu.memory_space<vmem>>) target(%dma_start3A_36 : memref<10240x128xf32, #tpu.memory_space<vmem_shared>>) offsets(%arg9 : memref<128xi32, #tpu.memory_space<vmem>>) semaphore(%run_scoped3A : memref<!tpu.dma_semaphore, #tpu.memory_space<semaphore_mem>>) {add = true}
        %dma_wait3A_37 = arith.constant 0 : i32
        %dma_wait3A_38 = arith.constant 0 : i32
        %dma_wait3A_39 = tpu.memref_slice %arg7[%dma_wait3A_37, %dma_wait3A_38] : memref<10240x128xf32, #tpu.memory_space<vmem_shared>> -> memref<10240x128xf32, #tpu.memory_space<vmem_shared>>
        tpu.wait_indirect_dma semaphore(%run_scoped3A : memref<!tpu.dma_semaphore, #tpu.memory_space<semaphore_mem>>) src(%arg10 : memref<128x128xf32, #tpu.memory_space<vmem>>) dst(%dma_wait3A_39 : memref<10240x128xf32, #tpu.memory_space<vmem_shared>>)
        tpu.yield
      }) : () -> ()
    }
    %scan3A_17 = arith.constant 79 : i32
    %barrier3A_18 = arith.constant 0 : index
    tpu.barrier barrier_id(%barrier3A_18)
    %add3A_19 = arith.constant 0 : i32
    %add3A_20 = arith.addi %mul3A_2, %add3A_19 : i32
    "tpu.region"() ({
      %run_scoped3A = tpu.sem_alloc : memref<!tpu.dma_semaphore, #tpu.memory_space<semaphore_mem>>
      %dma_start3A = arith.constant 0 : i32
      %dma_start3A_29 = tpu.memref_slice %arg7[%add3A_20, %dma_start3A] : memref<10240x128xf32, #tpu.memory_space<vmem_shared>> -> memref<128x128xf32, #tpu.memory_space<vmem_shared>>
      %dma_start3A_30 = arith.constant 0 : i32
      %dma_start3A_31 = tpu.memref_slice %arg7[%add3A_20, %dma_start3A_30] : memref<10240x128xf32, #tpu.memory_space<vmem_shared>> -> memref<128x128xf32, #tpu.memory_space<vmem_shared>>
      tpu.enqueue_dma source(%dma_start3A_31 : memref<128x128xf32, #tpu.memory_space<vmem_shared>>) target(%arg10 : memref<128x128xf32, #tpu.memory_space<vmem>>) target_semaphore(%run_scoped3A : memref<!tpu.dma_semaphore, #tpu.memory_space<semaphore_mem>>)
      %dma_wait3A = arith.constant 0 : i32
      %dma_wait3A_32 = tpu.memref_slice %arg7[%add3A_20, %dma_wait3A] : memref<10240x128xf32, #tpu.memory_space<vmem_shared>> -> memref<128x128xf32, #tpu.memory_space<vmem_shared>>
      %dma_wait3A_33 = arith.constant 0 : i32
      %dma_wait3A_34 = tpu.memref_slice %arg7[%add3A_20, %dma_wait3A_33] : memref<10240x128xf32, #tpu.memory_space<vmem_shared>> -> memref<128x128xf32, #tpu.memory_space<vmem_shared>>
      tpu.wait_dma2 semaphore(%run_scoped3A : memref<!tpu.dma_semaphore, #tpu.memory_space<semaphore_mem>>) src(%dma_wait3A_34 : memref<128x128xf32, #tpu.memory_space<vmem_shared>>) dst(%arg10 : memref<128x128xf32, #tpu.memory_space<vmem>>)
      tpu.yield
    }) : () -> ()
    "tpu.region"() ({
      %run_scoped3A = tpu.sem_alloc : memref<!tpu.dma_semaphore, #tpu.memory_space<semaphore_mem>>
      %dma_start3A = arith.constant 0 : i32
      %dma_start3A_29 = tpu.memref_slice %arg6[%arg0, %add3A_20, %dma_start3A] : memref<2x10240x128xf32, #tpu.memory_space<hbm>> -> memref<1x128x128xf32, #tpu.memory_space<hbm>>
      %dma_start3A_30 = tpu.memref_squeeze %dma_start3A_29 : memref<1x128x128xf32, #tpu.memory_space<hbm>> -> memref<128x128xf32, #tpu.memory_space<hbm>>
      %dma_start3A_31 = arith.constant 0 : i32
      %dma_start3A_32 = tpu.memref_slice %arg6[%arg0, %add3A_20, %dma_start3A_31] : memref<2x10240x128xf32, #tpu.memory_space<hbm>> -> memref<1x128x128xf32, #tpu.memory_space<hbm>>
      %dma_start3A_33 = tpu.memref_squeeze %dma_start3A_32 : memref<1x128x128xf32, #tpu.memory_space<hbm>> -> memref<128x128xf32, #tpu.memory_space<hbm>>
      tpu.enqueue_dma source(%arg10 : memref<128x128xf32, #tpu.memory_space<vmem>>) target(%dma_start3A_33 : memref<128x128xf32, #tpu.memory_space<hbm>>) target_semaphore(%run_scoped3A : memref<!tpu.dma_semaphore, #tpu.memory_space<semaphore_mem>>)
      %dma_wait3A = arith.constant 0 : i32
      %dma_wait3A_34 = tpu.memref_slice %arg6[%arg0, %add3A_20, %dma_wait3A] : memref<2x10240x128xf32, #tpu.memory_space<hbm>> -> memref<1x128x128xf32, #tpu.memory_space<hbm>>
      %dma_wait3A_35 = tpu.memref_squeeze %dma_wait3A_34 : memref<1x128x128xf32, #tpu.memory_space<hbm>> -> memref<128x128xf32, #tpu.memory_space<hbm>>
      %dma_wait3A_36 = arith.constant 0 : i32
      %dma_wait3A_37 = tpu.memref_slice %arg6[%arg0, %add3A_20, %dma_wait3A_36] : memref<2x10240x128xf32, #tpu.memory_space<hbm>> -> memref<1x128x128xf32, #tpu.memory_space<hbm>>
      %dma_wait3A_38 = tpu.memref_squeeze %dma_wait3A_37 : memref<1x128x128xf32, #tpu.memory_space<hbm>> -> memref<128x128xf32, #tpu.memory_space<hbm>>
      tpu.wait_dma2 semaphore(%run_scoped3A : memref<!tpu.dma_semaphore, #tpu.memory_space<semaphore_mem>>) src(%arg10 : memref<128x128xf32, #tpu.memory_space<vmem>>) dst(%dma_wait3A_38 : memref<128x128xf32, #tpu.memory_space<hbm>>)
      tpu.yield
    }) : () -> ()
    %add3A_21 = arith.constant 128 : i32
    %add3A_22 = arith.addi %mul3A_2, %add3A_21 : i32
    "tpu.region"() ({
      %run_scoped3A = tpu.sem_alloc : memref<!tpu.dma_semaphore, #tpu.memory_space<semaphore_mem>>
      %dma_start3A = arith.constant 0 : i32
      %dma_start3A_29 = tpu.memref_slice %arg7[%add3A_22, %dma_start3A] : memref<10240x128xf32, #tpu.memory_space<vmem_shared>> -> memref<128x128xf32, #tpu.memory_space<vmem_shared>>
      %dma_start3A_30 = arith.constant 0 : i32
      %dma_start3A_31 = tpu.memref_slice %arg7[%add3A_22, %dma_start3A_30] : memref<10240x128xf32, #tpu.memory_space<vmem_shared>> -> memref<128x128xf32, #tpu.memory_space<vmem_shared>>
      tpu.enqueue_dma source(%dma_start3A_31 : memref<128x128xf32, #tpu.memory_space<vmem_shared>>) target(%arg10 : memref<128x128xf32, #tpu.memory_space<vmem>>) target_semaphore(%run_scoped3A : memref<!tpu.dma_semaphore, #tpu.memory_space<semaphore_mem>>)
      %dma_wait3A = arith.constant 0 : i32
      %dma_wait3A_32 = tpu.memref_slice %arg7[%add3A_22, %dma_wait3A] : memref<10240x128xf32, #tpu.memory_space<vmem_shared>> -> memref<128x128xf32, #tpu.memory_space<vmem_shared>>
      %dma_wait3A_33 = arith.constant 0 : i32
      %dma_wait3A_34 = tpu.memref_slice %arg7[%add3A_22, %dma_wait3A_33] : memref<10240x128xf32, #tpu.memory_space<vmem_shared>> -> memref<128x128xf32, #tpu.memory_space<vmem_shared>>
      tpu.wait_dma2 semaphore(%run_scoped3A : memref<!tpu.dma_semaphore, #tpu.memory_space<semaphore_mem>>) src(%dma_wait3A_34 : memref<128x128xf32, #tpu.memory_space<vmem_shared>>) dst(%arg10 : memref<128x128xf32, #tpu.memory_space<vmem>>)
      tpu.yield
    }) : () -> ()
    "tpu.region"() ({
      %run_scoped3A = tpu.sem_alloc : memref<!tpu.dma_semaphore, #tpu.memory_space<semaphore_mem>>
      %dma_start3A = arith.constant 0 : i32
      %dma_start3A_29 = tpu.memref_slice %arg6[%arg0, %add3A_22, %dma_start3A] : memref<2x10240x128xf32, #tpu.memory_space<hbm>> -> memref<1x128x128xf32, #tpu.memory_space<hbm>>
      %dma_start3A_30 = tpu.memref_squeeze %dma_start3A_29 : memref<1x128x128xf32, #tpu.memory_space<hbm>> -> memref<128x128xf32, #tpu.memory_space<hbm>>
      %dma_start3A_31 = arith.constant 0 : i32
      %dma_start3A_32 = tpu.memref_slice %arg6[%arg0, %add3A_22, %dma_start3A_31] : memref<2x10240x128xf32, #tpu.memory_space<hbm>> -> memref<1x128x128xf32, #tpu.memory_space<hbm>>
      %dma_start3A_33 = tpu.memref_squeeze %dma_start3A_32 : memref<1x128x128xf32, #tpu.memory_space<hbm>> -> memref<128x128xf32, #tpu.memory_space<hbm>>
      tpu.enqueue_dma source(%arg10 : memref<128x128xf32, #tpu.memory_space<vmem>>) target(%dma_start3A_33 : memref<128x128xf32, #tpu.memory_space<hbm>>) target_semaphore(%run_scoped3A : memref<!tpu.dma_semaphore, #tpu.memory_space<semaphore_mem>>)
      %dma_wait3A = arith.constant 0 : i32
      %dma_wait3A_34 = tpu.memref_slice %arg6[%arg0, %add3A_22, %dma_wait3A] : memref<2x10240x128xf32, #tpu.memory_space<hbm>> -> memref<1x128x128xf32, #tpu.memory_space<hbm>>
      %dma_wait3A_35 = tpu.memref_squeeze %dma_wait3A_34 : memref<1x128x128xf32, #tpu.memory_space<hbm>> -> memref<128x128xf32, #tpu.memory_space<hbm>>
      %dma_wait3A_36 = arith.constant 0 : i32
      %dma_wait3A_37 = tpu.memref_slice %arg6[%arg0, %add3A_22, %dma_wait3A_36] : memref<2x10240x128xf32, #tpu.memory_space<hbm>> -> memref<1x128x128xf32, #tpu.memory_space<hbm>>
      %dma_wait3A_38 = tpu.memref_squeeze %dma_wait3A_37 : memref<1x128x128xf32, #tpu.memory_space<hbm>> -> memref<128x128xf32, #tpu.memory_space<hbm>>
      tpu.wait_dma2 semaphore(%run_scoped3A : memref<!tpu.dma_semaphore, #tpu.memory_space<semaphore_mem>>) src(%arg10 : memref<128x128xf32, #tpu.memory_space<vmem>>) dst(%dma_wait3A_38 : memref<128x128xf32, #tpu.memory_space<hbm>>)
      tpu.yield
    }) : () -> ()
    %add3A_23 = arith.constant 256 : i32
    %add3A_24 = arith.addi %mul3A_2, %add3A_23 : i32
    "tpu.region"() ({
      %run_scoped3A = tpu.sem_alloc : memref<!tpu.dma_semaphore, #tpu.memory_space<semaphore_mem>>
      %dma_start3A = arith.constant 0 : i32
      %dma_start3A_29 = tpu.memref_slice %arg7[%add3A_24, %dma_start3A] : memref<10240x128xf32, #tpu.memory_space<vmem_shared>> -> memref<128x128xf32, #tpu.memory_space<vmem_shared>>
      %dma_start3A_30 = arith.constant 0 : i32
      %dma_start3A_31 = tpu.memref_slice %arg7[%add3A_24, %dma_start3A_30] : memref<10240x128xf32, #tpu.memory_space<vmem_shared>> -> memref<128x128xf32, #tpu.memory_space<vmem_shared>>
      tpu.enqueue_dma source(%dma_start3A_31 : memref<128x128xf32, #tpu.memory_space<vmem_shared>>) target(%arg10 : memref<128x128xf32, #tpu.memory_space<vmem>>) target_semaphore(%run_scoped3A : memref<!tpu.dma_semaphore, #tpu.memory_space<semaphore_mem>>)
      %dma_wait3A = arith.constant 0 : i32
      %dma_wait3A_32 = tpu.memref_slice %arg7[%add3A_24, %dma_wait3A] : memref<10240x128xf32, #tpu.memory_space<vmem_shared>> -> memref<128x128xf32, #tpu.memory_space<vmem_shared>>
      %dma_wait3A_33 = arith.constant 0 : i32
      %dma_wait3A_34 = tpu.memref_slice %arg7[%add3A_24, %dma_wait3A_33] : memref<10240x128xf32, #tpu.memory_space<vmem_shared>> -> memref<128x128xf32, #tpu.memory_space<vmem_shared>>
      tpu.wait_dma2 semaphore(%run_scoped3A : memref<!tpu.dma_semaphore, #tpu.memory_space<semaphore_mem>>) src(%dma_wait3A_34 : memref<128x128xf32, #tpu.memory_space<vmem_shared>>) dst(%arg10 : memref<128x128xf32, #tpu.memory_space<vmem>>)
      tpu.yield
    }) : () -> ()
    "tpu.region"() ({
      %run_scoped3A = tpu.sem_alloc : memref<!tpu.dma_semaphore, #tpu.memory_space<semaphore_mem>>
      %dma_start3A = arith.constant 0 : i32
      %dma_start3A_29 = tpu.memref_slice %arg6[%arg0, %add3A_24, %dma_start3A] : memref<2x10240x128xf32, #tpu.memory_space<hbm>> -> memref<1x128x128xf32, #tpu.memory_space<hbm>>
      %dma_start3A_30 = tpu.memref_squeeze %dma_start3A_29 : memref<1x128x128xf32, #tpu.memory_space<hbm>> -> memref<128x128xf32, #tpu.memory_space<hbm>>
      %dma_start3A_31 = arith.constant 0 : i32
      %dma_start3A_32 = tpu.memref_slice %arg6[%arg0, %add3A_24, %dma_start3A_31] : memref<2x10240x128xf32, #tpu.memory_space<hbm>> -> memref<1x128x128xf32, #tpu.memory_space<hbm>>
      %dma_start3A_33 = tpu.memref_squeeze %dma_start3A_32 : memref<1x128x128xf32, #tpu.memory_space<hbm>> -> memref<128x128xf32, #tpu.memory_space<hbm>>
      tpu.enqueue_dma source(%arg10 : memref<128x128xf32, #tpu.memory_space<vmem>>) target(%dma_start3A_33 : memref<128x128xf32, #tpu.memory_space<hbm>>) target_semaphore(%run_scoped3A : memref<!tpu.dma_semaphore, #tpu.memory_space<semaphore_mem>>)
      %dma_wait3A = arith.constant 0 : i32
      %dma_wait3A_34 = tpu.memref_slice %arg6[%arg0, %add3A_24, %dma_wait3A] : memref<2x10240x128xf32, #tpu.memory_space<hbm>> -> memref<1x128x128xf32, #tpu.memory_space<hbm>>
      %dma_wait3A_35 = tpu.memref_squeeze %dma_wait3A_34 : memref<1x128x128xf32, #tpu.memory_space<hbm>> -> memref<128x128xf32, #tpu.memory_space<hbm>>
      %dma_wait3A_36 = arith.constant 0 : i32
      %dma_wait3A_37 = tpu.memref_slice %arg6[%arg0, %add3A_24, %dma_wait3A_36] : memref<2x10240x128xf32, #tpu.memory_space<hbm>> -> memref<1x128x128xf32, #tpu.memory_space<hbm>>
      %dma_wait3A_38 = tpu.memref_squeeze %dma_wait3A_37 : memref<1x128x128xf32, #tpu.memory_space<hbm>> -> memref<128x128xf32, #tpu.memory_space<hbm>>
      tpu.wait_dma2 semaphore(%run_scoped3A : memref<!tpu.dma_semaphore, #tpu.memory_space<semaphore_mem>>) src(%arg10 : memref<128x128xf32, #tpu.memory_space<vmem>>) dst(%dma_wait3A_38 : memref<128x128xf32, #tpu.memory_space<hbm>>)
      tpu.yield
    }) : () -> ()
    %add3A_25 = arith.constant 384 : i32
    %add3A_26 = arith.addi %mul3A_2, %add3A_25 : i32
    "tpu.region"() ({
      %run_scoped3A = tpu.sem_alloc : memref<!tpu.dma_semaphore, #tpu.memory_space<semaphore_mem>>
      %dma_start3A = arith.constant 0 : i32
      %dma_start3A_29 = tpu.memref_slice %arg7[%add3A_26, %dma_start3A] : memref<10240x128xf32, #tpu.memory_space<vmem_shared>> -> memref<128x128xf32, #tpu.memory_space<vmem_shared>>
      %dma_start3A_30 = arith.constant 0 : i32
      %dma_start3A_31 = tpu.memref_slice %arg7[%add3A_26, %dma_start3A_30] : memref<10240x128xf32, #tpu.memory_space<vmem_shared>> -> memref<128x128xf32, #tpu.memory_space<vmem_shared>>
      tpu.enqueue_dma source(%dma_start3A_31 : memref<128x128xf32, #tpu.memory_space<vmem_shared>>) target(%arg10 : memref<128x128xf32, #tpu.memory_space<vmem>>) target_semaphore(%run_scoped3A : memref<!tpu.dma_semaphore, #tpu.memory_space<semaphore_mem>>)
      %dma_wait3A = arith.constant 0 : i32
      %dma_wait3A_32 = tpu.memref_slice %arg7[%add3A_26, %dma_wait3A] : memref<10240x128xf32, #tpu.memory_space<vmem_shared>> -> memref<128x128xf32, #tpu.memory_space<vmem_shared>>
      %dma_wait3A_33 = arith.constant 0 : i32
      %dma_wait3A_34 = tpu.memref_slice %arg7[%add3A_26, %dma_wait3A_33] : memref<10240x128xf32, #tpu.memory_space<vmem_shared>> -> memref<128x128xf32, #tpu.memory_space<vmem_shared>>
      tpu.wait_dma2 semaphore(%run_scoped3A : memref<!tpu.dma_semaphore, #tpu.memory_space<semaphore_mem>>) src(%dma_wait3A_34 : memref<128x128xf32, #tpu.memory_space<vmem_shared>>) dst(%arg10 : memref<128x128xf32, #tpu.memory_space<vmem>>)
      tpu.yield
    }) : () -> ()
    "tpu.region"() ({
      %run_scoped3A = tpu.sem_alloc : memref<!tpu.dma_semaphore, #tpu.memory_space<semaphore_mem>>
      %dma_start3A = arith.constant 0 : i32
      %dma_start3A_29 = tpu.memref_slice %arg6[%arg0, %add3A_26, %dma_start3A] : memref<2x10240x128xf32, #tpu.memory_space<hbm>> -> memref<1x128x128xf32, #tpu.memory_space<hbm>>
      %dma_start3A_30 = tpu.memref_squeeze %dma_start3A_29 : memref<1x128x128xf32, #tpu.memory_space<hbm>> -> memref<128x128xf32, #tpu.memory_space<hbm>>
      %dma_start3A_31 = arith.constant 0 : i32
      %dma_start3A_32 = tpu.memref_slice %arg6[%arg0, %add3A_26, %dma_start3A_31] : memref<2x10240x128xf32, #tpu.memory_space<hbm>> -> memref<1x128x128xf32, #tpu.memory_space<hbm>>
      %dma_start3A_33 = tpu.memref_squeeze %dma_start3A_32 : memref<1x128x128xf32, #tpu.memory_space<hbm>> -> memref<128x128xf32, #tpu.memory_space<hbm>>
      tpu.enqueue_dma source(%arg10 : memref<128x128xf32, #tpu.memory_space<vmem>>) target(%dma_start3A_33 : memref<128x128xf32, #tpu.memory_space<hbm>>) target_semaphore(%run_scoped3A : memref<!tpu.dma_semaphore, #tpu.memory_space<semaphore_mem>>)
      %dma_wait3A = arith.constant 0 : i32
      %dma_wait3A_34 = tpu.memref_slice %arg6[%arg0, %add3A_26, %dma_wait3A] : memref<2x10240x128xf32, #tpu.memory_space<hbm>> -> memref<1x128x128xf32, #tpu.memory_space<hbm>>
      %dma_wait3A_35 = tpu.memref_squeeze %dma_wait3A_34 : memref<1x128x128xf32, #tpu.memory_space<hbm>> -> memref<128x128xf32, #tpu.memory_space<hbm>>
      %dma_wait3A_36 = arith.constant 0 : i32
      %dma_wait3A_37 = tpu.memref_slice %arg6[%arg0, %add3A_26, %dma_wait3A_36] : memref<2x10240x128xf32, #tpu.memory_space<hbm>> -> memref<1x128x128xf32, #tpu.memory_space<hbm>>
      %dma_wait3A_38 = tpu.memref_squeeze %dma_wait3A_37 : memref<1x128x128xf32, #tpu.memory_space<hbm>> -> memref<128x128xf32, #tpu.memory_space<hbm>>
      tpu.wait_dma2 semaphore(%run_scoped3A : memref<!tpu.dma_semaphore, #tpu.memory_space<semaphore_mem>>) src(%arg10 : memref<128x128xf32, #tpu.memory_space<vmem>>) dst(%dma_wait3A_38 : memref<128x128xf32, #tpu.memory_space<hbm>>)
      tpu.yield
    }) : () -> ()
    %add3A_27 = arith.constant 512 : i32
    %add3A_28 = arith.addi %mul3A_2, %add3A_27 : i32
    "tpu.region"() ({
      %run_scoped3A = tpu.sem_alloc : memref<!tpu.dma_semaphore, #tpu.memory_space<semaphore_mem>>
      %dma_start3A = arith.constant 0 : i32
      %dma_start3A_29 = tpu.memref_slice %arg7[%add3A_28, %dma_start3A] : memref<10240x128xf32, #tpu.memory_space<vmem_shared>> -> memref<128x128xf32, #tpu.memory_space<vmem_shared>>
      %dma_start3A_30 = arith.constant 0 : i32
      %dma_start3A_31 = tpu.memref_slice %arg7[%add3A_28, %dma_start3A_30] : memref<10240x128xf32, #tpu.memory_space<vmem_shared>> -> memref<128x128xf32, #tpu.memory_space<vmem_shared>>
      tpu.enqueue_dma source(%dma_start3A_31 : memref<128x128xf32, #tpu.memory_space<vmem_shared>>) target(%arg10 : memref<128x128xf32, #tpu.memory_space<vmem>>) target_semaphore(%run_scoped3A : memref<!tpu.dma_semaphore, #tpu.memory_space<semaphore_mem>>)
      %dma_wait3A = arith.constant 0 : i32
      %dma_wait3A_32 = tpu.memref_slice %arg7[%add3A_28, %dma_wait3A] : memref<10240x128xf32, #tpu.memory_space<vmem_shared>> -> memref<128x128xf32, #tpu.memory_space<vmem_shared>>
      %dma_wait3A_33 = arith.constant 0 : i32
      %dma_wait3A_34 = tpu.memref_slice %arg7[%add3A_28, %dma_wait3A_33] : memref<10240x128xf32, #tpu.memory_space<vmem_shared>> -> memref<128x128xf32, #tpu.memory_space<vmem_shared>>
      tpu.wait_dma2 semaphore(%run_scoped3A : memref<!tpu.dma_semaphore, #tpu.memory_space<semaphore_mem>>) src(%dma_wait3A_34 : memref<128x128xf32, #tpu.memory_space<vmem_shared>>) dst(%arg10 : memref<128x128xf32, #tpu.memory_space<vmem>>)
      tpu.yield
    }) : () -> ()
    "tpu.region"() ({
      %run_scoped3A = tpu.sem_alloc : memref<!tpu.dma_semaphore, #tpu.memory_space<semaphore_mem>>
      %dma_start3A = arith.constant 0 : i32
      %dma_start3A_29 = tpu.memref_slice %arg6[%arg0, %add3A_28, %dma_start3A] : memref<2x10240x128xf32, #tpu.memory_space<hbm>> -> memref<1x128x128xf32, #tpu.memory_space<hbm>>
      %dma_start3A_30 = tpu.memref_squeeze %dma_start3A_29 : memref<1x128x128xf32, #tpu.memory_space<hbm>> -> memref<128x128xf32, #tpu.memory_space<hbm>>
      %dma_start3A_31 = arith.constant 0 : i32
      %dma_start3A_32 = tpu.memref_slice %arg6[%arg0, %add3A_28, %dma_start3A_31] : memref<2x10240x128xf32, #tpu.memory_space<hbm>> -> memref<1x128x128xf32, #tpu.memory_space<hbm>>
      %dma_start3A_33 = tpu.memref_squeeze %dma_start3A_32 : memref<1x128x128xf32, #tpu.memory_space<hbm>> -> memref<128x128xf32, #tpu.memory_space<hbm>>
      tpu.enqueue_dma source(%arg10 : memref<128x128xf32, #tpu.memory_space<vmem>>) target(%dma_start3A_33 : memref<128x128xf32, #tpu.memory_space<hbm>>) target_semaphore(%run_scoped3A : memref<!tpu.dma_semaphore, #tpu.memory_space<semaphore_mem>>)
      %dma_wait3A = arith.constant 0 : i32
      %dma_wait3A_34 = tpu.memref_slice %arg6[%arg0, %add3A_28, %dma_wait3A] : memref<2x10240x128xf32, #tpu.memory_space<hbm>> -> memref<1x128x128xf32, #tpu.memory_space<hbm>>
      %dma_wait3A_35 = tpu.memref_squeeze %dma_wait3A_34 : memref<1x128x128xf32, #tpu.memory_space<hbm>> -> memref<128x128xf32, #tpu.memory_space<hbm>>
      %dma_wait3A_36 = arith.constant 0 : i32
      %dma_wait3A_37 = tpu.memref_slice %arg6[%arg0, %add3A_28, %dma_wait3A_36] : memref<2x10240x128xf32, #tpu.memory_space<hbm>> -> memref<1x128x128xf32, #tpu.memory_space<hbm>>
      %dma_wait3A_38 = tpu.memref_squeeze %dma_wait3A_37 : memref<1x128x128xf32, #tpu.memory_space<hbm>> -> memref<128x128xf32, #tpu.memory_space<hbm>>
      tpu.wait_dma2 semaphore(%run_scoped3A : memref<!tpu.dma_semaphore, #tpu.memory_space<semaphore_mem>>) src(%arg10 : memref<128x128xf32, #tpu.memory_space<vmem>>) dst(%dma_wait3A_38 : memref<128x128xf32, #tpu.memory_space<hbm>>)
      tpu.yield
    }) : () -> ()
    return
  }
}

#map = affine_map<(d0, d1) -> (0, 0)>
#map1 = affine_map<(d0, d1) -> (0, 0, 0)>
module attributes {stable_mosaic.version = 14 : i64} {
  func.func @_sc_agg(%arg0: i32, %arg1: i32, %arg2: memref<10240x128xf32, #tpu.memory_space<hbm>>, %arg3: memref<32x79x128xi32, #tpu.memory_space<hbm>>, %arg4: memref<32x79x128xi32, #tpu.memory_space<hbm>>, %arg5: memref<128x128xf32, #tpu.memory_space<hbm>>, %arg6: memref<2x10240x128xf32, #tpu.memory_space<hbm>>, %arg7: memref<10240x128xf32, #tpu.memory_space<vmem_shared>>, %arg8: memref<128xi32, #tpu.memory_space<vmem>>, %arg9: memref<128xi32, #tpu.memory_space<vmem>>, %arg10: memref<128x128xf32, #tpu.memory_space<vmem>>, %arg11: memref<!tpu.dma_semaphore, #tpu.memory_space<semaphore_mem>>) attributes {dimension_semantics = [#tpu.dimension_semantics<core_parallel>, #tpu.dimension_semantics<subcore_parallel>], iteration_bounds = array<i64: 2, 16>, scalar_prefetch = 0 : i64, scratch_operands = 5 : i64, tpu.core_type = #tpu.core_type<sc_vector_subcore>, window_params = [{transform_indices = #map}, {transform_indices = #map1}, {transform_indices = #map1}, {transform_indices = #map}, {transform_indices = #map1}]} {
    %mul3A = arith.constant 16 : i32
    %mul3A_0 = arith.muli %arg0, %mul3A : i32
    %add3A = arith.addi %mul3A_0, %arg1 : i32
    %mul3A_1 = arith.constant 640 : i32
    %mul3A_2 = arith.muli %arg1, %mul3A_1 : i32
    "tpu.region"() ({
      %run_scoped3A = tpu.sem_alloc : memref<!tpu.dma_semaphore, #tpu.memory_space<semaphore_mem>>
      tpu.enqueue_dma source(%arg5 : memref<128x128xf32, #tpu.memory_space<hbm>>) target(%arg10 : memref<128x128xf32, #tpu.memory_space<vmem>>) target_semaphore(%run_scoped3A : memref<!tpu.dma_semaphore, #tpu.memory_space<semaphore_mem>>)
      tpu.wait_dma2 semaphore(%run_scoped3A : memref<!tpu.dma_semaphore, #tpu.memory_space<semaphore_mem>>) src(%arg5 : memref<128x128xf32, #tpu.memory_space<hbm>>) dst(%arg10 : memref<128x128xf32, #tpu.memory_space<vmem>>)
      tpu.yield
    }) : () -> ()
    %add3A_3 = arith.constant 0 : i32
    %add3A_4 = arith.addi %mul3A_2, %add3A_3 : i32
    "tpu.region"() ({
      %run_scoped3A = tpu.sem_alloc : memref<!tpu.dma_semaphore, #tpu.memory_space<semaphore_mem>>
      %dma_start3A = arith.constant 0 : i32
      %dma_start3A_29 = tpu.memref_slice %arg7[%add3A_4, %dma_start3A] : memref<10240x128xf32, #tpu.memory_space<vmem_shared>> -> memref<128x128xf32, #tpu.memory_space<vmem_shared>>
      %dma_start3A_30 = arith.constant 0 : i32
      %dma_start3A_31 = tpu.memref_slice %arg7[%add3A_4, %dma_start3A_30] : memref<10240x128xf32, #tpu.memory_space<vmem_shared>> -> memref<128x128xf32, #tpu.memory_space<vmem_shared>>
      tpu.enqueue_dma source(%arg10 : memref<128x128xf32, #tpu.memory_space<vmem>>) target(%dma_start3A_31 : memref<128x128xf32, #tpu.memory_space<vmem_shared>>) target_semaphore(%run_scoped3A : memref<!tpu.dma_semaphore, #tpu.memory_space<semaphore_mem>>)
      %dma_wait3A = arith.constant 0 : i32
      %dma_wait3A_32 = tpu.memref_slice %arg7[%add3A_4, %dma_wait3A] : memref<10240x128xf32, #tpu.memory_space<vmem_shared>> -> memref<128x128xf32, #tpu.memory_space<vmem_shared>>
      %dma_wait3A_33 = arith.constant 0 : i32
      %dma_wait3A_34 = tpu.memref_slice %arg7[%add3A_4, %dma_wait3A_33] : memref<10240x128xf32, #tpu.memory_space<vmem_shared>> -> memref<128x128xf32, #tpu.memory_space<vmem_shared>>
      tpu.wait_dma2 semaphore(%run_scoped3A : memref<!tpu.dma_semaphore, #tpu.memory_space<semaphore_mem>>) src(%arg10 : memref<128x128xf32, #tpu.memory_space<vmem>>) dst(%dma_wait3A_34 : memref<128x128xf32, #tpu.memory_space<vmem_shared>>)
      tpu.yield
    }) : () -> ()
    %add3A_5 = arith.constant 128 : i32
    %add3A_6 = arith.addi %mul3A_2, %add3A_5 : i32
    "tpu.region"() ({
      %run_scoped3A = tpu.sem_alloc : memref<!tpu.dma_semaphore, #tpu.memory_space<semaphore_mem>>
      %dma_start3A = arith.constant 0 : i32
      %dma_start3A_29 = tpu.memref_slice %arg7[%add3A_6, %dma_start3A] : memref<10240x128xf32, #tpu.memory_space<vmem_shared>> -> memref<128x128xf32, #tpu.memory_space<vmem_shared>>
      %dma_start3A_30 = arith.constant 0 : i32
      %dma_start3A_31 = tpu.memref_slice %arg7[%add3A_6, %dma_start3A_30] : memref<10240x128xf32, #tpu.memory_space<vmem_shared>> -> memref<128x128xf32, #tpu.memory_space<vmem_shared>>
      tpu.enqueue_dma source(%arg10 : memref<128x128xf32, #tpu.memory_space<vmem>>) target(%dma_start3A_31 : memref<128x128xf32, #tpu.memory_space<vmem_shared>>) target_semaphore(%run_scoped3A : memref<!tpu.dma_semaphore, #tpu.memory_space<semaphore_mem>>)
      %dma_wait3A = arith.constant 0 : i32
      %dma_wait3A_32 = tpu.memref_slice %arg7[%add3A_6, %dma_wait3A] : memref<10240x128xf32, #tpu.memory_space<vmem_shared>> -> memref<128x128xf32, #tpu.memory_space<vmem_shared>>
      %dma_wait3A_33 = arith.constant 0 : i32
      %dma_wait3A_34 = tpu.memref_slice %arg7[%add3A_6, %dma_wait3A_33] : memref<10240x128xf32, #tpu.memory_space<vmem_shared>> -> memref<128x128xf32, #tpu.memory_space<vmem_shared>>
      tpu.wait_dma2 semaphore(%run_scoped3A : memref<!tpu.dma_semaphore, #tpu.memory_space<semaphore_mem>>) src(%arg10 : memref<128x128xf32, #tpu.memory_space<vmem>>) dst(%dma_wait3A_34 : memref<128x128xf32, #tpu.memory_space<vmem_shared>>)
      tpu.yield
    }) : () -> ()
    %add3A_7 = arith.constant 256 : i32
    %add3A_8 = arith.addi %mul3A_2, %add3A_7 : i32
    "tpu.region"() ({
      %run_scoped3A = tpu.sem_alloc : memref<!tpu.dma_semaphore, #tpu.memory_space<semaphore_mem>>
      %dma_start3A = arith.constant 0 : i32
      %dma_start3A_29 = tpu.memref_slice %arg7[%add3A_8, %dma_start3A] : memref<10240x128xf32, #tpu.memory_space<vmem_shared>> -> memref<128x128xf32, #tpu.memory_space<vmem_shared>>
      %dma_start3A_30 = arith.constant 0 : i32
      %dma_start3A_31 = tpu.memref_slice %arg7[%add3A_8, %dma_start3A_30] : memref<10240x128xf32, #tpu.memory_space<vmem_shared>> -> memref<128x128xf32, #tpu.memory_space<vmem_shared>>
      tpu.enqueue_dma source(%arg10 : memref<128x128xf32, #tpu.memory_space<vmem>>) target(%dma_start3A_31 : memref<128x128xf32, #tpu.memory_space<vmem_shared>>) target_semaphore(%run_scoped3A : memref<!tpu.dma_semaphore, #tpu.memory_space<semaphore_mem>>)
      %dma_wait3A = arith.constant 0 : i32
      %dma_wait3A_32 = tpu.memref_slice %arg7[%add3A_8, %dma_wait3A] : memref<10240x128xf32, #tpu.memory_space<vmem_shared>> -> memref<128x128xf32, #tpu.memory_space<vmem_shared>>
      %dma_wait3A_33 = arith.constant 0 : i32
      %dma_wait3A_34 = tpu.memref_slice %arg7[%add3A_8, %dma_wait3A_33] : memref<10240x128xf32, #tpu.memory_space<vmem_shared>> -> memref<128x128xf32, #tpu.memory_space<vmem_shared>>
      tpu.wait_dma2 semaphore(%run_scoped3A : memref<!tpu.dma_semaphore, #tpu.memory_space<semaphore_mem>>) src(%arg10 : memref<128x128xf32, #tpu.memory_space<vmem>>) dst(%dma_wait3A_34 : memref<128x128xf32, #tpu.memory_space<vmem_shared>>)
      tpu.yield
    }) : () -> ()
    %add3A_9 = arith.constant 384 : i32
    %add3A_10 = arith.addi %mul3A_2, %add3A_9 : i32
    "tpu.region"() ({
      %run_scoped3A = tpu.sem_alloc : memref<!tpu.dma_semaphore, #tpu.memory_space<semaphore_mem>>
      %dma_start3A = arith.constant 0 : i32
      %dma_start3A_29 = tpu.memref_slice %arg7[%add3A_10, %dma_start3A] : memref<10240x128xf32, #tpu.memory_space<vmem_shared>> -> memref<128x128xf32, #tpu.memory_space<vmem_shared>>
      %dma_start3A_30 = arith.constant 0 : i32
      %dma_start3A_31 = tpu.memref_slice %arg7[%add3A_10, %dma_start3A_30] : memref<10240x128xf32, #tpu.memory_space<vmem_shared>> -> memref<128x128xf32, #tpu.memory_space<vmem_shared>>
      tpu.enqueue_dma source(%arg10 : memref<128x128xf32, #tpu.memory_space<vmem>>) target(%dma_start3A_31 : memref<128x128xf32, #tpu.memory_space<vmem_shared>>) target_semaphore(%run_scoped3A : memref<!tpu.dma_semaphore, #tpu.memory_space<semaphore_mem>>)
      %dma_wait3A = arith.constant 0 : i32
      %dma_wait3A_32 = tpu.memref_slice %arg7[%add3A_10, %dma_wait3A] : memref<10240x128xf32, #tpu.memory_space<vmem_shared>> -> memref<128x128xf32, #tpu.memory_space<vmem_shared>>
      %dma_wait3A_33 = arith.constant 0 : i32
      %dma_wait3A_34 = tpu.memref_slice %arg7[%add3A_10, %dma_wait3A_33] : memref<10240x128xf32, #tpu.memory_space<vmem_shared>> -> memref<128x128xf32, #tpu.memory_space<vmem_shared>>
      tpu.wait_dma2 semaphore(%run_scoped3A : memref<!tpu.dma_semaphore, #tpu.memory_space<semaphore_mem>>) src(%arg10 : memref<128x128xf32, #tpu.memory_space<vmem>>) dst(%dma_wait3A_34 : memref<128x128xf32, #tpu.memory_space<vmem_shared>>)
      tpu.yield
    }) : () -> ()
    %add3A_11 = arith.constant 512 : i32
    %add3A_12 = arith.addi %mul3A_2, %add3A_11 : i32
    "tpu.region"() ({
      %run_scoped3A = tpu.sem_alloc : memref<!tpu.dma_semaphore, #tpu.memory_space<semaphore_mem>>
      %dma_start3A = arith.constant 0 : i32
      %dma_start3A_29 = tpu.memref_slice %arg7[%add3A_12, %dma_start3A] : memref<10240x128xf32, #tpu.memory_space<vmem_shared>> -> memref<128x128xf32, #tpu.memory_space<vmem_shared>>
      %dma_start3A_30 = arith.constant 0 : i32
      %dma_start3A_31 = tpu.memref_slice %arg7[%add3A_12, %dma_start3A_30] : memref<10240x128xf32, #tpu.memory_space<vmem_shared>> -> memref<128x128xf32, #tpu.memory_space<vmem_shared>>
      tpu.enqueue_dma source(%arg10 : memref<128x128xf32, #tpu.memory_space<vmem>>) target(%dma_start3A_31 : memref<128x128xf32, #tpu.memory_space<vmem_shared>>) target_semaphore(%run_scoped3A : memref<!tpu.dma_semaphore, #tpu.memory_space<semaphore_mem>>)
      %dma_wait3A = arith.constant 0 : i32
      %dma_wait3A_32 = tpu.memref_slice %arg7[%add3A_12, %dma_wait3A] : memref<10240x128xf32, #tpu.memory_space<vmem_shared>> -> memref<128x128xf32, #tpu.memory_space<vmem_shared>>
      %dma_wait3A_33 = arith.constant 0 : i32
      %dma_wait3A_34 = tpu.memref_slice %arg7[%add3A_12, %dma_wait3A_33] : memref<10240x128xf32, #tpu.memory_space<vmem_shared>> -> memref<128x128xf32, #tpu.memory_space<vmem_shared>>
      tpu.wait_dma2 semaphore(%run_scoped3A : memref<!tpu.dma_semaphore, #tpu.memory_space<semaphore_mem>>) src(%arg10 : memref<128x128xf32, #tpu.memory_space<vmem>>) dst(%dma_wait3A_34 : memref<128x128xf32, #tpu.memory_space<vmem_shared>>)
      tpu.yield
    }) : () -> ()
    %barrier3A = arith.constant 0 : index
    tpu.barrier barrier_id(%barrier3A)
    %scan3A = arith.constant 0 : i32
    %scan3A_13 = arith.constant 0 : i32
    %scan3A_14 = arith.constant 79 : i32
    %scan3A_15 = arith.addi %scan3A_13, %scan3A_14 : i32
    %scan3A_16 = arith.constant 1 : i32
    scf.for %scan3A_29 = %scan3A_13 to %scan3A_15 step %scan3A_16  : i32 {
      "tpu.region"() ({
        %run_scoped3A = tpu.sem_alloc : memref<!tpu.dma_semaphore, #tpu.memory_space<semaphore_mem>>
        %dma_start3A_34 = arith.constant 0 : i32
        %dma_start3A_35 = tpu.memref_slice %arg3[%add3A, %scan3A_29, %dma_start3A_34] : memref<32x79x128xi32, #tpu.memory_space<hbm>> -> memref<1x1x128xi32, #tpu.memory_space<hbm>>
        %dma_start3A_36 = tpu.memref_squeeze %dma_start3A_35 : memref<1x1x128xi32, #tpu.memory_space<hbm>> -> memref<128xi32, #tpu.memory_space<hbm>>
        %dma_start3A_37 = arith.constant 0 : i32
        %dma_start3A_38 = tpu.memref_slice %arg3[%add3A, %scan3A_29, %dma_start3A_37] : memref<32x79x128xi32, #tpu.memory_space<hbm>> -> memref<1x1x128xi32, #tpu.memory_space<hbm>>
        %dma_start3A_39 = tpu.memref_squeeze %dma_start3A_38 : memref<1x1x128xi32, #tpu.memory_space<hbm>> -> memref<128xi32, #tpu.memory_space<hbm>>
        tpu.enqueue_dma source(%dma_start3A_39 : memref<128xi32, #tpu.memory_space<hbm>>) target(%arg8 : memref<128xi32, #tpu.memory_space<vmem>>) target_semaphore(%run_scoped3A : memref<!tpu.dma_semaphore, #tpu.memory_space<semaphore_mem>>)
        %dma_wait3A_40 = arith.constant 0 : i32
        %dma_wait3A_41 = tpu.memref_slice %arg3[%add3A, %scan3A_29, %dma_wait3A_40] : memref<32x79x128xi32, #tpu.memory_space<hbm>> -> memref<1x1x128xi32, #tpu.memory_space<hbm>>
        %dma_wait3A_42 = tpu.memref_squeeze %dma_wait3A_41 : memref<1x1x128xi32, #tpu.memory_space<hbm>> -> memref<128xi32, #tpu.memory_space<hbm>>
        %dma_wait3A_43 = arith.constant 0 : i32
        %dma_wait3A_44 = tpu.memref_slice %arg3[%add3A, %scan3A_29, %dma_wait3A_43] : memref<32x79x128xi32, #tpu.memory_space<hbm>> -> memref<1x1x128xi32, #tpu.memory_space<hbm>>
        %dma_wait3A_45 = tpu.memref_squeeze %dma_wait3A_44 : memref<1x1x128xi32, #tpu.memory_space<hbm>> -> memref<128xi32, #tpu.memory_space<hbm>>
        tpu.wait_dma2 semaphore(%run_scoped3A : memref<!tpu.dma_semaphore, #tpu.memory_space<semaphore_mem>>) src(%dma_wait3A_45 : memref<128xi32, #tpu.memory_space<hbm>>) dst(%arg8 : memref<128xi32, #tpu.memory_space<vmem>>)
        tpu.yield
      }) : () -> ()
      "tpu.region"() ({
        %run_scoped3A = tpu.sem_alloc : memref<!tpu.dma_semaphore, #tpu.memory_space<semaphore_mem>>
        %dma_start3A_34 = arith.constant 0 : i32
        %dma_start3A_35 = tpu.memref_slice %arg4[%add3A, %scan3A_29, %dma_start3A_34] : memref<32x79x128xi32, #tpu.memory_space<hbm>> -> memref<1x1x128xi32, #tpu.memory_space<hbm>>
        %dma_start3A_36 = tpu.memref_squeeze %dma_start3A_35 : memref<1x1x128xi32, #tpu.memory_space<hbm>> -> memref<128xi32, #tpu.memory_space<hbm>>
        %dma_start3A_37 = arith.constant 0 : i32
        %dma_start3A_38 = tpu.memref_slice %arg4[%add3A, %scan3A_29, %dma_start3A_37] : memref<32x79x128xi32, #tpu.memory_space<hbm>> -> memref<1x1x128xi32, #tpu.memory_space<hbm>>
        %dma_start3A_39 = tpu.memref_squeeze %dma_start3A_38 : memref<1x1x128xi32, #tpu.memory_space<hbm>> -> memref<128xi32, #tpu.memory_space<hbm>>
        tpu.enqueue_dma source(%dma_start3A_39 : memref<128xi32, #tpu.memory_space<hbm>>) target(%arg9 : memref<128xi32, #tpu.memory_space<vmem>>) target_semaphore(%run_scoped3A : memref<!tpu.dma_semaphore, #tpu.memory_space<semaphore_mem>>)
        %dma_wait3A_40 = arith.constant 0 : i32
        %dma_wait3A_41 = tpu.memref_slice %arg4[%add3A, %scan3A_29, %dma_wait3A_40] : memref<32x79x128xi32, #tpu.memory_space<hbm>> -> memref<1x1x128xi32, #tpu.memory_space<hbm>>
        %dma_wait3A_42 = tpu.memref_squeeze %dma_wait3A_41 : memref<1x1x128xi32, #tpu.memory_space<hbm>> -> memref<128xi32, #tpu.memory_space<hbm>>
        %dma_wait3A_43 = arith.constant 0 : i32
        %dma_wait3A_44 = tpu.memref_slice %arg4[%add3A, %scan3A_29, %dma_wait3A_43] : memref<32x79x128xi32, #tpu.memory_space<hbm>> -> memref<1x1x128xi32, #tpu.memory_space<hbm>>
        %dma_wait3A_45 = tpu.memref_squeeze %dma_wait3A_44 : memref<1x1x128xi32, #tpu.memory_space<hbm>> -> memref<128xi32, #tpu.memory_space<hbm>>
        tpu.wait_dma2 semaphore(%run_scoped3A : memref<!tpu.dma_semaphore, #tpu.memory_space<semaphore_mem>>) src(%dma_wait3A_45 : memref<128xi32, #tpu.memory_space<hbm>>) dst(%arg9 : memref<128xi32, #tpu.memory_space<vmem>>)
        tpu.yield
      }) : () -> ()
      %dma_start3A = arith.constant 0 : i32
      %dma_start3A_30 = arith.constant 0 : i32
      %dma_start3A_31 = tpu.memref_slice %arg2[%dma_start3A, %dma_start3A_30] : memref<10240x128xf32, #tpu.memory_space<hbm>> -> memref<10240x128xf32, #tpu.memory_space<hbm>>
      tpu.enqueue_indirect_dma source(%dma_start3A_31 : memref<10240x128xf32, #tpu.memory_space<hbm>>) target(%arg10 : memref<128x128xf32, #tpu.memory_space<vmem>>) offsets(%arg8 : memref<128xi32, #tpu.memory_space<vmem>>) semaphore(%arg11 : memref<!tpu.dma_semaphore, #tpu.memory_space<semaphore_mem>>)
      %dma_wait3A = arith.constant 0 : i32
      %dma_wait3A_32 = arith.constant 0 : i32
      %dma_wait3A_33 = tpu.memref_slice %arg2[%dma_wait3A, %dma_wait3A_32] : memref<10240x128xf32, #tpu.memory_space<hbm>> -> memref<10240x128xf32, #tpu.memory_space<hbm>>
      tpu.wait_indirect_dma semaphore(%arg11 : memref<!tpu.dma_semaphore, #tpu.memory_space<semaphore_mem>>) src(%dma_wait3A_33 : memref<10240x128xf32, #tpu.memory_space<hbm>>) dst(%arg10 : memref<128x128xf32, #tpu.memory_space<vmem>>)
      "tpu.region"() ({
        %run_scoped3A = tpu.sem_alloc : memref<!tpu.dma_semaphore, #tpu.memory_space<semaphore_mem>>
        %dma_start3A_34 = arith.constant 0 : i32
        %dma_start3A_35 = arith.constant 0 : i32
        %dma_start3A_36 = tpu.memref_slice %arg7[%dma_start3A_34, %dma_start3A_35] : memref<10240x128xf32, #tpu.memory_space<vmem_shared>> -> memref<10240x128xf32, #tpu.memory_space<vmem_shared>>
        tpu.enqueue_indirect_dma source(%arg10 : memref<128x128xf32, #tpu.memory_space<vmem>>) target(%dma_start3A_36 : memref<10240x128xf32, #tpu.memory_space<vmem_shared>>) offsets(%arg9 : memref<128xi32, #tpu.memory_space<vmem>>) semaphore(%run_scoped3A : memref<!tpu.dma_semaphore, #tpu.memory_space<semaphore_mem>>) {add = true}
        %dma_wait3A_37 = arith.constant 0 : i32
        %dma_wait3A_38 = arith.constant 0 : i32
        %dma_wait3A_39 = tpu.memref_slice %arg7[%dma_wait3A_37, %dma_wait3A_38] : memref<10240x128xf32, #tpu.memory_space<vmem_shared>> -> memref<10240x128xf32, #tpu.memory_space<vmem_shared>>
        tpu.wait_indirect_dma semaphore(%run_scoped3A : memref<!tpu.dma_semaphore, #tpu.memory_space<semaphore_mem>>) src(%arg10 : memref<128x128xf32, #tpu.memory_space<vmem>>) dst(%dma_wait3A_39 : memref<10240x128xf32, #tpu.memory_space<vmem_shared>>)
        tpu.yield
      }) : () -> ()
    }
    %scan3A_17 = arith.constant 79 : i32
    %barrier3A_18 = arith.constant 0 : index
    tpu.barrier barrier_id(%barrier3A_18)
    %add3A_19 = arith.constant 0 : i32
    %add3A_20 = arith.addi %mul3A_2, %add3A_19 : i32
    "tpu.region"() ({
      %run_scoped3A = tpu.sem_alloc : memref<!tpu.dma_semaphore, #tpu.memory_space<semaphore_mem>>
      %dma_start3A = arith.constant 0 : i32
      %dma_start3A_29 = tpu.memref_slice %arg7[%add3A_20, %dma_start3A] : memref<10240x128xf32, #tpu.memory_space<vmem_shared>> -> memref<128x128xf32, #tpu.memory_space<vmem_shared>>
      %dma_start3A_30 = arith.constant 0 : i32
      %dma_start3A_31 = tpu.memref_slice %arg7[%add3A_20, %dma_start3A_30] : memref<10240x128xf32, #tpu.memory_space<vmem_shared>> -> memref<128x128xf32, #tpu.memory_space<vmem_shared>>
      tpu.enqueue_dma source(%dma_start3A_31 : memref<128x128xf32, #tpu.memory_space<vmem_shared>>) target(%arg10 : memref<128x128xf32, #tpu.memory_space<vmem>>) target_semaphore(%run_scoped3A : memref<!tpu.dma_semaphore, #tpu.memory_space<semaphore_mem>>)
      %dma_wait3A = arith.constant 0 : i32
      %dma_wait3A_32 = tpu.memref_slice %arg7[%add3A_20, %dma_wait3A] : memref<10240x128xf32, #tpu.memory_space<vmem_shared>> -> memref<128x128xf32, #tpu.memory_space<vmem_shared>>
      %dma_wait3A_33 = arith.constant 0 : i32
      %dma_wait3A_34 = tpu.memref_slice %arg7[%add3A_20, %dma_wait3A_33] : memref<10240x128xf32, #tpu.memory_space<vmem_shared>> -> memref<128x128xf32, #tpu.memory_space<vmem_shared>>
      tpu.wait_dma2 semaphore(%run_scoped3A : memref<!tpu.dma_semaphore, #tpu.memory_space<semaphore_mem>>) src(%dma_wait3A_34 : memref<128x128xf32, #tpu.memory_space<vmem_shared>>) dst(%arg10 : memref<128x128xf32, #tpu.memory_space<vmem>>)
      tpu.yield
    }) : () -> ()
    "tpu.region"() ({
      %run_scoped3A = tpu.sem_alloc : memref<!tpu.dma_semaphore, #tpu.memory_space<semaphore_mem>>
      %dma_start3A = arith.constant 0 : i32
      %dma_start3A_29 = tpu.memref_slice %arg6[%arg0, %add3A_20, %dma_start3A] : memref<2x10240x128xf32, #tpu.memory_space<hbm>> -> memref<1x128x128xf32, #tpu.memory_space<hbm>>
      %dma_start3A_30 = tpu.memref_squeeze %dma_start3A_29 : memref<1x128x128xf32, #tpu.memory_space<hbm>> -> memref<128x128xf32, #tpu.memory_space<hbm>>
      %dma_start3A_31 = arith.constant 0 : i32
      %dma_start3A_32 = tpu.memref_slice %arg6[%arg0, %add3A_20, %dma_start3A_31] : memref<2x10240x128xf32, #tpu.memory_space<hbm>> -> memref<1x128x128xf32, #tpu.memory_space<hbm>>
      %dma_start3A_33 = tpu.memref_squeeze %dma_start3A_32 : memref<1x128x128xf32, #tpu.memory_space<hbm>> -> memref<128x128xf32, #tpu.memory_space<hbm>>
      tpu.enqueue_dma source(%arg10 : memref<128x128xf32, #tpu.memory_space<vmem>>) target(%dma_start3A_33 : memref<128x128xf32, #tpu.memory_space<hbm>>) target_semaphore(%run_scoped3A : memref<!tpu.dma_semaphore, #tpu.memory_space<semaphore_mem>>)
      %dma_wait3A = arith.constant 0 : i32
      %dma_wait3A_34 = tpu.memref_slice %arg6[%arg0, %add3A_20, %dma_wait3A] : memref<2x10240x128xf32, #tpu.memory_space<hbm>> -> memref<1x128x128xf32, #tpu.memory_space<hbm>>
      %dma_wait3A_35 = tpu.memref_squeeze %dma_wait3A_34 : memref<1x128x128xf32, #tpu.memory_space<hbm>> -> memref<128x128xf32, #tpu.memory_space<hbm>>
      %dma_wait3A_36 = arith.constant 0 : i32
      %dma_wait3A_37 = tpu.memref_slice %arg6[%arg0, %add3A_20, %dma_wait3A_36] : memref<2x10240x128xf32, #tpu.memory_space<hbm>> -> memref<1x128x128xf32, #tpu.memory_space<hbm>>
      %dma_wait3A_38 = tpu.memref_squeeze %dma_wait3A_37 : memref<1x128x128xf32, #tpu.memory_space<hbm>> -> memref<128x128xf32, #tpu.memory_space<hbm>>
      tpu.wait_dma2 semaphore(%run_scoped3A : memref<!tpu.dma_semaphore, #tpu.memory_space<semaphore_mem>>) src(%arg10 : memref<128x128xf32, #tpu.memory_space<vmem>>) dst(%dma_wait3A_38 : memref<128x128xf32, #tpu.memory_space<hbm>>)
      tpu.yield
    }) : () -> ()
    %add3A_21 = arith.constant 128 : i32
    %add3A_22 = arith.addi %mul3A_2, %add3A_21 : i32
    "tpu.region"() ({
      %run_scoped3A = tpu.sem_alloc : memref<!tpu.dma_semaphore, #tpu.memory_space<semaphore_mem>>
      %dma_start3A = arith.constant 0 : i32
      %dma_start3A_29 = tpu.memref_slice %arg7[%add3A_22, %dma_start3A] : memref<10240x128xf32, #tpu.memory_space<vmem_shared>> -> memref<128x128xf32, #tpu.memory_space<vmem_shared>>
      %dma_start3A_30 = arith.constant 0 : i32
      %dma_start3A_31 = tpu.memref_slice %arg7[%add3A_22, %dma_start3A_30] : memref<10240x128xf32, #tpu.memory_space<vmem_shared>> -> memref<128x128xf32, #tpu.memory_space<vmem_shared>>
      tpu.enqueue_dma source(%dma_start3A_31 : memref<128x128xf32, #tpu.memory_space<vmem_shared>>) target(%arg10 : memref<128x128xf32, #tpu.memory_space<vmem>>) target_semaphore(%run_scoped3A : memref<!tpu.dma_semaphore, #tpu.memory_space<semaphore_mem>>)
      %dma_wait3A = arith.constant 0 : i32
      %dma_wait3A_32 = tpu.memref_slice %arg7[%add3A_22, %dma_wait3A] : memref<10240x128xf32, #tpu.memory_space<vmem_shared>> -> memref<128x128xf32, #tpu.memory_space<vmem_shared>>
      %dma_wait3A_33 = arith.constant 0 : i32
      %dma_wait3A_34 = tpu.memref_slice %arg7[%add3A_22, %dma_wait3A_33] : memref<10240x128xf32, #tpu.memory_space<vmem_shared>> -> memref<128x128xf32, #tpu.memory_space<vmem_shared>>
      tpu.wait_dma2 semaphore(%run_scoped3A : memref<!tpu.dma_semaphore, #tpu.memory_space<semaphore_mem>>) src(%dma_wait3A_34 : memref<128x128xf32, #tpu.memory_space<vmem_shared>>) dst(%arg10 : memref<128x128xf32, #tpu.memory_space<vmem>>)
      tpu.yield
    }) : () -> ()
    "tpu.region"() ({
      %run_scoped3A = tpu.sem_alloc : memref<!tpu.dma_semaphore, #tpu.memory_space<semaphore_mem>>
      %dma_start3A = arith.constant 0 : i32
      %dma_start3A_29 = tpu.memref_slice %arg6[%arg0, %add3A_22, %dma_start3A] : memref<2x10240x128xf32, #tpu.memory_space<hbm>> -> memref<1x128x128xf32, #tpu.memory_space<hbm>>
      %dma_start3A_30 = tpu.memref_squeeze %dma_start3A_29 : memref<1x128x128xf32, #tpu.memory_space<hbm>> -> memref<128x128xf32, #tpu.memory_space<hbm>>
      %dma_start3A_31 = arith.constant 0 : i32
      %dma_start3A_32 = tpu.memref_slice %arg6[%arg0, %add3A_22, %dma_start3A_31] : memref<2x10240x128xf32, #tpu.memory_space<hbm>> -> memref<1x128x128xf32, #tpu.memory_space<hbm>>
      %dma_start3A_33 = tpu.memref_squeeze %dma_start3A_32 : memref<1x128x128xf32, #tpu.memory_space<hbm>> -> memref<128x128xf32, #tpu.memory_space<hbm>>
      tpu.enqueue_dma source(%arg10 : memref<128x128xf32, #tpu.memory_space<vmem>>) target(%dma_start3A_33 : memref<128x128xf32, #tpu.memory_space<hbm>>) target_semaphore(%run_scoped3A : memref<!tpu.dma_semaphore, #tpu.memory_space<semaphore_mem>>)
      %dma_wait3A = arith.constant 0 : i32
      %dma_wait3A_34 = tpu.memref_slice %arg6[%arg0, %add3A_22, %dma_wait3A] : memref<2x10240x128xf32, #tpu.memory_space<hbm>> -> memref<1x128x128xf32, #tpu.memory_space<hbm>>
      %dma_wait3A_35 = tpu.memref_squeeze %dma_wait3A_34 : memref<1x128x128xf32, #tpu.memory_space<hbm>> -> memref<128x128xf32, #tpu.memory_space<hbm>>
      %dma_wait3A_36 = arith.constant 0 : i32
      %dma_wait3A_37 = tpu.memref_slice %arg6[%arg0, %add3A_22, %dma_wait3A_36] : memref<2x10240x128xf32, #tpu.memory_space<hbm>> -> memref<1x128x128xf32, #tpu.memory_space<hbm>>
      %dma_wait3A_38 = tpu.memref_squeeze %dma_wait3A_37 : memref<1x128x128xf32, #tpu.memory_space<hbm>> -> memref<128x128xf32, #tpu.memory_space<hbm>>
      tpu.wait_dma2 semaphore(%run_scoped3A : memref<!tpu.dma_semaphore, #tpu.memory_space<semaphore_mem>>) src(%arg10 : memref<128x128xf32, #tpu.memory_space<vmem>>) dst(%dma_wait3A_38 : memref<128x128xf32, #tpu.memory_space<hbm>>)
      tpu.yield
    }) : () -> ()
    %add3A_23 = arith.constant 256 : i32
    %add3A_24 = arith.addi %mul3A_2, %add3A_23 : i32
    "tpu.region"() ({
      %run_scoped3A = tpu.sem_alloc : memref<!tpu.dma_semaphore, #tpu.memory_space<semaphore_mem>>
      %dma_start3A = arith.constant 0 : i32
      %dma_start3A_29 = tpu.memref_slice %arg7[%add3A_24, %dma_start3A] : memref<10240x128xf32, #tpu.memory_space<vmem_shared>> -> memref<128x128xf32, #tpu.memory_space<vmem_shared>>
      %dma_start3A_30 = arith.constant 0 : i32
      %dma_start3A_31 = tpu.memref_slice %arg7[%add3A_24, %dma_start3A_30] : memref<10240x128xf32, #tpu.memory_space<vmem_shared>> -> memref<128x128xf32, #tpu.memory_space<vmem_shared>>
      tpu.enqueue_dma source(%dma_start3A_31 : memref<128x128xf32, #tpu.memory_space<vmem_shared>>) target(%arg10 : memref<128x128xf32, #tpu.memory_space<vmem>>) target_semaphore(%run_scoped3A : memref<!tpu.dma_semaphore, #tpu.memory_space<semaphore_mem>>)
      %dma_wait3A = arith.constant 0 : i32
      %dma_wait3A_32 = tpu.memref_slice %arg7[%add3A_24, %dma_wait3A] : memref<10240x128xf32, #tpu.memory_space<vmem_shared>> -> memref<128x128xf32, #tpu.memory_space<vmem_shared>>
      %dma_wait3A_33 = arith.constant 0 : i32
      %dma_wait3A_34 = tpu.memref_slice %arg7[%add3A_24, %dma_wait3A_33] : memref<10240x128xf32, #tpu.memory_space<vmem_shared>> -> memref<128x128xf32, #tpu.memory_space<vmem_shared>>
      tpu.wait_dma2 semaphore(%run_scoped3A : memref<!tpu.dma_semaphore, #tpu.memory_space<semaphore_mem>>) src(%dma_wait3A_34 : memref<128x128xf32, #tpu.memory_space<vmem_shared>>) dst(%arg10 : memref<128x128xf32, #tpu.memory_space<vmem>>)
      tpu.yield
    }) : () -> ()
    "tpu.region"() ({
      %run_scoped3A = tpu.sem_alloc : memref<!tpu.dma_semaphore, #tpu.memory_space<semaphore_mem>>
      %dma_start3A = arith.constant 0 : i32
      %dma_start3A_29 = tpu.memref_slice %arg6[%arg0, %add3A_24, %dma_start3A] : memref<2x10240x128xf32, #tpu.memory_space<hbm>> -> memref<1x128x128xf32, #tpu.memory_space<hbm>>
      %dma_start3A_30 = tpu.memref_squeeze %dma_start3A_29 : memref<1x128x128xf32, #tpu.memory_space<hbm>> -> memref<128x128xf32, #tpu.memory_space<hbm>>
      %dma_start3A_31 = arith.constant 0 : i32
      %dma_start3A_32 = tpu.memref_slice %arg6[%arg0, %add3A_24, %dma_start3A_31] : memref<2x10240x128xf32, #tpu.memory_space<hbm>> -> memref<1x128x128xf32, #tpu.memory_space<hbm>>
      %dma_start3A_33 = tpu.memref_squeeze %dma_start3A_32 : memref<1x128x128xf32, #tpu.memory_space<hbm>> -> memref<128x128xf32, #tpu.memory_space<hbm>>
      tpu.enqueue_dma source(%arg10 : memref<128x128xf32, #tpu.memory_space<vmem>>) target(%dma_start3A_33 : memref<128x128xf32, #tpu.memory_space<hbm>>) target_semaphore(%run_scoped3A : memref<!tpu.dma_semaphore, #tpu.memory_space<semaphore_mem>>)
      %dma_wait3A = arith.constant 0 : i32
      %dma_wait3A_34 = tpu.memref_slice %arg6[%arg0, %add3A_24, %dma_wait3A] : memref<2x10240x128xf32, #tpu.memory_space<hbm>> -> memref<1x128x128xf32, #tpu.memory_space<hbm>>
      %dma_wait3A_35 = tpu.memref_squeeze %dma_wait3A_34 : memref<1x128x128xf32, #tpu.memory_space<hbm>> -> memref<128x128xf32, #tpu.memory_space<hbm>>
      %dma_wait3A_36 = arith.constant 0 : i32
      %dma_wait3A_37 = tpu.memref_slice %arg6[%arg0, %add3A_24, %dma_wait3A_36] : memref<2x10240x128xf32, #tpu.memory_space<hbm>> -> memref<1x128x128xf32, #tpu.memory_space<hbm>>
      %dma_wait3A_38 = tpu.memref_squeeze %dma_wait3A_37 : memref<1x128x128xf32, #tpu.memory_space<hbm>> -> memref<128x128xf32, #tpu.memory_space<hbm>>
      tpu.wait_dma2 semaphore(%run_scoped3A : memref<!tpu.dma_semaphore, #tpu.memory_space<semaphore_mem>>) src(%arg10 : memref<128x128xf32, #tpu.memory_space<vmem>>) dst(%dma_wait3A_38 : memref<128x128xf32, #tpu.memory_space<hbm>>)
      tpu.yield
    }) : () -> ()
    %add3A_25 = arith.constant 384 : i32
    %add3A_26 = arith.addi %mul3A_2, %add3A_25 : i32
    "tpu.region"() ({
      %run_scoped3A = tpu.sem_alloc : memref<!tpu.dma_semaphore, #tpu.memory_space<semaphore_mem>>
      %dma_start3A = arith.constant 0 : i32
      %dma_start3A_29 = tpu.memref_slice %arg7[%add3A_26, %dma_start3A] : memref<10240x128xf32, #tpu.memory_space<vmem_shared>> -> memref<128x128xf32, #tpu.memory_space<vmem_shared>>
      %dma_start3A_30 = arith.constant 0 : i32
      %dma_start3A_31 = tpu.memref_slice %arg7[%add3A_26, %dma_start3A_30] : memref<10240x128xf32, #tpu.memory_space<vmem_shared>> -> memref<128x128xf32, #tpu.memory_space<vmem_shared>>
      tpu.enqueue_dma source(%dma_start3A_31 : memref<128x128xf32, #tpu.memory_space<vmem_shared>>) target(%arg10 : memref<128x128xf32, #tpu.memory_space<vmem>>) target_semaphore(%run_scoped3A : memref<!tpu.dma_semaphore, #tpu.memory_space<semaphore_mem>>)
      %dma_wait3A = arith.constant 0 : i32
      %dma_wait3A_32 = tpu.memref_slice %arg7[%add3A_26, %dma_wait3A] : memref<10240x128xf32, #tpu.memory_space<vmem_shared>> -> memref<128x128xf32, #tpu.memory_space<vmem_shared>>
      %dma_wait3A_33 = arith.constant 0 : i32
      %dma_wait3A_34 = tpu.memref_slice %arg7[%add3A_26, %dma_wait3A_33] : memref<10240x128xf32, #tpu.memory_space<vmem_shared>> -> memref<128x128xf32, #tpu.memory_space<vmem_shared>>
      tpu.wait_dma2 semaphore(%run_scoped3A : memref<!tpu.dma_semaphore, #tpu.memory_space<semaphore_mem>>) src(%dma_wait3A_34 : memref<128x128xf32, #tpu.memory_space<vmem_shared>>) dst(%arg10 : memref<128x128xf32, #tpu.memory_space<vmem>>)
      tpu.yield
    }) : () -> ()
    "tpu.region"() ({
      %run_scoped3A = tpu.sem_alloc : memref<!tpu.dma_semaphore, #tpu.memory_space<semaphore_mem>>
      %dma_start3A = arith.constant 0 : i32
      %dma_start3A_29 = tpu.memref_slice %arg6[%arg0, %add3A_26, %dma_start3A] : memref<2x10240x128xf32, #tpu.memory_space<hbm>> -> memref<1x128x128xf32, #tpu.memory_space<hbm>>
      %dma_start3A_30 = tpu.memref_squeeze %dma_start3A_29 : memref<1x128x128xf32, #tpu.memory_space<hbm>> -> memref<128x128xf32, #tpu.memory_space<hbm>>
      %dma_start3A_31 = arith.constant 0 : i32
      %dma_start3A_32 = tpu.memref_slice %arg6[%arg0, %add3A_26, %dma_start3A_31] : memref<2x10240x128xf32, #tpu.memory_space<hbm>> -> memref<1x128x128xf32, #tpu.memory_space<hbm>>
      %dma_start3A_33 = tpu.memref_squeeze %dma_start3A_32 : memref<1x128x128xf32, #tpu.memory_space<hbm>> -> memref<128x128xf32, #tpu.memory_space<hbm>>
      tpu.enqueue_dma source(%arg10 : memref<128x128xf32, #tpu.memory_space<vmem>>) target(%dma_start3A_33 : memref<128x128xf32, #tpu.memory_space<hbm>>) target_semaphore(%run_scoped3A : memref<!tpu.dma_semaphore, #tpu.memory_space<semaphore_mem>>)
      %dma_wait3A = arith.constant 0 : i32
      %dma_wait3A_34 = tpu.memref_slice %arg6[%arg0, %add3A_26, %dma_wait3A] : memref<2x10240x128xf32, #tpu.memory_space<hbm>> -> memref<1x128x128xf32, #tpu.memory_space<hbm>>
      %dma_wait3A_35 = tpu.memref_squeeze %dma_wait3A_34 : memref<1x128x128xf32, #tpu.memory_space<hbm>> -> memref<128x128xf32, #tpu.memory_space<hbm>>
      %dma_wait3A_36 = arith.constant 0 : i32
      %dma_wait3A_37 = tpu.memref_slice %arg6[%arg0, %add3A_26, %dma_wait3A_36] : memref<2x10240x128xf32, #tpu.memory_space<hbm>> -> memref<1x128x128xf32, #tpu.memory_space<hbm>>
      %dma_wait3A_38 = tpu.memref_squeeze %dma_wait3A_37 : memref<1x128x128xf32, #tpu.memory_space<hbm>> -> memref<128x128xf32, #tpu.memory_space<hbm>>
      tpu.wait_dma2 semaphore(%run_scoped3A : memref<!tpu.dma_semaphore, #tpu.memory_space<semaphore_mem>>) src(%arg10 : memref<128x128xf32, #tpu.memory_space<vmem>>) dst(%dma_wait3A_38 : memref<128x128xf32, #tpu.memory_space<hbm>>)
      tpu.yield
    }) : () -> ()
    %add3A_27 = arith.constant 512 : i32
    %add3A_28 = arith.addi %mul3A_2, %add3A_27 : i32
    "tpu.region"() ({
      %run_scoped3A = tpu.sem_alloc : memref<!tpu.dma_semaphore, #tpu.memory_space<semaphore_mem>>
      %dma_start3A = arith.constant 0 : i32
      %dma_start3A_29 = tpu.memref_slice %arg7[%add3A_28, %dma_start3A] : memref<10240x128xf32, #tpu.memory_space<vmem_shared>> -> memref<128x128xf32, #tpu.memory_space<vmem_shared>>
      %dma_start3A_30 = arith.constant 0 : i32
      %dma_start3A_31 = tpu.memref_slice %arg7[%add3A_28, %dma_start3A_30] : memref<10240x128xf32, #tpu.memory_space<vmem_shared>> -> memref<128x128xf32, #tpu.memory_space<vmem_shared>>
      tpu.enqueue_dma source(%dma_start3A_31 : memref<128x128xf32, #tpu.memory_space<vmem_shared>>) target(%arg10 : memref<128x128xf32, #tpu.memory_space<vmem>>) target_semaphore(%run_scoped3A : memref<!tpu.dma_semaphore, #tpu.memory_space<semaphore_mem>>)
      %dma_wait3A = arith.constant 0 : i32
      %dma_wait3A_32 = tpu.memref_slice %arg7[%add3A_28, %dma_wait3A] : memref<10240x128xf32, #tpu.memory_space<vmem_shared>> -> memref<128x128xf32, #tpu.memory_space<vmem_shared>>
      %dma_wait3A_33 = arith.constant 0 : i32
      %dma_wait3A_34 = tpu.memref_slice %arg7[%add3A_28, %dma_wait3A_33] : memref<10240x128xf32, #tpu.memory_space<vmem_shared>> -> memref<128x128xf32, #tpu.memory_space<vmem_shared>>
      tpu.wait_dma2 semaphore(%run_scoped3A : memref<!tpu.dma_semaphore, #tpu.memory_space<semaphore_mem>>) src(%dma_wait3A_34 : memref<128x128xf32, #tpu.memory_space<vmem_shared>>) dst(%arg10 : memref<128x128xf32, #tpu.memory_space<vmem>>)
      tpu.yield
    }) : () -> ()
    "tpu.region"() ({
      %run_scoped3A = tpu.sem_alloc : memref<!tpu.dma_semaphore, #tpu.memory_space<semaphore_mem>>
      %dma_start3A = arith.constant 0 : i32
      %dma_start3A_29 = tpu.memref_slice %arg6[%arg0, %add3A_28, %dma_start3A] : memref<2x10240x128xf32, #tpu.memory_space<hbm>> -> memref<1x128x128xf32, #tpu.memory_space<hbm>>
      %dma_start3A_30 = tpu.memref_squeeze %dma_start3A_29 : memref<1x128x128xf32, #tpu.memory_space<hbm>> -> memref<128x128xf32, #tpu.memory_space<hbm>>
      %dma_start3A_31 = arith.constant 0 : i32
      %dma_start3A_32 = tpu.memref_slice %arg6[%arg0, %add3A_28, %dma_start3A_31] : memref<2x10240x128xf32, #tpu.memory_space<hbm>> -> memref<1x128x128xf32, #tpu.memory_space<hbm>>
      %dma_start3A_33 = tpu.memref_squeeze %dma_start3A_32 : memref<1x128x128xf32, #tpu.memory_space<hbm>> -> memref<128x128xf32, #tpu.memory_space<hbm>>
      tpu.enqueue_dma source(%arg10 : memref<128x128xf32, #tpu.memory_space<vmem>>) target(%dma_start3A_33 : memref<128x128xf32, #tpu.memory_space<hbm>>) target_semaphore(%run_scoped3A : memref<!tpu.dma_semaphore, #tpu.memory_space<semaphore_mem>>)
      %dma_wait3A = arith.constant 0 : i32
      %dma_wait3A_34 = tpu.memref_slice %arg6[%arg0, %add3A_28, %dma_wait3A] : memref<2x10240x128xf32, #tpu.memory_space<hbm>> -> memref<1x128x128xf32, #tpu.memory_space<hbm>>
      %dma_wait3A_35 = tpu.memref_squeeze %dma_wait3A_34 : memref<1x128x128xf32, #tpu.memory_space<hbm>> -> memref<128x128xf32, #tpu.memory_space<hbm>>
      %dma_wait3A_36 = arith.constant 0 : i32
      %dma_wait3A_37 = tpu.memref_slice %arg6[%arg0, %add3A_28, %dma_wait3A_36] : memref<2x10240x128xf32, #tpu.memory_space<hbm>> -> memref<1x128x128xf32, #tpu.memory_space<hbm>>
      %dma_wait3A_38 = tpu.memref_squeeze %dma_wait3A_37 : memref<1x128x128xf32, #tpu.memory_space<hbm>> -> memref<128x128xf32, #tpu.memory_space<hbm>>
      tpu.wait_dma2 semaphore(%run_scoped3A : memref<!tpu.dma_semaphore, #tpu.memory_space<semaphore_mem>>) src(%arg10 : memref<128x128xf32, #tpu.memory_space<vmem>>) dst(%dma_wait3A_38 : memref<128x128xf32, #tpu.memory_space<hbm>>)
      tpu.yield
    }) : () -> ()
    return
  }
}

#map = affine_map<(d0, d1) -> (0, 0, 0)>
#map1 = affine_map<(d0, d1) -> (0, 0)>
module attributes {stable_mosaic.version = 14 : i64} {
  func.func @_sc_deg(%arg0: i32, %arg1: i32, %arg2: memref<32x79x128xi32, #tpu.memory_space<hbm>>, %arg3: memref<128x128xf32, #tpu.memory_space<hbm>>, %arg4: memref<128x128xf32, #tpu.memory_space<hbm>>, %arg5: memref<2x10240x128xf32, #tpu.memory_space<hbm>>, %arg6: memref<10240x128xf32, #tpu.memory_space<vmem_shared>>, %arg7: memref<128xi32, #tpu.memory_space<vmem>>, %arg8: memref<128x128xf32, #tpu.memory_space<vmem>>, %arg9: memref<!tpu.dma_semaphore, #tpu.memory_space<semaphore_mem>>) attributes {dimension_semantics = [#tpu.dimension_semantics<core_parallel>, #tpu.dimension_semantics<subcore_parallel>], iteration_bounds = array<i64: 2, 16>, scalar_prefetch = 0 : i64, scratch_operands = 4 : i64, tpu.core_type = #tpu.core_type<sc_vector_subcore>, window_params = [{transform_indices = #map}, {transform_indices = #map1}, {transform_indices = #map1}, {transform_indices = #map}]} {
    %mul3A = arith.constant 16 : i32
    %mul3A_0 = arith.muli %arg0, %mul3A : i32
    %add3A = arith.addi %mul3A_0, %arg1 : i32
    %mul3A_1 = arith.constant 640 : i32
    %mul3A_2 = arith.muli %arg1, %mul3A_1 : i32
    "tpu.region"() ({
      %run_scoped3A = tpu.sem_alloc : memref<!tpu.dma_semaphore, #tpu.memory_space<semaphore_mem>>
      tpu.enqueue_dma source(%arg3 : memref<128x128xf32, #tpu.memory_space<hbm>>) target(%arg8 : memref<128x128xf32, #tpu.memory_space<vmem>>) target_semaphore(%run_scoped3A : memref<!tpu.dma_semaphore, #tpu.memory_space<semaphore_mem>>)
      tpu.wait_dma2 semaphore(%run_scoped3A : memref<!tpu.dma_semaphore, #tpu.memory_space<semaphore_mem>>) src(%arg3 : memref<128x128xf32, #tpu.memory_space<hbm>>) dst(%arg8 : memref<128x128xf32, #tpu.memory_space<vmem>>)
      tpu.yield
    }) : () -> ()
    %add3A_3 = arith.constant 0 : i32
    %add3A_4 = arith.addi %mul3A_2, %add3A_3 : i32
    "tpu.region"() ({
      %run_scoped3A = tpu.sem_alloc : memref<!tpu.dma_semaphore, #tpu.memory_space<semaphore_mem>>
      %dma_start3A = arith.constant 0 : i32
      %dma_start3A_29 = tpu.memref_slice %arg6[%add3A_4, %dma_start3A] : memref<10240x128xf32, #tpu.memory_space<vmem_shared>> -> memref<128x128xf32, #tpu.memory_space<vmem_shared>>
      %dma_start3A_30 = arith.constant 0 : i32
      %dma_start3A_31 = tpu.memref_slice %arg6[%add3A_4, %dma_start3A_30] : memref<10240x128xf32, #tpu.memory_space<vmem_shared>> -> memref<128x128xf32, #tpu.memory_space<vmem_shared>>
      tpu.enqueue_dma source(%arg8 : memref<128x128xf32, #tpu.memory_space<vmem>>) target(%dma_start3A_31 : memref<128x128xf32, #tpu.memory_space<vmem_shared>>) target_semaphore(%run_scoped3A : memref<!tpu.dma_semaphore, #tpu.memory_space<semaphore_mem>>)
      %dma_wait3A = arith.constant 0 : i32
      %dma_wait3A_32 = tpu.memref_slice %arg6[%add3A_4, %dma_wait3A] : memref<10240x128xf32, #tpu.memory_space<vmem_shared>> -> memref<128x128xf32, #tpu.memory_space<vmem_shared>>
      %dma_wait3A_33 = arith.constant 0 : i32
      %dma_wait3A_34 = tpu.memref_slice %arg6[%add3A_4, %dma_wait3A_33] : memref<10240x128xf32, #tpu.memory_space<vmem_shared>> -> memref<128x128xf32, #tpu.memory_space<vmem_shared>>
      tpu.wait_dma2 semaphore(%run_scoped3A : memref<!tpu.dma_semaphore, #tpu.memory_space<semaphore_mem>>) src(%arg8 : memref<128x128xf32, #tpu.memory_space<vmem>>) dst(%dma_wait3A_34 : memref<128x128xf32, #tpu.memory_space<vmem_shared>>)
      tpu.yield
    }) : () -> ()
    %add3A_5 = arith.constant 128 : i32
    %add3A_6 = arith.addi %mul3A_2, %add3A_5 : i32
    "tpu.region"() ({
      %run_scoped3A = tpu.sem_alloc : memref<!tpu.dma_semaphore, #tpu.memory_space<semaphore_mem>>
      %dma_start3A = arith.constant 0 : i32
      %dma_start3A_29 = tpu.memref_slice %arg6[%add3A_6, %dma_start3A] : memref<10240x128xf32, #tpu.memory_space<vmem_shared>> -> memref<128x128xf32, #tpu.memory_space<vmem_shared>>
      %dma_start3A_30 = arith.constant 0 : i32
      %dma_start3A_31 = tpu.memref_slice %arg6[%add3A_6, %dma_start3A_30] : memref<10240x128xf32, #tpu.memory_space<vmem_shared>> -> memref<128x128xf32, #tpu.memory_space<vmem_shared>>
      tpu.enqueue_dma source(%arg8 : memref<128x128xf32, #tpu.memory_space<vmem>>) target(%dma_start3A_31 : memref<128x128xf32, #tpu.memory_space<vmem_shared>>) target_semaphore(%run_scoped3A : memref<!tpu.dma_semaphore, #tpu.memory_space<semaphore_mem>>)
      %dma_wait3A = arith.constant 0 : i32
      %dma_wait3A_32 = tpu.memref_slice %arg6[%add3A_6, %dma_wait3A] : memref<10240x128xf32, #tpu.memory_space<vmem_shared>> -> memref<128x128xf32, #tpu.memory_space<vmem_shared>>
      %dma_wait3A_33 = arith.constant 0 : i32
      %dma_wait3A_34 = tpu.memref_slice %arg6[%add3A_6, %dma_wait3A_33] : memref<10240x128xf32, #tpu.memory_space<vmem_shared>> -> memref<128x128xf32, #tpu.memory_space<vmem_shared>>
      tpu.wait_dma2 semaphore(%run_scoped3A : memref<!tpu.dma_semaphore, #tpu.memory_space<semaphore_mem>>) src(%arg8 : memref<128x128xf32, #tpu.memory_space<vmem>>) dst(%dma_wait3A_34 : memref<128x128xf32, #tpu.memory_space<vmem_shared>>)
      tpu.yield
    }) : () -> ()
    %add3A_7 = arith.constant 256 : i32
    %add3A_8 = arith.addi %mul3A_2, %add3A_7 : i32
    "tpu.region"() ({
      %run_scoped3A = tpu.sem_alloc : memref<!tpu.dma_semaphore, #tpu.memory_space<semaphore_mem>>
      %dma_start3A = arith.constant 0 : i32
      %dma_start3A_29 = tpu.memref_slice %arg6[%add3A_8, %dma_start3A] : memref<10240x128xf32, #tpu.memory_space<vmem_shared>> -> memref<128x128xf32, #tpu.memory_space<vmem_shared>>
      %dma_start3A_30 = arith.constant 0 : i32
      %dma_start3A_31 = tpu.memref_slice %arg6[%add3A_8, %dma_start3A_30] : memref<10240x128xf32, #tpu.memory_space<vmem_shared>> -> memref<128x128xf32, #tpu.memory_space<vmem_shared>>
      tpu.enqueue_dma source(%arg8 : memref<128x128xf32, #tpu.memory_space<vmem>>) target(%dma_start3A_31 : memref<128x128xf32, #tpu.memory_space<vmem_shared>>) target_semaphore(%run_scoped3A : memref<!tpu.dma_semaphore, #tpu.memory_space<semaphore_mem>>)
      %dma_wait3A = arith.constant 0 : i32
      %dma_wait3A_32 = tpu.memref_slice %arg6[%add3A_8, %dma_wait3A] : memref<10240x128xf32, #tpu.memory_space<vmem_shared>> -> memref<128x128xf32, #tpu.memory_space<vmem_shared>>
      %dma_wait3A_33 = arith.constant 0 : i32
      %dma_wait3A_34 = tpu.memref_slice %arg6[%add3A_8, %dma_wait3A_33] : memref<10240x128xf32, #tpu.memory_space<vmem_shared>> -> memref<128x128xf32, #tpu.memory_space<vmem_shared>>
      tpu.wait_dma2 semaphore(%run_scoped3A : memref<!tpu.dma_semaphore, #tpu.memory_space<semaphore_mem>>) src(%arg8 : memref<128x128xf32, #tpu.memory_space<vmem>>) dst(%dma_wait3A_34 : memref<128x128xf32, #tpu.memory_space<vmem_shared>>)
      tpu.yield
    }) : () -> ()
    %add3A_9 = arith.constant 384 : i32
    %add3A_10 = arith.addi %mul3A_2, %add3A_9 : i32
    "tpu.region"() ({
      %run_scoped3A = tpu.sem_alloc : memref<!tpu.dma_semaphore, #tpu.memory_space<semaphore_mem>>
      %dma_start3A = arith.constant 0 : i32
      %dma_start3A_29 = tpu.memref_slice %arg6[%add3A_10, %dma_start3A] : memref<10240x128xf32, #tpu.memory_space<vmem_shared>> -> memref<128x128xf32, #tpu.memory_space<vmem_shared>>
      %dma_start3A_30 = arith.constant 0 : i32
      %dma_start3A_31 = tpu.memref_slice %arg6[%add3A_10, %dma_start3A_30] : memref<10240x128xf32, #tpu.memory_space<vmem_shared>> -> memref<128x128xf32, #tpu.memory_space<vmem_shared>>
      tpu.enqueue_dma source(%arg8 : memref<128x128xf32, #tpu.memory_space<vmem>>) target(%dma_start3A_31 : memref<128x128xf32, #tpu.memory_space<vmem_shared>>) target_semaphore(%run_scoped3A : memref<!tpu.dma_semaphore, #tpu.memory_space<semaphore_mem>>)
      %dma_wait3A = arith.constant 0 : i32
      %dma_wait3A_32 = tpu.memref_slice %arg6[%add3A_10, %dma_wait3A] : memref<10240x128xf32, #tpu.memory_space<vmem_shared>> -> memref<128x128xf32, #tpu.memory_space<vmem_shared>>
      %dma_wait3A_33 = arith.constant 0 : i32
      %dma_wait3A_34 = tpu.memref_slice %arg6[%add3A_10, %dma_wait3A_33] : memref<10240x128xf32, #tpu.memory_space<vmem_shared>> -> memref<128x128xf32, #tpu.memory_space<vmem_shared>>
      tpu.wait_dma2 semaphore(%run_scoped3A : memref<!tpu.dma_semaphore, #tpu.memory_space<semaphore_mem>>) src(%arg8 : memref<128x128xf32, #tpu.memory_space<vmem>>) dst(%dma_wait3A_34 : memref<128x128xf32, #tpu.memory_space<vmem_shared>>)
      tpu.yield
    }) : () -> ()
    %add3A_11 = arith.constant 512 : i32
    %add3A_12 = arith.addi %mul3A_2, %add3A_11 : i32
    "tpu.region"() ({
      %run_scoped3A = tpu.sem_alloc : memref<!tpu.dma_semaphore, #tpu.memory_space<semaphore_mem>>
      %dma_start3A = arith.constant 0 : i32
      %dma_start3A_29 = tpu.memref_slice %arg6[%add3A_12, %dma_start3A] : memref<10240x128xf32, #tpu.memory_space<vmem_shared>> -> memref<128x128xf32, #tpu.memory_space<vmem_shared>>
      %dma_start3A_30 = arith.constant 0 : i32
      %dma_start3A_31 = tpu.memref_slice %arg6[%add3A_12, %dma_start3A_30] : memref<10240x128xf32, #tpu.memory_space<vmem_shared>> -> memref<128x128xf32, #tpu.memory_space<vmem_shared>>
      tpu.enqueue_dma source(%arg8 : memref<128x128xf32, #tpu.memory_space<vmem>>) target(%dma_start3A_31 : memref<128x128xf32, #tpu.memory_space<vmem_shared>>) target_semaphore(%run_scoped3A : memref<!tpu.dma_semaphore, #tpu.memory_space<semaphore_mem>>)
      %dma_wait3A = arith.constant 0 : i32
      %dma_wait3A_32 = tpu.memref_slice %arg6[%add3A_12, %dma_wait3A] : memref<10240x128xf32, #tpu.memory_space<vmem_shared>> -> memref<128x128xf32, #tpu.memory_space<vmem_shared>>
      %dma_wait3A_33 = arith.constant 0 : i32
      %dma_wait3A_34 = tpu.memref_slice %arg6[%add3A_12, %dma_wait3A_33] : memref<10240x128xf32, #tpu.memory_space<vmem_shared>> -> memref<128x128xf32, #tpu.memory_space<vmem_shared>>
      tpu.wait_dma2 semaphore(%run_scoped3A : memref<!tpu.dma_semaphore, #tpu.memory_space<semaphore_mem>>) src(%arg8 : memref<128x128xf32, #tpu.memory_space<vmem>>) dst(%dma_wait3A_34 : memref<128x128xf32, #tpu.memory_space<vmem_shared>>)
      tpu.yield
    }) : () -> ()
    "tpu.region"() ({
      %run_scoped3A = tpu.sem_alloc : memref<!tpu.dma_semaphore, #tpu.memory_space<semaphore_mem>>
      tpu.enqueue_dma source(%arg4 : memref<128x128xf32, #tpu.memory_space<hbm>>) target(%arg8 : memref<128x128xf32, #tpu.memory_space<vmem>>) target_semaphore(%run_scoped3A : memref<!tpu.dma_semaphore, #tpu.memory_space<semaphore_mem>>)
      tpu.wait_dma2 semaphore(%run_scoped3A : memref<!tpu.dma_semaphore, #tpu.memory_space<semaphore_mem>>) src(%arg4 : memref<128x128xf32, #tpu.memory_space<hbm>>) dst(%arg8 : memref<128x128xf32, #tpu.memory_space<vmem>>)
      tpu.yield
    }) : () -> ()
    %barrier3A = arith.constant 0 : index
    tpu.barrier barrier_id(%barrier3A)
    %scan3A = arith.constant 0 : i32
    %scan3A_13 = arith.constant 0 : i32
    %scan3A_14 = arith.constant 79 : i32
    %scan3A_15 = arith.addi %scan3A_13, %scan3A_14 : i32
    %scan3A_16 = arith.constant 1 : i32
    scf.for %scan3A_29 = %scan3A_13 to %scan3A_15 step %scan3A_16  : i32 {
      "tpu.region"() ({
        %run_scoped3A = tpu.sem_alloc : memref<!tpu.dma_semaphore, #tpu.memory_space<semaphore_mem>>
        %dma_start3A = arith.constant 0 : i32
        %dma_start3A_30 = tpu.memref_slice %arg2[%add3A, %scan3A_29, %dma_start3A] : memref<32x79x128xi32, #tpu.memory_space<hbm>> -> memref<1x1x128xi32, #tpu.memory_space<hbm>>
        %dma_start3A_31 = tpu.memref_squeeze %dma_start3A_30 : memref<1x1x128xi32, #tpu.memory_space<hbm>> -> memref<128xi32, #tpu.memory_space<hbm>>
        %dma_start3A_32 = arith.constant 0 : i32
        %dma_start3A_33 = tpu.memref_slice %arg2[%add3A, %scan3A_29, %dma_start3A_32] : memref<32x79x128xi32, #tpu.memory_space<hbm>> -> memref<1x1x128xi32, #tpu.memory_space<hbm>>
        %dma_start3A_34 = tpu.memref_squeeze %dma_start3A_33 : memref<1x1x128xi32, #tpu.memory_space<hbm>> -> memref<128xi32, #tpu.memory_space<hbm>>
        tpu.enqueue_dma source(%dma_start3A_34 : memref<128xi32, #tpu.memory_space<hbm>>) target(%arg7 : memref<128xi32, #tpu.memory_space<vmem>>) target_semaphore(%run_scoped3A : memref<!tpu.dma_semaphore, #tpu.memory_space<semaphore_mem>>)
        %dma_wait3A = arith.constant 0 : i32
        %dma_wait3A_35 = tpu.memref_slice %arg2[%add3A, %scan3A_29, %dma_wait3A] : memref<32x79x128xi32, #tpu.memory_space<hbm>> -> memref<1x1x128xi32, #tpu.memory_space<hbm>>
        %dma_wait3A_36 = tpu.memref_squeeze %dma_wait3A_35 : memref<1x1x128xi32, #tpu.memory_space<hbm>> -> memref<128xi32, #tpu.memory_space<hbm>>
        %dma_wait3A_37 = arith.constant 0 : i32
        %dma_wait3A_38 = tpu.memref_slice %arg2[%add3A, %scan3A_29, %dma_wait3A_37] : memref<32x79x128xi32, #tpu.memory_space<hbm>> -> memref<1x1x128xi32, #tpu.memory_space<hbm>>
        %dma_wait3A_39 = tpu.memref_squeeze %dma_wait3A_38 : memref<1x1x128xi32, #tpu.memory_space<hbm>> -> memref<128xi32, #tpu.memory_space<hbm>>
        tpu.wait_dma2 semaphore(%run_scoped3A : memref<!tpu.dma_semaphore, #tpu.memory_space<semaphore_mem>>) src(%dma_wait3A_39 : memref<128xi32, #tpu.memory_space<hbm>>) dst(%arg7 : memref<128xi32, #tpu.memory_space<vmem>>)
        tpu.yield
      }) : () -> ()
      "tpu.region"() ({
        %run_scoped3A = tpu.sem_alloc : memref<!tpu.dma_semaphore, #tpu.memory_space<semaphore_mem>>
        %dma_start3A = arith.constant 0 : i32
        %dma_start3A_30 = arith.constant 0 : i32
        %dma_start3A_31 = tpu.memref_slice %arg6[%dma_start3A, %dma_start3A_30] : memref<10240x128xf32, #tpu.memory_space<vmem_shared>> -> memref<10240x128xf32, #tpu.memory_space<vmem_shared>>
        tpu.enqueue_indirect_dma source(%arg8 : memref<128x128xf32, #tpu.memory_space<vmem>>) target(%dma_start3A_31 : memref<10240x128xf32, #tpu.memory_space<vmem_shared>>) offsets(%arg7 : memref<128xi32, #tpu.memory_space<vmem>>) semaphore(%run_scoped3A : memref<!tpu.dma_semaphore, #tpu.memory_space<semaphore_mem>>) {add = true}
        %dma_wait3A = arith.constant 0 : i32
        %dma_wait3A_32 = arith.constant 0 : i32
        %dma_wait3A_33 = tpu.memref_slice %arg6[%dma_wait3A, %dma_wait3A_32] : memref<10240x128xf32, #tpu.memory_space<vmem_shared>> -> memref<10240x128xf32, #tpu.memory_space<vmem_shared>>
        tpu.wait_indirect_dma semaphore(%run_scoped3A : memref<!tpu.dma_semaphore, #tpu.memory_space<semaphore_mem>>) src(%arg8 : memref<128x128xf32, #tpu.memory_space<vmem>>) dst(%dma_wait3A_33 : memref<10240x128xf32, #tpu.memory_space<vmem_shared>>)
        tpu.yield
      }) : () -> ()
    }
    %scan3A_17 = arith.constant 79 : i32
    %barrier3A_18 = arith.constant 0 : index
    tpu.barrier barrier_id(%barrier3A_18)
    %add3A_19 = arith.constant 0 : i32
    %add3A_20 = arith.addi %mul3A_2, %add3A_19 : i32
    "tpu.region"() ({
      %run_scoped3A = tpu.sem_alloc : memref<!tpu.dma_semaphore, #tpu.memory_space<semaphore_mem>>
      %dma_start3A = arith.constant 0 : i32
      %dma_start3A_29 = tpu.memref_slice %arg6[%add3A_20, %dma_start3A] : memref<10240x128xf32, #tpu.memory_space<vmem_shared>> -> memref<128x128xf32, #tpu.memory_space<vmem_shared>>
      %dma_start3A_30 = arith.constant 0 : i32
      %dma_start3A_31 = tpu.memref_slice %arg6[%add3A_20, %dma_start3A_30] : memref<10240x128xf32, #tpu.memory_space<vmem_shared>> -> memref<128x128xf32, #tpu.memory_space<vmem_shared>>
      tpu.enqueue_dma source(%dma_start3A_31 : memref<128x128xf32, #tpu.memory_space<vmem_shared>>) target(%arg8 : memref<128x128xf32, #tpu.memory_space<vmem>>) target_semaphore(%run_scoped3A : memref<!tpu.dma_semaphore, #tpu.memory_space<semaphore_mem>>)
      %dma_wait3A = arith.constant 0 : i32
      %dma_wait3A_32 = tpu.memref_slice %arg6[%add3A_20, %dma_wait3A] : memref<10240x128xf32, #tpu.memory_space<vmem_shared>> -> memref<128x128xf32, #tpu.memory_space<vmem_shared>>
      %dma_wait3A_33 = arith.constant 0 : i32
      %dma_wait3A_34 = tpu.memref_slice %arg6[%add3A_20, %dma_wait3A_33] : memref<10240x128xf32, #tpu.memory_space<vmem_shared>> -> memref<128x128xf32, #tpu.memory_space<vmem_shared>>
      tpu.wait_dma2 semaphore(%run_scoped3A : memref<!tpu.dma_semaphore, #tpu.memory_space<semaphore_mem>>) src(%dma_wait3A_34 : memref<128x128xf32, #tpu.memory_space<vmem_shared>>) dst(%arg8 : memref<128x128xf32, #tpu.memory_space<vmem>>)
      tpu.yield
    }) : () -> ()
    "tpu.region"() ({
      %run_scoped3A = tpu.sem_alloc : memref<!tpu.dma_semaphore, #tpu.memory_space<semaphore_mem>>
      %dma_start3A = arith.constant 0 : i32
      %dma_start3A_29 = tpu.memref_slice %arg5[%arg0, %add3A_20, %dma_start3A] : memref<2x10240x128xf32, #tpu.memory_space<hbm>> -> memref<1x128x128xf32, #tpu.memory_space<hbm>>
      %dma_start3A_30 = tpu.memref_squeeze %dma_start3A_29 : memref<1x128x128xf32, #tpu.memory_space<hbm>> -> memref<128x128xf32, #tpu.memory_space<hbm>>
      %dma_start3A_31 = arith.constant 0 : i32
      %dma_start3A_32 = tpu.memref_slice %arg5[%arg0, %add3A_20, %dma_start3A_31] : memref<2x10240x128xf32, #tpu.memory_space<hbm>> -> memref<1x128x128xf32, #tpu.memory_space<hbm>>
      %dma_start3A_33 = tpu.memref_squeeze %dma_start3A_32 : memref<1x128x128xf32, #tpu.memory_space<hbm>> -> memref<128x128xf32, #tpu.memory_space<hbm>>
      tpu.enqueue_dma source(%arg8 : memref<128x128xf32, #tpu.memory_space<vmem>>) target(%dma_start3A_33 : memref<128x128xf32, #tpu.memory_space<hbm>>) target_semaphore(%run_scoped3A : memref<!tpu.dma_semaphore, #tpu.memory_space<semaphore_mem>>)
      %dma_wait3A = arith.constant 0 : i32
      %dma_wait3A_34 = tpu.memref_slice %arg5[%arg0, %add3A_20, %dma_wait3A] : memref<2x10240x128xf32, #tpu.memory_space<hbm>> -> memref<1x128x128xf32, #tpu.memory_space<hbm>>
      %dma_wait3A_35 = tpu.memref_squeeze %dma_wait3A_34 : memref<1x128x128xf32, #tpu.memory_space<hbm>> -> memref<128x128xf32, #tpu.memory_space<hbm>>
      %dma_wait3A_36 = arith.constant 0 : i32
      %dma_wait3A_37 = tpu.memref_slice %arg5[%arg0, %add3A_20, %dma_wait3A_36] : memref<2x10240x128xf32, #tpu.memory_space<hbm>> -> memref<1x128x128xf32, #tpu.memory_space<hbm>>
      %dma_wait3A_38 = tpu.memref_squeeze %dma_wait3A_37 : memref<1x128x128xf32, #tpu.memory_space<hbm>> -> memref<128x128xf32, #tpu.memory_space<hbm>>
      tpu.wait_dma2 semaphore(%run_scoped3A : memref<!tpu.dma_semaphore, #tpu.memory_space<semaphore_mem>>) src(%arg8 : memref<128x128xf32, #tpu.memory_space<vmem>>) dst(%dma_wait3A_38 : memref<128x128xf32, #tpu.memory_space<hbm>>)
      tpu.yield
    }) : () -> ()
    %add3A_21 = arith.constant 128 : i32
    %add3A_22 = arith.addi %mul3A_2, %add3A_21 : i32
    "tpu.region"() ({
      %run_scoped3A = tpu.sem_alloc : memref<!tpu.dma_semaphore, #tpu.memory_space<semaphore_mem>>
      %dma_start3A = arith.constant 0 : i32
      %dma_start3A_29 = tpu.memref_slice %arg6[%add3A_22, %dma_start3A] : memref<10240x128xf32, #tpu.memory_space<vmem_shared>> -> memref<128x128xf32, #tpu.memory_space<vmem_shared>>
      %dma_start3A_30 = arith.constant 0 : i32
      %dma_start3A_31 = tpu.memref_slice %arg6[%add3A_22, %dma_start3A_30] : memref<10240x128xf32, #tpu.memory_space<vmem_shared>> -> memref<128x128xf32, #tpu.memory_space<vmem_shared>>
      tpu.enqueue_dma source(%dma_start3A_31 : memref<128x128xf32, #tpu.memory_space<vmem_shared>>) target(%arg8 : memref<128x128xf32, #tpu.memory_space<vmem>>) target_semaphore(%run_scoped3A : memref<!tpu.dma_semaphore, #tpu.memory_space<semaphore_mem>>)
      %dma_wait3A = arith.constant 0 : i32
      %dma_wait3A_32 = tpu.memref_slice %arg6[%add3A_22, %dma_wait3A] : memref<10240x128xf32, #tpu.memory_space<vmem_shared>> -> memref<128x128xf32, #tpu.memory_space<vmem_shared>>
      %dma_wait3A_33 = arith.constant 0 : i32
      %dma_wait3A_34 = tpu.memref_slice %arg6[%add3A_22, %dma_wait3A_33] : memref<10240x128xf32, #tpu.memory_space<vmem_shared>> -> memref<128x128xf32, #tpu.memory_space<vmem_shared>>
      tpu.wait_dma2 semaphore(%run_scoped3A : memref<!tpu.dma_semaphore, #tpu.memory_space<semaphore_mem>>) src(%dma_wait3A_34 : memref<128x128xf32, #tpu.memory_space<vmem_shared>>) dst(%arg8 : memref<128x128xf32, #tpu.memory_space<vmem>>)
      tpu.yield
    }) : () -> ()
    "tpu.region"() ({
      %run_scoped3A = tpu.sem_alloc : memref<!tpu.dma_semaphore, #tpu.memory_space<semaphore_mem>>
      %dma_start3A = arith.constant 0 : i32
      %dma_start3A_29 = tpu.memref_slice %arg5[%arg0, %add3A_22, %dma_start3A] : memref<2x10240x128xf32, #tpu.memory_space<hbm>> -> memref<1x128x128xf32, #tpu.memory_space<hbm>>
      %dma_start3A_30 = tpu.memref_squeeze %dma_start3A_29 : memref<1x128x128xf32, #tpu.memory_space<hbm>> -> memref<128x128xf32, #tpu.memory_space<hbm>>
      %dma_start3A_31 = arith.constant 0 : i32
      %dma_start3A_32 = tpu.memref_slice %arg5[%arg0, %add3A_22, %dma_start3A_31] : memref<2x10240x128xf32, #tpu.memory_space<hbm>> -> memref<1x128x128xf32, #tpu.memory_space<hbm>>
      %dma_start3A_33 = tpu.memref_squeeze %dma_start3A_32 : memref<1x128x128xf32, #tpu.memory_space<hbm>> -> memref<128x128xf32, #tpu.memory_space<hbm>>
      tpu.enqueue_dma source(%arg8 : memref<128x128xf32, #tpu.memory_space<vmem>>) target(%dma_start3A_33 : memref<128x128xf32, #tpu.memory_space<hbm>>) target_semaphore(%run_scoped3A : memref<!tpu.dma_semaphore, #tpu.memory_space<semaphore_mem>>)
      %dma_wait3A = arith.constant 0 : i32
      %dma_wait3A_34 = tpu.memref_slice %arg5[%arg0, %add3A_22, %dma_wait3A] : memref<2x10240x128xf32, #tpu.memory_space<hbm>> -> memref<1x128x128xf32, #tpu.memory_space<hbm>>
      %dma_wait3A_35 = tpu.memref_squeeze %dma_wait3A_34 : memref<1x128x128xf32, #tpu.memory_space<hbm>> -> memref<128x128xf32, #tpu.memory_space<hbm>>
      %dma_wait3A_36 = arith.constant 0 : i32
      %dma_wait3A_37 = tpu.memref_slice %arg5[%arg0, %add3A_22, %dma_wait3A_36] : memref<2x10240x128xf32, #tpu.memory_space<hbm>> -> memref<1x128x128xf32, #tpu.memory_space<hbm>>
      %dma_wait3A_38 = tpu.memref_squeeze %dma_wait3A_37 : memref<1x128x128xf32, #tpu.memory_space<hbm>> -> memref<128x128xf32, #tpu.memory_space<hbm>>
      tpu.wait_dma2 semaphore(%run_scoped3A : memref<!tpu.dma_semaphore, #tpu.memory_space<semaphore_mem>>) src(%arg8 : memref<128x128xf32, #tpu.memory_space<vmem>>) dst(%dma_wait3A_38 : memref<128x128xf32, #tpu.memory_space<hbm>>)
      tpu.yield
    }) : () -> ()
    %add3A_23 = arith.constant 256 : i32
    %add3A_24 = arith.addi %mul3A_2, %add3A_23 : i32
    "tpu.region"() ({
      %run_scoped3A = tpu.sem_alloc : memref<!tpu.dma_semaphore, #tpu.memory_space<semaphore_mem>>
      %dma_start3A = arith.constant 0 : i32
      %dma_start3A_29 = tpu.memref_slice %arg6[%add3A_24, %dma_start3A] : memref<10240x128xf32, #tpu.memory_space<vmem_shared>> -> memref<128x128xf32, #tpu.memory_space<vmem_shared>>
      %dma_start3A_30 = arith.constant 0 : i32
      %dma_start3A_31 = tpu.memref_slice %arg6[%add3A_24, %dma_start3A_30] : memref<10240x128xf32, #tpu.memory_space<vmem_shared>> -> memref<128x128xf32, #tpu.memory_space<vmem_shared>>
      tpu.enqueue_dma source(%dma_start3A_31 : memref<128x128xf32, #tpu.memory_space<vmem_shared>>) target(%arg8 : memref<128x128xf32, #tpu.memory_space<vmem>>) target_semaphore(%run_scoped3A : memref<!tpu.dma_semaphore, #tpu.memory_space<semaphore_mem>>)
      %dma_wait3A = arith.constant 0 : i32
      %dma_wait3A_32 = tpu.memref_slice %arg6[%add3A_24, %dma_wait3A] : memref<10240x128xf32, #tpu.memory_space<vmem_shared>> -> memref<128x128xf32, #tpu.memory_space<vmem_shared>>
      %dma_wait3A_33 = arith.constant 0 : i32
      %dma_wait3A_34 = tpu.memref_slice %arg6[%add3A_24, %dma_wait3A_33] : memref<10240x128xf32, #tpu.memory_space<vmem_shared>> -> memref<128x128xf32, #tpu.memory_space<vmem_shared>>
      tpu.wait_dma2 semaphore(%run_scoped3A : memref<!tpu.dma_semaphore, #tpu.memory_space<semaphore_mem>>) src(%dma_wait3A_34 : memref<128x128xf32, #tpu.memory_space<vmem_shared>>) dst(%arg8 : memref<128x128xf32, #tpu.memory_space<vmem>>)
      tpu.yield
    }) : () -> ()
    "tpu.region"() ({
      %run_scoped3A = tpu.sem_alloc : memref<!tpu.dma_semaphore, #tpu.memory_space<semaphore_mem>>
      %dma_start3A = arith.constant 0 : i32
      %dma_start3A_29 = tpu.memref_slice %arg5[%arg0, %add3A_24, %dma_start3A] : memref<2x10240x128xf32, #tpu.memory_space<hbm>> -> memref<1x128x128xf32, #tpu.memory_space<hbm>>
      %dma_start3A_30 = tpu.memref_squeeze %dma_start3A_29 : memref<1x128x128xf32, #tpu.memory_space<hbm>> -> memref<128x128xf32, #tpu.memory_space<hbm>>
      %dma_start3A_31 = arith.constant 0 : i32
      %dma_start3A_32 = tpu.memref_slice %arg5[%arg0, %add3A_24, %dma_start3A_31] : memref<2x10240x128xf32, #tpu.memory_space<hbm>> -> memref<1x128x128xf32, #tpu.memory_space<hbm>>
      %dma_start3A_33 = tpu.memref_squeeze %dma_start3A_32 : memref<1x128x128xf32, #tpu.memory_space<hbm>> -> memref<128x128xf32, #tpu.memory_space<hbm>>
      tpu.enqueue_dma source(%arg8 : memref<128x128xf32, #tpu.memory_space<vmem>>) target(%dma_start3A_33 : memref<128x128xf32, #tpu.memory_space<hbm>>) target_semaphore(%run_scoped3A : memref<!tpu.dma_semaphore, #tpu.memory_space<semaphore_mem>>)
      %dma_wait3A = arith.constant 0 : i32
      %dma_wait3A_34 = tpu.memref_slice %arg5[%arg0, %add3A_24, %dma_wait3A] : memref<2x10240x128xf32, #tpu.memory_space<hbm>> -> memref<1x128x128xf32, #tpu.memory_space<hbm>>
      %dma_wait3A_35 = tpu.memref_squeeze %dma_wait3A_34 : memref<1x128x128xf32, #tpu.memory_space<hbm>> -> memref<128x128xf32, #tpu.memory_space<hbm>>
      %dma_wait3A_36 = arith.constant 0 : i32
      %dma_wait3A_37 = tpu.memref_slice %arg5[%arg0, %add3A_24, %dma_wait3A_36] : memref<2x10240x128xf32, #tpu.memory_space<hbm>> -> memref<1x128x128xf32, #tpu.memory_space<hbm>>
      %dma_wait3A_38 = tpu.memref_squeeze %dma_wait3A_37 : memref<1x128x128xf32, #tpu.memory_space<hbm>> -> memref<128x128xf32, #tpu.memory_space<hbm>>
      tpu.wait_dma2 semaphore(%run_scoped3A : memref<!tpu.dma_semaphore, #tpu.memory_space<semaphore_mem>>) src(%arg8 : memref<128x128xf32, #tpu.memory_space<vmem>>) dst(%dma_wait3A_38 : memref<128x128xf32, #tpu.memory_space<hbm>>)
      tpu.yield
    }) : () -> ()
    %add3A_25 = arith.constant 384 : i32
    %add3A_26 = arith.addi %mul3A_2, %add3A_25 : i32
    "tpu.region"() ({
      %run_scoped3A = tpu.sem_alloc : memref<!tpu.dma_semaphore, #tpu.memory_space<semaphore_mem>>
      %dma_start3A = arith.constant 0 : i32
      %dma_start3A_29 = tpu.memref_slice %arg6[%add3A_26, %dma_start3A] : memref<10240x128xf32, #tpu.memory_space<vmem_shared>> -> memref<128x128xf32, #tpu.memory_space<vmem_shared>>
      %dma_start3A_30 = arith.constant 0 : i32
      %dma_start3A_31 = tpu.memref_slice %arg6[%add3A_26, %dma_start3A_30] : memref<10240x128xf32, #tpu.memory_space<vmem_shared>> -> memref<128x128xf32, #tpu.memory_space<vmem_shared>>
      tpu.enqueue_dma source(%dma_start3A_31 : memref<128x128xf32, #tpu.memory_space<vmem_shared>>) target(%arg8 : memref<128x128xf32, #tpu.memory_space<vmem>>) target_semaphore(%run_scoped3A : memref<!tpu.dma_semaphore, #tpu.memory_space<semaphore_mem>>)
      %dma_wait3A = arith.constant 0 : i32
      %dma_wait3A_32 = tpu.memref_slice %arg6[%add3A_26, %dma_wait3A] : memref<10240x128xf32, #tpu.memory_space<vmem_shared>> -> memref<128x128xf32, #tpu.memory_space<vmem_shared>>
      %dma_wait3A_33 = arith.constant 0 : i32
      %dma_wait3A_34 = tpu.memref_slice %arg6[%add3A_26, %dma_wait3A_33] : memref<10240x128xf32, #tpu.memory_space<vmem_shared>> -> memref<128x128xf32, #tpu.memory_space<vmem_shared>>
      tpu.wait_dma2 semaphore(%run_scoped3A : memref<!tpu.dma_semaphore, #tpu.memory_space<semaphore_mem>>) src(%dma_wait3A_34 : memref<128x128xf32, #tpu.memory_space<vmem_shared>>) dst(%arg8 : memref<128x128xf32, #tpu.memory_space<vmem>>)
      tpu.yield
    }) : () -> ()
    "tpu.region"() ({
      %run_scoped3A = tpu.sem_alloc : memref<!tpu.dma_semaphore, #tpu.memory_space<semaphore_mem>>
      %dma_start3A = arith.constant 0 : i32
      %dma_start3A_29 = tpu.memref_slice %arg5[%arg0, %add3A_26, %dma_start3A] : memref<2x10240x128xf32, #tpu.memory_space<hbm>> -> memref<1x128x128xf32, #tpu.memory_space<hbm>>
      %dma_start3A_30 = tpu.memref_squeeze %dma_start3A_29 : memref<1x128x128xf32, #tpu.memory_space<hbm>> -> memref<128x128xf32, #tpu.memory_space<hbm>>
      %dma_start3A_31 = arith.constant 0 : i32
      %dma_start3A_32 = tpu.memref_slice %arg5[%arg0, %add3A_26, %dma_start3A_31] : memref<2x10240x128xf32, #tpu.memory_space<hbm>> -> memref<1x128x128xf32, #tpu.memory_space<hbm>>
      %dma_start3A_33 = tpu.memref_squeeze %dma_start3A_32 : memref<1x128x128xf32, #tpu.memory_space<hbm>> -> memref<128x128xf32, #tpu.memory_space<hbm>>
      tpu.enqueue_dma source(%arg8 : memref<128x128xf32, #tpu.memory_space<vmem>>) target(%dma_start3A_33 : memref<128x128xf32, #tpu.memory_space<hbm>>) target_semaphore(%run_scoped3A : memref<!tpu.dma_semaphore, #tpu.memory_space<semaphore_mem>>)
      %dma_wait3A = arith.constant 0 : i32
      %dma_wait3A_34 = tpu.memref_slice %arg5[%arg0, %add3A_26, %dma_wait3A] : memref<2x10240x128xf32, #tpu.memory_space<hbm>> -> memref<1x128x128xf32, #tpu.memory_space<hbm>>
      %dma_wait3A_35 = tpu.memref_squeeze %dma_wait3A_34 : memref<1x128x128xf32, #tpu.memory_space<hbm>> -> memref<128x128xf32, #tpu.memory_space<hbm>>
      %dma_wait3A_36 = arith.constant 0 : i32
      %dma_wait3A_37 = tpu.memref_slice %arg5[%arg0, %add3A_26, %dma_wait3A_36] : memref<2x10240x128xf32, #tpu.memory_space<hbm>> -> memref<1x128x128xf32, #tpu.memory_space<hbm>>
      %dma_wait3A_38 = tpu.memref_squeeze %dma_wait3A_37 : memref<1x128x128xf32, #tpu.memory_space<hbm>> -> memref<128x128xf32, #tpu.memory_space<hbm>>
      tpu.wait_dma2 semaphore(%run_scoped3A : memref<!tpu.dma_semaphore, #tpu.memory_space<semaphore_mem>>) src(%arg8 : memref<128x128xf32, #tpu.memory_space<vmem>>) dst(%dma_wait3A_38 : memref<128x128xf32, #tpu.memory_space<hbm>>)
      tpu.yield
    }) : () -> ()
    %add3A_27 = arith.constant 512 : i32
    %add3A_28 = arith.addi %mul3A_2, %add3A_27 : i32
    "tpu.region"() ({
      %run_scoped3A = tpu.sem_alloc : memref<!tpu.dma_semaphore, #tpu.memory_space<semaphore_mem>>
      %dma_start3A = arith.constant 0 : i32
      %dma_start3A_29 = tpu.memref_slice %arg6[%add3A_28, %dma_start3A] : memref<10240x128xf32, #tpu.memory_space<vmem_shared>> -> memref<128x128xf32, #tpu.memory_space<vmem_shared>>
      %dma_start3A_30 = arith.constant 0 : i32
      %dma_start3A_31 = tpu.memref_slice %arg6[%add3A_28, %dma_start3A_30] : memref<10240x128xf32, #tpu.memory_space<vmem_shared>> -> memref<128x128xf32, #tpu.memory_space<vmem_shared>>
      tpu.enqueue_dma source(%dma_start3A_31 : memref<128x128xf32, #tpu.memory_space<vmem_shared>>) target(%arg8 : memref<128x128xf32, #tpu.memory_space<vmem>>) target_semaphore(%run_scoped3A : memref<!tpu.dma_semaphore, #tpu.memory_space<semaphore_mem>>)
      %dma_wait3A = arith.constant 0 : i32
      %dma_wait3A_32 = tpu.memref_slice %arg6[%add3A_28, %dma_wait3A] : memref<10240x128xf32, #tpu.memory_space<vmem_shared>> -> memref<128x128xf32, #tpu.memory_space<vmem_shared>>
      %dma_wait3A_33 = arith.constant 0 : i32
      %dma_wait3A_34 = tpu.memref_slice %arg6[%add3A_28, %dma_wait3A_33] : memref<10240x128xf32, #tpu.memory_space<vmem_shared>> -> memref<128x128xf32, #tpu.memory_space<vmem_shared>>
      tpu.wait_dma2 semaphore(%run_scoped3A : memref<!tpu.dma_semaphore, #tpu.memory_space<semaphore_mem>>) src(%dma_wait3A_34 : memref<128x128xf32, #tpu.memory_space<vmem_shared>>) dst(%arg8 : memref<128x128xf32, #tpu.memory_space<vmem>>)
      tpu.yield
    }) : () -> ()
    "tpu.region"() ({
      %run_scoped3A = tpu.sem_alloc : memref<!tpu.dma_semaphore, #tpu.memory_space<semaphore_mem>>
      %dma_start3A = arith.constant 0 : i32
      %dma_start3A_29 = tpu.memref_slice %arg5[%arg0, %add3A_28, %dma_start3A] : memref<2x10240x128xf32, #tpu.memory_space<hbm>> -> memref<1x128x128xf32, #tpu.memory_space<hbm>>
      %dma_start3A_30 = tpu.memref_squeeze %dma_start3A_29 : memref<1x128x128xf32, #tpu.memory_space<hbm>> -> memref<128x128xf32, #tpu.memory_space<hbm>>
      %dma_start3A_31 = arith.constant 0 : i32
      %dma_start3A_32 = tpu.memref_slice %arg5[%arg0, %add3A_28, %dma_start3A_31] : memref<2x10240x128xf32, #tpu.memory_space<hbm>> -> memref<1x128x128xf32, #tpu.memory_space<hbm>>
      %dma_start3A_33 = tpu.memref_squeeze %dma_start3A_32 : memref<1x128x128xf32, #tpu.memory_space<hbm>> -> memref<128x128xf32, #tpu.memory_space<hbm>>
      tpu.enqueue_dma source(%arg8 : memref<128x128xf32, #tpu.memory_space<vmem>>) target(%dma_start3A_33 : memref<128x128xf32, #tpu.memory_space<hbm>>) target_semaphore(%run_scoped3A : memref<!tpu.dma_semaphore, #tpu.memory_space<semaphore_mem>>)
      %dma_wait3A = arith.constant 0 : i32
      %dma_wait3A_34 = tpu.memref_slice %arg5[%arg0, %add3A_28, %dma_wait3A] : memref<2x10240x128xf32, #tpu.memory_space<hbm>> -> memref<1x128x128xf32, #tpu.memory_space<hbm>>
      %dma_wait3A_35 = tpu.memref_squeeze %dma_wait3A_34 : memref<1x128x128xf32, #tpu.memory_space<hbm>> -> memref<128x128xf32, #tpu.memory_space<hbm>>
      %dma_wait3A_36 = arith.constant 0 : i32
      %dma_wait3A_37 = tpu.memref_slice %arg5[%arg0, %add3A_28, %dma_wait3A_36] : memref<2x10240x128xf32, #tpu.memory_space<hbm>> -> memref<1x128x128xf32, #tpu.memory_space<hbm>>
      %dma_wait3A_38 = tpu.memref_squeeze %dma_wait3A_37 : memref<1x128x128xf32, #tpu.memory_space<hbm>> -> memref<128x128xf32, #tpu.memory_space<hbm>>
      tpu.wait_dma2 semaphore(%run_scoped3A : memref<!tpu.dma_semaphore, #tpu.memory_space<semaphore_mem>>) src(%arg8 : memref<128x128xf32, #tpu.memory_space<vmem>>) dst(%dma_wait3A_38 : memref<128x128xf32, #tpu.memory_space<hbm>>)
      tpu.yield
    }) : () -> ()
    return
  }
}

module attributes {stable_mosaic.version = 14 : i64} {
  func.func @body(%arg0: i32, %arg1: memref<512x128xf32, #tpu.memory_space<vmem>>, %arg2: memref<2x512x128xf32, #tpu.memory_space<vmem>>, %arg3: memref<512x128xf32, #tpu.memory_space<vmem>>, %arg4: memref<128x128xf32, #tpu.memory_space<vmem>>, %arg5: memref<128x128xf32, #tpu.memory_space<vmem>>, %arg6: memref<1x128xf32, #tpu.memory_space<vmem>>, %arg7: memref<512x128xf32, #tpu.memory_space<vmem>>) attributes {dimension_semantics = [#tpu.dimension_semantics<arbitrary>], iteration_bounds = array<i64: 20>, scalar_prefetch = 0 : i64, scratch_operands = 0 : i64, tpu.core_type = #tpu.core_type<tc>, window_params = [{transform_indices = @transform_0, window_bounds = array<i64: 512, 128>}, {transform_indices = @transform_1, window_bounds = array<i64: 2, 512, 128>}, {transform_indices = @transform_2, window_bounds = array<i64: 512, 128>}, {pipeline_mode = #tpu.pipeline_mode<synchronous>, transform_indices = @transform_3, window_bounds = array<i64: 128, 128>}, {pipeline_mode = #tpu.pipeline_mode<synchronous>, transform_indices = @transform_4, window_bounds = array<i64: 128, 128>}, {pipeline_mode = #tpu.pipeline_mode<synchronous>, transform_indices = @transform_5, window_bounds = array<i64: 1, 128>}, {transform_indices = @transform_6, window_bounds = array<i64: 512, 128>}]} {
    %get3A = arith.constant 0 : index
    %get3A_0 = arith.constant 0 : index
    %get3A_1 = vector.load %arg3[%get3A, %get3A_0] : memref<512x128xf32, #tpu.memory_space<vmem>>, vector<512x128xf32>
    %get3A_2 = arith.constant 0 : index
    %get3A_3 = arith.constant 0 : index
    %get3A_4 = arith.constant 0 : index
    %get3A_5 = vector.load %arg2[%get3A_2, %get3A_3, %get3A_4] : memref<2x512x128xf32, #tpu.memory_space<vmem>>, vector<1x512x128xf32>
    %get3A_6 = vector.shape_cast %get3A_5 : vector<1x512x128xf32> to vector<512x128xf32>
    %get3A_7 = arith.constant 1 : index
    %get3A_8 = arith.constant 0 : index
    %get3A_9 = arith.constant 0 : index
    %get3A_10 = vector.load %arg2[%get3A_7, %get3A_8, %get3A_9] : memref<2x512x128xf32, #tpu.memory_space<vmem>>, vector<1x512x128xf32>
    %get3A_11 = vector.shape_cast %get3A_10 : vector<1x512x128xf32> to vector<512x128xf32>
    %add3A = arith.addf %get3A_6, %get3A_11 : vector<512x128xf32>
    %div3A = arith.divf %add3A, %get3A_1 : vector<512x128xf32>
    %get3A_12 = arith.constant 0 : index
    %get3A_13 = arith.constant 0 : index
    %get3A_14 = vector.load %arg1[%get3A_12, %get3A_13] : memref<512x128xf32, #tpu.memory_space<vmem>>, vector<512x128xf32>
    %get3A_15 = arith.constant 0 : index
    %get3A_16 = arith.constant 0 : index
    %get3A_17 = vector.load %arg4[%get3A_15, %get3A_16] : memref<128x128xf32, #tpu.memory_space<vmem>>, vector<128x128xf32>
    %dot_general3A = arith.constant dense<0.000000e+00> : vector<512x128xf32>
    %dot_general3A_18 = tpu.matmul %get3A_14, %get3A_17, %dot_general3A {dimension_numbers = #tpu.dot_dimension_numbers<[1], [0], [0], [1], [0, 0, 1, 1], [], []>, transpose_lhs_hint = false} : vector<512x128xf32>, vector<128x128xf32>, vector<512x128xf32> -> vector<512x128xf32>
    %get3A_19 = arith.constant 0 : index
    %get3A_20 = arith.constant 0 : index
    %get3A_21 = vector.load %arg5[%get3A_19, %get3A_20] : memref<128x128xf32, #tpu.memory_space<vmem>>, vector<128x128xf32>
    %dot_general3A_22 = arith.constant dense<0.000000e+00> : vector<512x128xf32>
    %dot_general3A_23 = tpu.matmul %div3A, %get3A_21, %dot_general3A_22 {dimension_numbers = #tpu.dot_dimension_numbers<[1], [0], [0], [1], [0, 0, 1, 1], [], []>, transpose_lhs_hint = false} : vector<512x128xf32>, vector<128x128xf32>, vector<512x128xf32> -> vector<512x128xf32>
    %add3A_24 = arith.addf %dot_general3A_18, %dot_general3A_23 : vector<512x128xf32>
    %get3A_25 = arith.constant 0 : index
    %get3A_26 = arith.constant 0 : index
    %get3A_27 = vector.load %arg6[%get3A_25, %get3A_26] : memref<1x128xf32, #tpu.memory_space<vmem>>, vector<1x128xf32>
    %add3A_28 = vector.broadcast %get3A_27 : vector<1x128xf32> to vector<512x128xf32>
    %add3A_29 = arith.addf %add3A_24, %add3A_28 : vector<512x128xf32>
    %max3A = arith.constant 0.000000e+00 : f32
    %max3A_30 = vector.broadcast %max3A : f32 to vector<512x128xf32>
    %max3A_31 = arith.maximumf %add3A_29, %max3A_30 : vector<512x128xf32>
    %swap3A = arith.constant 0 : index
    %swap3A_32 = arith.constant 0 : index
    %swap3A_33 = vector.load %arg7[%swap3A, %swap3A_32] : memref<512x128xf32, #tpu.memory_space<vmem>>, vector<512x128xf32>
    tpu.vector_store %arg7[%swap3A, %swap3A_32], %max3A_31 {strides = array<i32>} : memref<512x128xf32, #tpu.memory_space<vmem>>, vector<512x128xf32>,
    return
  }
  func.func @transform_0(%arg0: i32) -> (i32, i32) {
    %c0_i32 = arith.constant 0 : i32
    %c0_i32_0 = arith.constant 0 : i32
    return %arg0, %c0_i32 : i32, i32
  }
  func.func @transform_1(%arg0: i32) -> (i32, i32, i32) {
    %c0_i32 = arith.constant 0 : i32
    %c0_i32_0 = arith.constant 0 : i32
    %c0_i32_1 = arith.constant 0 : i32
    return %c0_i32, %arg0, %c0_i32_0 : i32, i32, i32
  }
  func.func @transform_2(%arg0: i32) -> (i32, i32) {
    %c0_i32 = arith.constant 0 : i32
    %c0_i32_0 = arith.constant 0 : i32
    return %arg0, %c0_i32 : i32, i32
  }
  func.func @transform_3(%arg0: i32) -> (i32, i32) {
    %c0_i32 = arith.constant 0 : i32
    %c0_i32_0 = arith.constant 0 : i32
    %c0_i32_1 = arith.constant 0 : i32
    return %c0_i32, %c0_i32_0 : i32, i32
  }
  func.func @transform_4(%arg0: i32) -> (i32, i32) {
    %c0_i32 = arith.constant 0 : i32
    %c0_i32_0 = arith.constant 0 : i32
    %c0_i32_1 = arith.constant 0 : i32
    return %c0_i32, %c0_i32_0 : i32, i32
  }
  func.func @transform_5(%arg0: i32) -> (i32, i32) {
    %c0_i32 = arith.constant 0 : i32
    %c0_i32_0 = arith.constant 0 : i32
    %c0_i32_1 = arith.constant 0 : i32
    return %c0_i32, %c0_i32_0 : i32, i32
  }
  func.func @transform_6(%arg0: i32) -> (i32, i32) {
    %c0_i32 = arith.constant 0 : i32
    %c0_i32_0 = arith.constant 0 : i32
    return %arg0, %c0_i32 : i32, i32
  }
}

module attributes {stable_mosaic.version = 14 : i64} {
  func.func @body(%arg0: i32, %arg1: memref<512x128xf32, #tpu.memory_space<vmem>>, %arg2: memref<2x512x128xf32, #tpu.memory_space<vmem>>, %arg3: memref<2x512x128xf32, #tpu.memory_space<vmem>>, %arg4: memref<128x128xf32, #tpu.memory_space<vmem>>, %arg5: memref<128x128xf32, #tpu.memory_space<vmem>>, %arg6: memref<1x128xf32, #tpu.memory_space<vmem>>, %arg7: memref<512x128xf32, #tpu.memory_space<vmem>>, %arg8: memref<512x128xf32, #tpu.memory_space<vmem>>) attributes {dimension_semantics = [#tpu.dimension_semantics<arbitrary>], iteration_bounds = array<i64: 20>, scalar_prefetch = 0 : i64, scratch_operands = 0 : i64, tpu.core_type = #tpu.core_type<tc>, window_params = [{transform_indices = @transform_0, window_bounds = array<i64: 512, 128>}, {transform_indices = @transform_1, window_bounds = array<i64: 2, 512, 128>}, {transform_indices = @transform_2, window_bounds = array<i64: 2, 512, 128>}, {pipeline_mode = #tpu.pipeline_mode<synchronous>, transform_indices = @transform_3, window_bounds = array<i64: 128, 128>}, {pipeline_mode = #tpu.pipeline_mode<synchronous>, transform_indices = @transform_4, window_bounds = array<i64: 128, 128>}, {pipeline_mode = #tpu.pipeline_mode<synchronous>, transform_indices = @transform_5, window_bounds = array<i64: 1, 128>}, {transform_indices = @transform_6, window_bounds = array<i64: 512, 128>}, {transform_indices = @transform_7, window_bounds = array<i64: 512, 128>}]} {
    %get3A = arith.constant 0 : index
    %get3A_0 = arith.constant 0 : index
    %get3A_1 = arith.constant 0 : index
    %get3A_2 = vector.load %arg3[%get3A, %get3A_0, %get3A_1] : memref<2x512x128xf32, #tpu.memory_space<vmem>>, vector<1x512x128xf32>
    %get3A_3 = vector.shape_cast %get3A_2 : vector<1x512x128xf32> to vector<512x128xf32>
    %get3A_4 = arith.constant 1 : index
    %get3A_5 = arith.constant 0 : index
    %get3A_6 = arith.constant 0 : index
    %get3A_7 = vector.load %arg3[%get3A_4, %get3A_5, %get3A_6] : memref<2x512x128xf32, #tpu.memory_space<vmem>>, vector<1x512x128xf32>
    %get3A_8 = vector.shape_cast %get3A_7 : vector<1x512x128xf32> to vector<512x128xf32>
    %add3A = arith.addf %get3A_3, %get3A_8 : vector<512x128xf32>
    %max3A = arith.constant 1.000000e+00 : f32
    %max3A_9 = vector.broadcast %max3A : f32 to vector<512x128xf32>
    %max3A_10 = arith.maximumf %add3A, %max3A_9 : vector<512x128xf32>
    %swap3A = arith.constant 0 : index
    %swap3A_11 = arith.constant 0 : index
    %swap3A_12 = vector.load %arg8[%swap3A, %swap3A_11] : memref<512x128xf32, #tpu.memory_space<vmem>>, vector<512x128xf32>
    tpu.vector_store %arg8[%swap3A, %swap3A_11], %max3A_10 {strides = array<i32>} : memref<512x128xf32, #tpu.memory_space<vmem>>, vector<512x128xf32>,
    %get3A_13 = arith.constant 0 : index
    %get3A_14 = arith.constant 0 : index
    %get3A_15 = arith.constant 0 : index
    %get3A_16 = vector.load %arg2[%get3A_13, %get3A_14, %get3A_15] : memref<2x512x128xf32, #tpu.memory_space<vmem>>, vector<1x512x128xf32>
    %get3A_17 = vector.shape_cast %get3A_16 : vector<1x512x128xf32> to vector<512x128xf32>
    %get3A_18 = arith.constant 1 : index
    %get3A_19 = arith.constant 0 : index
    %get3A_20 = arith.constant 0 : index
    %get3A_21 = vector.load %arg2[%get3A_18, %get3A_19, %get3A_20] : memref<2x512x128xf32, #tpu.memory_space<vmem>>, vector<1x512x128xf32>
    %get3A_22 = vector.shape_cast %get3A_21 : vector<1x512x128xf32> to vector<512x128xf32>
    %add3A_23 = arith.addf %get3A_17, %get3A_22 : vector<512x128xf32>
    %div3A = arith.divf %add3A_23, %max3A_10 : vector<512x128xf32>
    %get3A_24 = arith.constant 0 : index
    %get3A_25 = arith.constant 0 : index
    %get3A_26 = vector.load %arg1[%get3A_24, %get3A_25] : memref<512x128xf32, #tpu.memory_space<vmem>>, vector<512x128xf32>
    %get3A_27 = arith.constant 0 : index
    %get3A_28 = arith.constant 0 : index
    %get3A_29 = vector.load %arg4[%get3A_27, %get3A_28] : memref<128x128xf32, #tpu.memory_space<vmem>>, vector<128x128xf32>
    %dot_general3A = arith.constant dense<0.000000e+00> : vector<512x128xf32>
    %dot_general3A_30 = tpu.matmul %get3A_26, %get3A_29, %dot_general3A {dimension_numbers = #tpu.dot_dimension_numbers<[1], [0], [0], [1], [0, 0, 1, 1], [], []>, transpose_lhs_hint = false} : vector<512x128xf32>, vector<128x128xf32>, vector<512x128xf32> -> vector<512x128xf32>
    %get3A_31 = arith.constant 0 : index
    %get3A_32 = arith.constant 0 : index
    %get3A_33 = vector.load %arg5[%get3A_31, %get3A_32] : memref<128x128xf32, #tpu.memory_space<vmem>>, vector<128x128xf32>
    %dot_general3A_34 = arith.constant dense<0.000000e+00> : vector<512x128xf32>
    %dot_general3A_35 = tpu.matmul %div3A, %get3A_33, %dot_general3A_34 {dimension_numbers = #tpu.dot_dimension_numbers<[1], [0], [0], [1], [0, 0, 1, 1], [], []>, transpose_lhs_hint = false} : vector<512x128xf32>, vector<128x128xf32>, vector<512x128xf32> -> vector<512x128xf32>
    %add3A_36 = arith.addf %dot_general3A_30, %dot_general3A_35 : vector<512x128xf32>
    %get3A_37 = arith.constant 0 : index
    %get3A_38 = arith.constant 0 : index
    %get3A_39 = vector.load %arg6[%get3A_37, %get3A_38] : memref<1x128xf32, #tpu.memory_space<vmem>>, vector<1x128xf32>
    %add3A_40 = vector.broadcast %get3A_39 : vector<1x128xf32> to vector<512x128xf32>
    %add3A_41 = arith.addf %add3A_36, %add3A_40 : vector<512x128xf32>
    %max3A_42 = arith.constant 0.000000e+00 : f32
    %max3A_43 = vector.broadcast %max3A_42 : f32 to vector<512x128xf32>
    %max3A_44 = arith.maximumf %add3A_41, %max3A_43 : vector<512x128xf32>
    %swap3A_45 = arith.constant 0 : index
    %swap3A_46 = arith.constant 0 : index
    %swap3A_47 = vector.load %arg7[%swap3A_45, %swap3A_46] : memref<512x128xf32, #tpu.memory_space<vmem>>, vector<512x128xf32>
    tpu.vector_store %arg7[%swap3A_45, %swap3A_46], %max3A_44 {strides = array<i32>} : memref<512x128xf32, #tpu.memory_space<vmem>>, vector<512x128xf32>,
    return
  }
  func.func @transform_0(%arg0: i32) -> (i32, i32) {
    %c0_i32 = arith.constant 0 : i32
    %c0_i32_0 = arith.constant 0 : i32
    return %arg0, %c0_i32 : i32, i32
  }
  func.func @transform_1(%arg0: i32) -> (i32, i32, i32) {
    %c0_i32 = arith.constant 0 : i32
    %c0_i32_0 = arith.constant 0 : i32
    %c0_i32_1 = arith.constant 0 : i32
    return %c0_i32, %arg0, %c0_i32_0 : i32, i32, i32
  }
  func.func @transform_2(%arg0: i32) -> (i32, i32, i32) {
    %c0_i32 = arith.constant 0 : i32
    %c0_i32_0 = arith.constant 0 : i32
    %c0_i32_1 = arith.constant 0 : i32
    return %c0_i32, %arg0, %c0_i32_0 : i32, i32, i32
  }
  func.func @transform_3(%arg0: i32) -> (i32, i32) {
    %c0_i32 = arith.constant 0 : i32
    %c0_i32_0 = arith.constant 0 : i32
    %c0_i32_1 = arith.constant 0 : i32
    return %c0_i32, %c0_i32_0 : i32, i32
  }
  func.func @transform_4(%arg0: i32) -> (i32, i32) {
    %c0_i32 = arith.constant 0 : i32
    %c0_i32_0 = arith.constant 0 : i32
    %c0_i32_1 = arith.constant 0 : i32
    return %c0_i32, %c0_i32_0 : i32, i32
  }
  func.func @transform_5(%arg0: i32) -> (i32, i32) {
    %c0_i32 = arith.constant 0 : i32
    %c0_i32_0 = arith.constant 0 : i32
    %c0_i32_1 = arith.constant 0 : i32
    return %c0_i32, %c0_i32_0 : i32, i32
  }
  func.func @transform_6(%arg0: i32) -> (i32, i32) {
    %c0_i32 = arith.constant 0 : i32
    %c0_i32_0 = arith.constant 0 : i32
    return %arg0, %c0_i32 : i32, i32
  }
  func.func @transform_7(%arg0: i32) -> (i32, i32) {
    %c0_i32 = arith.constant 0 : i32
    %c0_i32_0 = arith.constant 0 : i32
    return %arg0, %c0_i32 : i32, i32
  }
}

module attributes {stable_mosaic.version = 14 : i64} {
  func.func @body(%arg0: i32, %arg1: memref<512x128xf32, #tpu.memory_space<vmem>>, %arg2: memref<2x512x128xf32, #tpu.memory_space<vmem>>, %arg3: memref<512x128xf32, #tpu.memory_space<vmem>>, %arg4: memref<128x128xf32, #tpu.memory_space<vmem>>, %arg5: memref<128x128xf32, #tpu.memory_space<vmem>>, %arg6: memref<1x128xf32, #tpu.memory_space<vmem>>, %arg7: memref<512x128xf32, #tpu.memory_space<vmem>>) attributes {dimension_semantics = [#tpu.dimension_semantics<arbitrary>], iteration_bounds = array<i64: 20>, scalar_prefetch = 0 : i64, scratch_operands = 0 : i64, tpu.core_type = #tpu.core_type<tc>, window_params = [{transform_indices = @transform_0, window_bounds = array<i64: 512, 128>}, {transform_indices = @transform_1, window_bounds = array<i64: 2, 512, 128>}, {transform_indices = @transform_2, window_bounds = array<i64: 512, 128>}, {pipeline_mode = #tpu.pipeline_mode<synchronous>, transform_indices = @transform_3, window_bounds = array<i64: 128, 128>}, {pipeline_mode = #tpu.pipeline_mode<synchronous>, transform_indices = @transform_4, window_bounds = array<i64: 128, 128>}, {pipeline_mode = #tpu.pipeline_mode<synchronous>, transform_indices = @transform_5, window_bounds = array<i64: 1, 128>}, {transform_indices = @transform_6, window_bounds = array<i64: 512, 128>}]} {
    %get3A = arith.constant 0 : index
    %get3A_0 = arith.constant 0 : index
    %get3A_1 = vector.load %arg3[%get3A, %get3A_0] : memref<512x128xf32, #tpu.memory_space<vmem>>, vector<512x128xf32>
    %get3A_2 = arith.constant 0 : index
    %get3A_3 = arith.constant 0 : index
    %get3A_4 = arith.constant 0 : index
    %get3A_5 = vector.load %arg2[%get3A_2, %get3A_3, %get3A_4] : memref<2x512x128xf32, #tpu.memory_space<vmem>>, vector<1x512x128xf32>
    %get3A_6 = vector.shape_cast %get3A_5 : vector<1x512x128xf32> to vector<512x128xf32>
    %get3A_7 = arith.constant 1 : index
    %get3A_8 = arith.constant 0 : index
    %get3A_9 = arith.constant 0 : index
    %get3A_10 = vector.load %arg2[%get3A_7, %get3A_8, %get3A_9] : memref<2x512x128xf32, #tpu.memory_space<vmem>>, vector<1x512x128xf32>
    %get3A_11 = vector.shape_cast %get3A_10 : vector<1x512x128xf32> to vector<512x128xf32>
    %add3A = arith.addf %get3A_6, %get3A_11 : vector<512x128xf32>
    %div3A = arith.divf %add3A, %get3A_1 : vector<512x128xf32>
    %get3A_12 = arith.constant 0 : index
    %get3A_13 = arith.constant 0 : index
    %get3A_14 = vector.load %arg1[%get3A_12, %get3A_13] : memref<512x128xf32, #tpu.memory_space<vmem>>, vector<512x128xf32>
    %get3A_15 = arith.constant 0 : index
    %get3A_16 = arith.constant 0 : index
    %get3A_17 = vector.load %arg4[%get3A_15, %get3A_16] : memref<128x128xf32, #tpu.memory_space<vmem>>, vector<128x128xf32>
    %dot_general3A = arith.constant dense<0.000000e+00> : vector<512x128xf32>
    %dot_general3A_18 = tpu.matmul %get3A_14, %get3A_17, %dot_general3A {dimension_numbers = #tpu.dot_dimension_numbers<[1], [0], [0], [1], [0, 0, 1, 1], [], []>, transpose_lhs_hint = false} : vector<512x128xf32>, vector<128x128xf32>, vector<512x128xf32> -> vector<512x128xf32>
    %get3A_19 = arith.constant 0 : index
    %get3A_20 = arith.constant 0 : index
    %get3A_21 = vector.load %arg5[%get3A_19, %get3A_20] : memref<128x128xf32, #tpu.memory_space<vmem>>, vector<128x128xf32>
    %dot_general3A_22 = arith.constant dense<0.000000e+00> : vector<512x128xf32>
    %dot_general3A_23 = tpu.matmul %div3A, %get3A_21, %dot_general3A_22 {dimension_numbers = #tpu.dot_dimension_numbers<[1], [0], [0], [1], [0, 0, 1, 1], [], []>, transpose_lhs_hint = false} : vector<512x128xf32>, vector<128x128xf32>, vector<512x128xf32> -> vector<512x128xf32>
    %add3A_24 = arith.addf %dot_general3A_18, %dot_general3A_23 : vector<512x128xf32>
    %get3A_25 = arith.constant 0 : index
    %get3A_26 = arith.constant 0 : index
    %get3A_27 = vector.load %arg6[%get3A_25, %get3A_26] : memref<1x128xf32, #tpu.memory_space<vmem>>, vector<1x128xf32>
    %add3A_28 = vector.broadcast %get3A_27 : vector<1x128xf32> to vector<512x128xf32>
    %add3A_29 = arith.addf %add3A_24, %add3A_28 : vector<512x128xf32>
    %swap3A = arith.constant 0 : index
    %swap3A_30 = arith.constant 0 : index
    %swap3A_31 = vector.load %arg7[%swap3A, %swap3A_30] : memref<512x128xf32, #tpu.memory_space<vmem>>, vector<512x128xf32>
    tpu.vector_store %arg7[%swap3A, %swap3A_30], %add3A_29 {strides = array<i32>} : memref<512x128xf32, #tpu.memory_space<vmem>>, vector<512x128xf32>,
    return
  }
  func.func @transform_0(%arg0: i32) -> (i32, i32) {
    %c0_i32 = arith.constant 0 : i32
    %c0_i32_0 = arith.constant 0 : i32
    return %arg0, %c0_i32 : i32, i32
  }
  func.func @transform_1(%arg0: i32) -> (i32, i32, i32) {
    %c0_i32 = arith.constant 0 : i32
    %c0_i32_0 = arith.constant 0 : i32
    %c0_i32_1 = arith.constant 0 : i32
    return %c0_i32, %arg0, %c0_i32_0 : i32, i32, i32
  }
  func.func @transform_2(%arg0: i32) -> (i32, i32) {
    %c0_i32 = arith.constant 0 : i32
    %c0_i32_0 = arith.constant 0 : i32
    return %arg0, %c0_i32 : i32, i32
  }
  func.func @transform_3(%arg0: i32) -> (i32, i32) {
    %c0_i32 = arith.constant 0 : i32
    %c0_i32_0 = arith.constant 0 : i32
    %c0_i32_1 = arith.constant 0 : i32
    return %c0_i32, %c0_i32_0 : i32, i32
  }
  func.func @transform_4(%arg0: i32) -> (i32, i32) {
    %c0_i32 = arith.constant 0 : i32
    %c0_i32_0 = arith.constant 0 : i32
    %c0_i32_1 = arith.constant 0 : i32
    return %c0_i32, %c0_i32_0 : i32, i32
  }
  func.func @transform_5(%arg0: i32) -> (i32, i32) {
    %c0_i32 = arith.constant 0 : i32
    %c0_i32_0 = arith.constant 0 : i32
    %c0_i32_1 = arith.constant 0 : i32
    return %c0_i32, %c0_i32_0 : i32, i32
  }
  func.func @transform_6(%arg0: i32) -> (i32, i32) {
    %c0_i32 = arith.constant 0 : i32
    %c0_i32_0 = arith.constant 0 : i32
    return %arg0, %c0_i32 : i32, i32
  }
}

</mosaic_0001>

<sc_bundles>
// kernel: kernel.12.cloned.1.call-start
scs
__scs_entry_jumppad:
0x0: {  	(pc) =	sbr.rel $0x88, $3  }
0x1: {  	(tag) =	ssettag $0x0;
	lr =	simm.s32 $0x1  }
0x2: {  	[smem:$0x3F96] =	sst lr;
	_ =	strace $0xD0000000  }
0x3: {  	_ = 	snop  }
0x4: {  	_ = 	snop  }
0x5: {  	_ = 	snop  }
0x6: {  	_ = 	snop  }
0x7: {  	_ = 	snop  }
__scs_overlays_trampoline_lowered:
0x8: {  	[smem:$0x3FA5] =	sst s0  }
0x9: {  	[smem:$0x3FA6] =	sst s1  }
0xa: {  	[smem:$0x3FA7] =	sst s2  }
0xb: {  	[smem:$0x3FA8] =	sst s3  }
0xc: {  	[smem:$0x3FA9] =	sst s4  }
0xd: {  	[smem:$0x3FAA] =	sst s5  }
0xe: {  	[smem:$0x3FAB] =	sst s6  }
0xf: {  	[smem:$0x3FAC] =	sst s7  }
0x10: {  	[smem:$0x3FAD] =	sst s8  }
0x11: {  	[smem:$0x3FAE] =	sst s9;
	s0 =	simm.s32 @!p0 $0x0  }
0x12: {  	s1 =	sld [smem:$0x3F94];
	s0 =	simm.s32 @p0 $0x1  }
0x13: {  	[smem:$0x3FAF] =	sst s0;
	s0 =	simm.s32 @!p1 $0x0  }
0x14: {  	s2 =	sld [smem:$0x3F93];
	s0 =	simm.s32 @p1 $0x1  }
0x15: {  	[smem:$0x3FB0] =	sst s0;
	s0 =	simm.s32 @!p2 $0x0  }
0x16: {  	s3 =	sld [smem:$0x3FDB];
	s0 =	simm.s32 @p2 $0x1  }
0x17: {  	s4 =	simm.s32 $0x1BF5;
	[smem:$0x3FB2] =	sst s0  }
0x18: {  	s0 =	sld [smem:$0x3F95];
	_ =	swait.ge [sflag:s4], $0x0  }
0x19: {  	s7 =	sld [smem:$0x3F96]  }
0x1a: {  	s8 =	sadd.s32 $0xFFFFE003, lr  }
0x1b: {  	s9 =	sadd.s32 $0xFFFFFEF7, lr;
	s5 =	simm.s32 $0xFFFFFFFF;
	p2 =	slt.u32 s8, $0xFFFFF086  }
0x1c: {  	p1 =	slt.u32 s9, $0xF7A;
	s5 =	simm.s32 @!p2 $0x0  }
0x1d: {  	s5 =	simm.s32 @p1 $0x1;
	p0 =	seq.s32 s7, s2  }
0x1e: {  	s7 =	smul.u32 @!p0 $0xF7A, s2;
	p2 =	seq.s32 @!p0 s5, $0x0  }
0x1f: {  	s9 =	smul.u32 $0xF7A, s1;
	s8 =	simm.s32 @!p0 $0x1BF5;
	p2 =	por !p2, p0  }
0x20: {  	[sflag:s8] =	ssyncset.s32 @!p0 $0xFFFFF086;
	s6 =	sadd.s32 @!p0 s3, s7;
	s7 =	simm.s32 @!p0 $0x108  }
0x21: {  	s3 =	sadd.s32 s3, s9;
	s6 =	sadd.s32 @!p0 $0x88, s6;
	s7 =	simm.s32 @p2 $0x1082  }
0x22: {  	[simem:s7], [sflag:s8] =	dma.local @!p0 [hbm:s6], $0xF7A  }
0x23: {  	s9 =	sor.u32 $0xD0000000, s2;
	s6 =	simm.s32 $0x108;
	_ =	swait.ge @!p0 [sflag:s8], $0x0  }
0x24: {  	s3 =	sadd.s32 $0x88, s3;
	s6 =	simm.s32 @!p1 $0x1082;
	[sflag:s4] =	ssyncset.s32 $0xFFFFF086  }
0x25: {  	[simem:s6], [sflag:s4] =	dma.local [hbm:s3], $0xF7A  }
0x26: {  	[smem:$0x3F96] =	sst s1;
	(tag) =	ssettag s2;
	_ =	strace s9  }
0x27: {  	s1 =	sld [smem:$0x3FA6]  }
0x28: {  	s2 =	sld [smem:$0x3FA7]  }
0x29: {  	s4 =	sld [smem:$0x3FA9]  }
0x2a: {  	p0 =	seq.s32 s5, $0x0;
	s5 =	sld [smem:$0x3FAA]  }
0x2b: {  	s6 =	sld [smem:$0x3FAB]  }
0x2c: {  	s7 =	sld [smem:$0x3FAC]  }
0x2d: {  	s3 =	simm.s32 $0x108;
	s8 =	sld [smem:$0x3FAD]  }
0x2e: {  	s3 =	simm.s32 @!p0 $0x1082;
	s9 =	sld [smem:$0x3FAE]  }
0x2f: {  	lr =	sadd.s32 s0, s3;
	s0 =	sld [smem:$0x3FA5]  }
0x30: {  	s3 =	sld [smem:$0x3FA8]  }
0x31: {  	[smem:$0x3FB1] =	sst s10  }
0x32: {  	s10 =	sld [smem:$0x3FAF];
	_ =	sdelay $0x3  }
0x33: {  	p0 =	seq.s32 s10, $0x1;
	s10 =	sld [smem:$0x3FB1];
	_ =	sdelay $0x3  }
0x34: {  	[smem:$0x3FB1] =	sst s10  }
0x35: {  	s10 =	sld [smem:$0x3FB0];
	_ =	sdelay $0x3  }
0x36: {  	p1 =	seq.s32 s10, $0x1;
	s10 =	sld [smem:$0x3FB1];
	_ =	sdelay $0x3  }
0x37: {  	[smem:$0x3FB1] =	sst s10  }
0x38: {  	s10 =	sld [smem:$0x3FB2]  }
0x39: {  	_ = 	snop;
	(pc) =	sbr.ind lr, $3  }
0x3a: {  	_ = 	snop  }
0x3b: {  	_ = 	snop  }
0x3c: {  	p2 =	seq.s32 s10, $0x1;
	s10 =	sld [smem:$0x3FB1]  }
0x3d: {  	_ =	shalt  }
0x3e: {  	_ =	shalt  }
0x3f: {  	_ =	shalt  }
0x40: {  	_ =	shalt  }
0x41: {  	_ =	shalt  }
0x42: {  	_ =	shalt  }
0x43: {  	_ =	shalt  }
0x44: {  	_ =	shalt  }
0x45: {  	_ =	shalt  }
0x46: {  	_ =	shalt  }
0x47: {  	_ =	shalt  }
0x48: {  	_ =	shalt  }
0x49: {  	_ =	shalt  }
0x4a: {  	_ =	shalt  }
0x4b: {  	_ =	shalt  }
0x4c: {  	_ =	shalt  }
0x4d: {  	_ =	shalt  }
0x4e: {  	_ =	shalt  }
0x4f: {  	_ =	shalt  }
0x50: {  	_ =	shalt  }
0x51: {  	_ =	shalt  }
0x52: {  	_ =	shalt  }
0x53: {  	_ =	shalt  }
0x54: {  	_ =	shalt  }
0x55: {  	_ =	shalt  }
0x56: {  	_ =	shalt  }
0x57: {  	_ =	shalt  }
0x58: {  	_ =	shalt  }
0x59: {  	_ =	shalt  }
0x5a: {  	_ =	shalt  }
0x5b: {  	_ =	shalt  }
0x5c: {  	_ =	shalt  }
0x5d: {  	_ =	shalt  }
0x5e: {  	_ =	shalt  }
0x5f: {  	_ =	shalt  }
0x60: {  	_ =	shalt  }
0x61: {  	_ =	shalt  }
0x62: {  	_ =	shalt  }
0x63: {  	_ =	shalt  }
0x64: {  	_ =	shalt  }
0x65: {  	_ =	shalt  }
0x66: {  	_ =	shalt  }
0x67: {  	_ =	shalt  }
0x68: {  	_ =	shalt  }
0x69: {  	_ =	shalt  }
0x6a: {  	_ =	shalt  }
0x6b: {  	_ =	shalt  }
0x6c: {  	_ =	shalt  }
0x6d: {  	_ =	shalt  }
0x6e: {  	_ =	shalt  }
0x6f: {  	_ =	shalt  }
0x70: {  	_ =	shalt  }
0x71: {  	_ =	shalt  }
0x72: {  	_ =	shalt  }
0x73: {  	_ =	shalt  }
0x74: {  	_ =	shalt  }
0x75: {  	_ =	shalt  }
0x76: {  	_ =	shalt  }
0x77: {  	_ =	shalt  }
0x78: {  	_ =	shalt  }
0x79: {  	_ =	shalt  }
0x7a: {  	_ =	shalt  }
0x7b: {  	_ =	shalt  }
0x7c: {  	_ =	shalt  }
0x7d: {  	_ =	shalt  }
0x7e: {  	_ =	shalt  }
0x7f: {  	_ =	shalt  }
0x80: {  	_ =	shalt  }
0x81: {  	_ =	shalt  }
0x82: {  	_ =	shalt  }
0x83: {  	_ =	shalt  }
0x84: {  	_ =	shalt  }
0x85: {  	_ =	shalt  }
0x86: {  	_ =	shalt  }
0x87: {  	_ =	shalt  }
.Lfunc_end0:
.L_simem_size_0:
called_computation.1_lowered:
.L_overlay_start_0:
0x88: {  	s2 =	sld [smem:$0x3FD9]  }
0x89: {  	s3 =	sld [smem:$0x3FFE];
	_ =	sdelay $0x1  }
0x8a: {  	s1 =	srdreg.scid  }
0x8b: {  	s0 =	sand.u32 $0x1, s1  }
0x8c: {  	s17 =	sshll.u32 s0, $0xA;
	s2 =	sadd.s32 s3, s2  }
0x8d: {  	s2 =	sadd.s32 s2, s17  }
0x8e: {  	[smem:$0x3FBD] =	sst s2  }
0x8f: {  	_ = 	snop  }
0x90: {  	s2 =	sld [smem:$0x3FD0];
	(tm) =	ssettm $0x1  }
0x91: {  	s18 =	sld [smem:$0x3FFB];
	_ =	sdelay $0x3  }
0x92: {  	_ =	strace s18  }
0x93: {  	s3 =	sld [smem:$0x3FFC];
	_ =	sdelay $0x3  }
0x94: {  	_ =	strace s3  }
0x95: {  	s3 =	sld [smem:$0x3FFD];
	_ =	sdelay $0x3  }
0x96: {  	_ =	strace s3  }
0x97: {  	_ =	strace $0x8FFFFFFF  }
0x98: {  	s19 =	sld [smem:$0x3FDB];
	_ =	sdelay $0x1  }
0x99: {  	s4 =	simm.s32 $_scs_section_size  }
0x9a: {  	s5 =	simm.s32 $_size__tile_overlayer_lowered;
	s6 =	simm.s32 $_tile_overlayer_lowered  }
0x9b: {  	s22 =	simm.s32 $0x1BFF;
	s21 =	sshll.u32 s6, $0x1;
	s3 =	sadd.s32 s4, s19  }
0x9c: {  	s7 =	simm.s32 $0x0;
	s20 =	sshll.u32 s5, $0x1;
	s5 =	sadd.s32 s21, s3  }
0x9d: {  	[timem:s7], [sflag:s22] =	dma.local [hbm:s5], s20  }
0x9e: {  	_ =	swait.ge [sflag:s22], s20  }
0x9f: {  	s4 =	ssub.s32 $0x0, s20;
	[sflag:s22] =	ssyncset.done $0x0  }
0xa0: {  	[sflag:s22] =	ssyncadd.s32 s4;
	_ =	sdelay $0x1  }
0xa1: {  	s23 =	simm.s32 $0x1B8B  }
0xa2: {  	_ =	swait.ge [sflag:s23], $0x1  }
0xa3: {  	[sflag:s23] =	ssyncset.done $0x0  }
0xa4: {  	s25 =	simm.s32 $0x1B8E;
	s24 =	sld [smem:$0x3FFE];
	[sflag:s23] =	ssyncadd.s32 $0xFFFFFFFF  }
0xa5: {  	s26 =	simm.s32 $execute0_lowered;
	[smem:$0x3FD2] =	sst s25  }
0xa6: {  	s5 =	sshll.u32 s26, $0x1;
	_ =	strace $0x80000046;
	[dreg:$0x1] =	wrdreg $0xFFFFFFFF  }
0xa7: {  	s28 =	simm.s32 $_size_execute0_lowered;
	s3 =	sadd.s32 s3, s5;
	[dreg:$0x0] =	wrdreg $0x0  }
0xa8: {  	s5 =	sshll.u32 s28, $0x1;
	[dreg:$0x2] =	wrdreg s3  }
0xa9: {  	[dreg:$0x3] =	wrdreg s5  }
0xaa: {  	[dreg:$0x4] =	wrdreg $0xC0  }
0xab: {  	_ =	task [dreg:s7], $0x5FFFF  }
0xac: {  	[dreg:$0x1] =	wrdreg $0xFFFFFFFF  }
0xad: {  	[dreg:$0x0] =	wrdreg $0x60  }
0xae: {  	[dreg:$0x2] =	wrdreg s24  }
0xaf: {  	[dreg:$0x3] =	wrdreg s2  }
0xb0: {  	[dreg:$0x4] =	wrdreg $0x0  }
0xb1: {  	[dreg:$0x5] =	wrdreg $0xA  }
0xb2: {  	_ =	task.clear_ibuf [dreg:s7], $0x6FFFF;
	_ =	strace $0x90000046  }
0xb3: {  	s29 =	simm.s32 $0xA;
	_ =	strace $0x80000048  }
0xb4: {  	_ =	swait.ge [sflag:s29], $0x1  }
0xb5: {  	[sflag:s29] =	ssyncadd.s32 $0xFFFFFFFF  }
0xb6: {  	_ =	strace $0x90000048  }
0xb7: {  	_ =	sfence  }
0xb8: {  	s30 =	sld [smem:$0x0];
	_ =	sdelay $0x2  }
0xb9: {  	s31 =	sshll.u32 s1, $0xD;
	s1 =	sshrl.u32 s1, $0x2  }
0xba: {  	s3 =	sand.u32 $0x4000, s31;
	s1 =	sadd.s32 s1, s30  }
0xbb: {  	s0 =	sor.u32 s3, s0;
	s1 =	sshll.u32 s1, $0x11  }
0xbc: {  	s0 =	sor.u32 s1, s0  }
0xbd: {  	s0 =	sadd.s32 $0x8F2B, s0  }
0xbe: {  	[sflag:s0] =	ssyncadd.remote.s32 $0x1  }
0xbf: {  	_ =	sfence.sel $0xFFFF  }
0xc0: {  	[dreg:$0x0] =	wrdreg $0xFFFFFFFF;
	(pc) =	sbr.abs _section_cstart, $3  }
0xc1: {  	[dreg:$0x1] =	wrdreg $0xFFFFFFFF  }
0xc2: {  	_ =	task.clear_ibuf [dreg:s7], $0x2FFFF;
	_ =	strace $0x9FFFFFFF  }
0xc3: {  	(tm) =	ssettm $0x7FFFFFFF  }
tec
execute0_lowered:
.L_overlay_start_1:
0x0: {  	(tag) =	ssettag $0x1  }
0x1: {  	s8 =	rddreg [dreg:$0x0]  }
0x2: {  	s1 =	rddreg [dreg:$0x1]  }
0x3: {  	s2 =	rddreg [dreg:$0x2]  }
0x4: {  	s0 =	rddreg [dreg:$0x3];
	s3 =	simm.s32 $0x0  }
0x5: {  	s6 =	srdreg.scid;
	s4 =	stileid.u32;
	s23 =	simm.s32 $0x14080  }
0x6: {  	s24 =	simm.s32 $0x80;
	s25 =	simm.s32 $0x1;
	s26 =	simm.s32 $0x0  }
0x7: {  	[smem:$0x7FF] =	sst s3;
	s5 =	sadd.s32 $0xDA00, s8;
	s9 =	sand.u32 $0x1, s6  }
0x8: {  	s6 =	sadd.s32 $0x3A00, s8;
	s11 =	smul.u32 $0x50000, s4;
	s7 =	sadd.s32 $0x35A00, s8  }
0x9: {  	s18 =	sadd.s32 $0x36200, s8;
	s13 =	smul.u32 $0x14000, s4;
	_ =	strace $0x80000047  }
0xa: {  	s10 =	ssub.s32 $0x2, s9;
	s12 =	sshll.u32 s9, $0x4;
	s17 =	smul.u32 $0x140000, s9  }
0xb: {  	s30 =	sshrl.u32 s10, $0x1;
	s11 =	sshrl.u32 s11, $0x2;
	s14 =	sor.u32 s4, s12  }
0xc: {  	s15 =	sadd.s32 $0x4000, s13;
	s16 =	sadd.s32 $0x8000, s13;
	s20 =	sadd.s32 $0xC000, s13  }
0xd: {  	s21 =	sadd.s32 $0x10000, s13;
	s19 =	ssub.s32 s10, s30;
	s8 =	sadd.s32 s11, s2  }
0xe: {  	s9 =	sadd.s32 s15, s2;
	s10 =	sadd.s32 s16, s2;
	s11 =	sadd.s32 s20, s2  }
0xf: {  	s13 =	sadd.s32 s13, s17;
	s12 =	sadd.s32 s21, s2;
	s15 =	sadd.s32 s17, s15  }
0x10: {  	s16 =	sadd.s32 s17, s16;
	s20 =	sadd.s32 s17, s20;
	s21 =	sadd.s32 s17, s21  }
0x11: {  	s22 =	sshrl.u32 s13, $0x3;
	s13 =	smul.u32 $0x2800, s14;
	s15 =	sshrl.u32 s15, $0x3  }
0x12: {  	s16 =	sshrl.u32 s16, $0x3;
	s20 =	sshrl.u32 s20, $0x3;
	s31 =	sshrl.u32 s21, $0x3  }
0x13: {  	s19 =	smax.u32 s19, $0x1;
	s21 =	simm.s32 $0x2;
	s14 =	sadd.s32 s18, s22  }
0x14: {  	s15 =	sadd.s32 s18, s15;
	s16 =	sadd.s32 s18, s16;
	s17 =	sadd.s32 s18, s20  }
0x15: {  	s18 =	sadd.s32 s18, s31;
	s20 =	simm.s32 $0x14100;
	s22 =	simm.s32 $0x14000  }
.LBB2_1:
0x16: {  	[tilespmem:s20], [sflag:$0x2] =	stream.linear.gather [hbm4b:s7+s3], $0x4000, $0x38;
	[tilespmem:$0x18100] =	vst v63  }
0x17: {  	_ =	swait.ge [sflag:s21], $0x4000  }
0x18: {  	[sflag:s21] =	ssyncset.done $0x0  }
0x19: {  	[sflag:s21] =	ssyncadd.s32 $0xFFFFC000  }
0x1a: {  	[spmem:s8] =	stream.linear.scatter [tilespmem:s20], [sflag:$0x2], $0x4000, $0x38;
	[tilespmem:$0x18100] =	vst v63  }
0x1b: {  	_ =	swait.ge [sflag:s21], $0x4000  }
0x1c: {  	[sflag:s21] =	ssyncset.done $0x0  }
0x1d: {  	[sflag:s21] =	ssyncadd.s32 $0xFFFFC000  }
0x1e: {  	[spmem:s9] =	stream.linear.scatter [tilespmem:s20], [sflag:$0x2], $0x4000, $0x38;
	[tilespmem:$0x18100] =	vst v63  }
0x1f: {  	_ =	swait.ge [sflag:s21], $0x4000  }
0x20: {  	[sflag:s21] =	ssyncset.done $0x0  }
0x21: {  	[sflag:s21] =	ssyncadd.s32 $0xFFFFC000  }
0x22: {  	[spmem:s10] =	stream.linear.scatter [tilespmem:s20], [sflag:$0x2], $0x4000, $0x38;
	[tilespmem:$0x18100] =	vst v63  }
0x23: {  	_ =	swait.ge [sflag:s21], $0x4000  }
0x24: {  	[sflag:s21] =	ssyncset.done $0x0  }
0x25: {  	[sflag:s21] =	ssyncadd.s32 $0xFFFFC000  }
0x26: {  	[spmem:s11] =	stream.linear.scatter [tilespmem:s20], [sflag:$0x2], $0x4000, $0x38;
	[tilespmem:$0x18100] =	vst v63  }
0x27: {  	_ =	swait.ge [sflag:s21], $0x4000  }
0x28: {  	[sflag:s21] =	ssyncset.done $0x0  }
0x29: {  	s28 =	sand.u32 $0x3C00, s3;
	[sflag:s21] =	ssyncadd.s32 $0xFFFFC000  }
0x2a: {  	[spmem:s12] =	stream.linear.scatter [tilespmem:s20], [sflag:$0x2], $0x4000, $0x38;
	[tilespmem:$0x18100] =	vst v63  }
0x2b: {  	s29 =	sand.u32 $0x380, s3;
	s28 =	sadd.s32 s13, s28;
	_ =	swait.ge [sflag:s21], $0x4000  }
0x2c: {  	s28 =	sor.u32 s29, s28;
	[sflag:s21] =	ssyncset.done $0x0  }
0x2d: {  	s28 =	sshrl.u32 s28, $0x3;
	[sflag:s21] =	ssyncadd.s32 $0xFFFFC000  }
0x2e: {  	s29 =	sadd.s32 s1, s28;
	[bflag:$0x0] =	sbarrier.arrive $0xFFFF  }
0x2f: {  	[tilespmem:s22], [sflag:$0x2] =	stream.linear.gather [hbm4b:s29+s3], $0x80, $0x38;
	[tilespmem:$0x18100] =	vst v63  }
0x30: {  	_ =	swait.ge [sflag:s21], $0x80  }
0x31: {  	[sflag:s21] =	ssyncset.done $0x0  }
0x32: {  	s28 =	sadd.s32 s6, s28;
	[sflag:s21] =	ssyncadd.s32 $0xFFFFFF80  }
0x33: {  	[tilespmem:s23], [sflag:$0x2] =	stream.linear.gather [hbm4b:s28+s3], $0x80, $0x38;
	[tilespmem:$0x18100] =	vst v63  }
0x34: {  	_ =	swait.ge [sflag:s21], $0x80  }
0x35: {  	[sflag:s21] =	ssyncset.done $0x0  }
0x36: {  	[sflag:s21] =	ssyncadd.s32 $0xFFFFFF80  }
0x37: {  	[tilespmem:s20], [sflag:$0x1] =	stream.indirect.gather [hbm4b:s5+s24], $0x80, s22, s24, $0xb8;
	[tilespmem:$0x18100] =	vst v63  }
0x38: {  	_ =	swait.ge [sflag:s25], $0x4000  }
0x39: {  	s28 =	simm.s32 $0x80;
	[sflag:s25] =	ssyncset.done $0x0  }
0x3a: {  	s29 =	sand.u32 $0x3C00, s28;
	[sflag:s25] =	ssyncadd.s32 $0xFFFFC000  }
0x3b: {  	[spmem:s2] =	stream.indirect.scatter.add.f32 [tilespmem:s20], [sflag:$0x2], $0x80, s23, s24, $0xb8;
	[tilespmem:$0x18100] =	vst v63  }
0x3c: {  	s30 =	sand.u32 $0x380, s28;
	s29 =	sadd.s32 s13, s29;
	_ =	swait.ge [sflag:s21], $0x4000  }
0x3d: {  	s28 =	simm.s32 $0x100;
	s29 =	sor.u32 s30, s29;
	[sflag:s21] =	ssyncset.done $0x0  }
.LBB2_2:
0x3e: {  	s29 =	sshrl.u32 s29, $0x3  }
0x3f: {  	[sflag:s21] =	ssyncadd.s32 $0xFFFFC000;
	s30 =	smov.u32 s28;
	s31 =	sadd.s32 $0x80, s28  }
0x40: {  	p0 =	sne.s32 s28, $0x2700;
	s28 =	sadd.s32 s1, s29  }
0x41: {  	[tilespmem:s22], [sflag:$0x2] =	stream.linear.gather [hbm4b:s28+s3], $0x80, $0x38;
	[tilespmem:$0x18100] =	vst v63  }
0x42: {  	_ =	swait.ge [sflag:s21], $0x80  }
0x43: {  	[sflag:s21] =	ssyncset.done $0x0  }
0x44: {  	s28 =	sadd.s32 s6, s29;
	[sflag:s21] =	ssyncadd.s32 $0xFFFFFF80  }
0x45: {  	[tilespmem:s23], [sflag:$0x2] =	stream.linear.gather [hbm4b:s28+s3], $0x80, $0x38;
	[tilespmem:$0x18100] =	vst v63  }
0x46: {  	_ =	swait.ge [sflag:s21], $0x80  }
0x47: {  	[sflag:s21] =	ssyncset.done $0x0  }
0x48: {  	[sflag:s21] =	ssyncadd.s32 $0xFFFFFF80  }
0x49: {  	[tilespmem:s20], [sflag:$0x1] =	stream.indirect.gather [hbm4b:s5+s24], $0x80, s22, s24, $0xb8;
	[tilespmem:$0x18100] =	vst v63  }
0x4a: {  	_ =	swait.ge [sflag:s25], $0x4000  }
.Ltmp0:
0x4b: {  	[sflag:s25] =	ssyncset.done $0x0;
	(pc) =	sbr.rel @p0 .LBB2_2-.Ltmp0, $4  }
0x4c: {  	s28 =	sand.u32 $0x3C00, s30;
	[sflag:s25] =	ssyncadd.s32 $0xFFFFC000  }
0x4d: {  	[spmem:s2] =	stream.indirect.scatter.add.f32 [tilespmem:s20], [sflag:$0x2], $0x80, s23, s24, $0xb8;
	[tilespmem:$0x18100] =	vst v63  }
0x4e: {  	s29 =	sand.u32 $0x380, s30;
	s28 =	sadd.s32 s13, s28;
	_ =	swait.ge [sflag:s21], $0x4000  }
0x4f: {  	s29 =	sor.u32 s29, s28;
	s28 =	smov.u32 s31;
	[sflag:s21] =	ssyncset.done $0x0  }
0x50: {  	s28 =	sshrl.u32 s29, $0x3  }
0x51: {  	[sflag:s21] =	ssyncadd.s32 $0xFFFFC000;
	s29 =	sadd.s32 s1, s28  }
0x52: {  	[tilespmem:s22], [sflag:$0x2] =	stream.linear.gather [hbm4b:s29+s3], $0x80, $0x38;
	[tilespmem:$0x18100] =	vst v63  }
0x53: {  	_ =	swait.ge [sflag:s21], $0x80  }
0x54: {  	[sflag:s21] =	ssyncset.done $0x0  }
0x55: {  	s28 =	sadd.s32 s6, s28;
	[sflag:s21] =	ssyncadd.s32 $0xFFFFFF80  }
0x56: {  	[tilespmem:s23], [sflag:$0x2] =	stream.linear.gather [hbm4b:s28+s3], $0x80, $0x38;
	[tilespmem:$0x18100] =	vst v63  }
0x57: {  	_ =	swait.ge [sflag:s21], $0x80  }
0x58: {  	[sflag:s21] =	ssyncset.done $0x0  }
0x59: {  	[sflag:s21] =	ssyncadd.s32 $0xFFFFFF80  }
0x5a: {  	[tilespmem:s20], [sflag:$0x1] =	stream.indirect.gather [hbm4b:s5+s24], $0x80, s22, s24, $0xb8;
	[tilespmem:$0x18100] =	vst v63  }
0x5b: {  	_ =	swait.ge [sflag:s25], $0x4000  }
0x5c: {  	[sflag:s25] =	ssyncset.done $0x0  }
0x5d: {  	[sflag:s25] =	ssyncadd.s32 $0xFFFFC000  }
0x5e: {  	[spmem:s2] =	stream.indirect.scatter.add.f32 [tilespmem:s20], [sflag:$0x2], $0x80, s23, s24, $0xb8;
	[tilespmem:$0x18100] =	vst v63  }
0x5f: {  	_ =	swait.ge [sflag:s21], $0x4000  }
0x60: {  	[sflag:s21] =	ssyncset.done $0x0  }
0x61: {  	[sflag:s21] =	ssyncadd.s32 $0xFFFFC000  }
0x62: {  	[bflag:$0x0] =	sbarrier.arrive $0xFFFF  }
0x63: {  	[tilespmem:s20], [sflag:$0x2] =	stream.linear.gather [spmem:s8], $0x4000, $0x38;
	[tilespmem:$0x18100] =	vst v63  }
0x64: {  	_ =	swait.ge [sflag:s21], $0x4000  }
0x65: {  	[sflag:s21] =	ssyncset.done $0x0  }
0x66: {  	[sflag:s21] =	ssyncadd.s32 $0xFFFFC000  }
0x67: {  	[hbm4b:s14+s3] =	stream.linear.scatter [tilespmem:s20], [sflag:$0x2], $0x4000, $0x38;
	[tilespmem:$0x18100] =	vst v63  }
0x68: {  	_ =	swait.ge [sflag:s21], $0x4000  }
0x69: {  	[sflag:s21] =	ssyncset.done $0x0  }
0x6a: {  	[sflag:s21] =	ssyncadd.s32 $0xFFFFC000  }
0x6b: {  	[tilespmem:s20], [sflag:$0x2] =	stream.linear.gather [spmem:s9], $0x4000, $0x38;
	[tilespmem:$0x18100] =	vst v63  }
0x6c: {  	_ =	swait.ge [sflag:s21], $0x4000  }
0x6d: {  	[sflag:s21] =	ssyncset.done $0x0  }
0x6e: {  	[sflag:s21] =	ssyncadd.s32 $0xFFFFC000  }
0x6f: {  	[hbm4b:s15+s3] =	stream.linear.scatter [tilespmem:s20], [sflag:$0x2], $0x4000, $0x38;
	[tilespmem:$0x18100] =	vst v63  }
0x70: {  	_ =	swait.ge [sflag:s21], $0x4000  }
0x71: {  	[sflag:s21] =	ssyncset.done $0x0  }
0x72: {  	[sflag:s21] =	ssyncadd.s32 $0xFFFFC000  }
0x73: {  	[tilespmem:s20], [sflag:$0x2] =	stream.linear.gather [spmem:s10], $0x4000, $0x38;
	[tilespmem:$0x18100] =	vst v63  }
0x74: {  	_ =	swait.ge [sflag:s21], $0x4000  }
0x75: {  	[sflag:s21] =	ssyncset.done $0x0  }
0x76: {  	[sflag:s21] =	ssyncadd.s32 $0xFFFFC000  }
0x77: {  	[hbm4b:s16+s3] =	stream.linear.scatter [tilespmem:s20], [sflag:$0x2], $0x4000, $0x38;
	[tilespmem:$0x18100] =	vst v63  }
0x78: {  	_ =	swait.ge [sflag:s21], $0x4000  }
0x79: {  	[sflag:s21] =	ssyncset.done $0x0  }
0x7a: {  	[sflag:s21] =	ssyncadd.s32 $0xFFFFC000  }
0x7b: {  	[tilespmem:s20], [sflag:$0x2] =	stream.linear.gather [spmem:s11], $0x4000, $0x38;
	[tilespmem:$0x18100] =	vst v63  }
0x7c: {  	_ =	swait.ge [sflag:s21], $0x4000  }
0x7d: {  	[sflag:s21] =	ssyncset.done $0x0  }
0x7e: {  	[sflag:s21] =	ssyncadd.s32 $0xFFFFC000  }
0x7f: {  	[hbm4b:s17+s3] =	stream.linear.scatter [tilespmem:s20], [sflag:$0x2], $0x4000, $0x38;
	[tilespmem:$0x18100] =	vst v63  }
0x80: {  	_ =	swait.ge [sflag:s21], $0x4000  }
0x81: {  	[sflag:s21] =	ssyncset.done $0x0  }
0x82: {  	[sflag:s21] =	ssyncadd.s32 $0xFFFFC000  }
0x83: {  	[tilespmem:s20], [sflag:$0x2] =	stream.linear.gather [spmem:s12], $0x4000, $0x38;
	[tilespmem:$0x18100] =	vst v63  }
0x84: {  	s26 =	sadd.s32 $0x1, s26;
	_ =	swait.ge [sflag:s21], $0x4000  }
0x85: {  	p0 =	sne.s32 s26, s19;
	[sflag:s21] =	ssyncset.done $0x0  }
.Ltmp1:
0x86: {  	[sflag:s21] =	ssyncadd.s32 $0xFFFFC000;
	(pc) =	sbr.rel @p0 .LBB2_1-.Ltmp1, $4  }
0x87: {  	[hbm4b:s18+s3] =	stream.linear.scatter [tilespmem:s20], [sflag:$0x2], $0x4000, $0x38;
	[tilespmem:$0x18100] =	vst v63  }
0x88: {  	_ =	swait.ge [sflag:s21], $0x4000  }
0x89: {  	[sflag:s21] =	ssyncset.done $0x0  }
0x8a: {  	[sflag:s21] =	ssyncadd.s32 $0xFFFFC000  }
0x8b: {  	_ =	sfence.sel $0x180000  }
0x8c: {  	[bflag:$0x0] =	sbarrier.arrive $0xFFFF  }
0x8d: {  	p0 =	sne.s32 s4, $0x0;
	_ =	strace $0x90000047  }
0x8e: {  	s0 =	sadd.s32 @!p0 $0x100000, s0;
	[bflag:$0x2] =	sbarrier.arrive $0xFFFF  }
0x8f: {  	[sflag:s0] =	ssyncadd.tile.s32 @!p0 $0x1;
	_ =	shalt  }
.Lfunc_end2:
_tile_overlayer_lowered:
.L_overlay_start_2:
0x90: {  	(tag) =	ssettag $0x2  }
0x91: {  	s0 =	rddreg [dreg:$0x0];
	s2 =	stileid.u32  }
0x92: {  	s1 =	rddreg [dreg:$0x1];
	p0 =	sne.s32 s2, $0x0  }
0x93: {  	s3 =	rddreg [dreg:$0x2];
	[bflag:$0x3] =	sbarrier.arrive $0xFFFF;
	s2 =	simm.s32 @!p0 $0x1C02  }
0x94: {  	[timem:s3], [sflag:s2] =	dma.local @!p0 [hbm:s0], s1  }
0x95: {  	s0 =	simm.s32 @!p0 $0x2  }
0x96: {  	_ =	swait.ge @!p0 [sflag:s0], s1  }
0x97: {  	s1 =	ssub.s32 @!p0 $0x0, s1;
	[sflag:s0] =	ssyncset.done @!p0 $0x0  }
0x98: {  	[sflag:s0] =	ssyncadd.s32 @!p0 s1  }
0x99: {  	[bflag:$0x3] =	sbarrier.arrive $0xFFFF  }
0x9a: {  	_ =	shalt  }

// kernel: kernel.15.cloned.1.call-start
scs
__scs_entry_jumppad:
0x0: {  	(pc) =	sbr.rel $0x88, $3  }
0x1: {  	(tag) =	ssettag $0x0;
	lr =	simm.s32 $0x1  }
0x2: {  	[smem:$0x3F96] =	sst lr;
	_ =	strace $0xD0000000  }
0x3: {  	_ = 	snop  }
0x4: {  	_ = 	snop  }
0x5: {  	_ = 	snop  }
0x6: {  	_ = 	snop  }
0x7: {  	_ = 	snop  }
__scs_overlays_trampoline_lowered:
0x8: {  	[smem:$0x3FA5] =	sst s0  }
0x9: {  	[smem:$0x3FA6] =	sst s1  }
0xa: {  	[smem:$0x3FA7] =	sst s2  }
0xb: {  	[smem:$0x3FA8] =	sst s3  }
0xc: {  	[smem:$0x3FA9] =	sst s4  }
0xd: {  	[smem:$0x3FAA] =	sst s5  }
0xe: {  	[smem:$0x3FAB] =	sst s6  }
0xf: {  	[smem:$0x3FAC] =	sst s7  }
0x10: {  	[smem:$0x3FAD] =	sst s8  }
0x11: {  	[smem:$0x3FAE] =	sst s9;
	s0 =	simm.s32 @!p0 $0x0  }
0x12: {  	s1 =	sld [smem:$0x3F94];
	s0 =	simm.s32 @p0 $0x1  }
0x13: {  	[smem:$0x3FAF] =	sst s0;
	s0 =	simm.s32 @!p1 $0x0  }
0x14: {  	s2 =	sld [smem:$0x3F93];
	s0 =	simm.s32 @p1 $0x1  }
0x15: {  	[smem:$0x3FB0] =	sst s0;
	s0 =	simm.s32 @!p2 $0x0  }
0x16: {  	s3 =	sld [smem:$0x3FDB];
	s0 =	simm.s32 @p2 $0x1  }
0x17: {  	s4 =	simm.s32 $0x1BF5;
	[smem:$0x3FB2] =	sst s0  }
0x18: {  	s0 =	sld [smem:$0x3F95];
	_ =	swait.ge [sflag:s4], $0x0  }
0x19: {  	s7 =	sld [smem:$0x3F96]  }
0x1a: {  	s8 =	sadd.s32 $0xFFFFE003, lr  }
0x1b: {  	s9 =	sadd.s32 $0xFFFFFEF7, lr;
	s5 =	simm.s32 $0xFFFFFFFF;
	p2 =	slt.u32 s8, $0xFFFFF086  }
0x1c: {  	p1 =	slt.u32 s9, $0xF7A;
	s5 =	simm.s32 @!p2 $0x0  }
0x1d: {  	s5 =	simm.s32 @p1 $0x1;
	p0 =	seq.s32 s7, s2  }
0x1e: {  	s7 =	smul.u32 @!p0 $0xF7A, s2;
	p2 =	seq.s32 @!p0 s5, $0x0  }
0x1f: {  	s9 =	smul.u32 $0xF7A, s1;
	s8 =	simm.s32 @!p0 $0x1BF5;
	p2 =	por !p2, p0  }
0x20: {  	[sflag:s8] =	ssyncset.s32 @!p0 $0xFFFFF086;
	s6 =	sadd.s32 @!p0 s3, s7;
	s7 =	simm.s32 @!p0 $0x108  }
0x21: {  	s3 =	sadd.s32 s3, s9;
	s6 =	sadd.s32 @!p0 $0x88, s6;
	s7 =	simm.s32 @p2 $0x1082  }
0x22: {  	[simem:s7], [sflag:s8] =	dma.local @!p0 [hbm:s6], $0xF7A  }
0x23: {  	s9 =	sor.u32 $0xD0000000, s2;
	s6 =	simm.s32 $0x108;
	_ =	swait.ge @!p0 [sflag:s8], $0x0  }
0x24: {  	s3 =	sadd.s32 $0x88, s3;
	s6 =	simm.s32 @!p1 $0x1082;
	[sflag:s4] =	ssyncset.s32 $0xFFFFF086  }
0x25: {  	[simem:s6], [sflag:s4] =	dma.local [hbm:s3], $0xF7A  }
0x26: {  	[smem:$0x3F96] =	sst s1;
	(tag) =	ssettag s2;
	_ =	strace s9  }
0x27: {  	s1 =	sld [smem:$0x3FA6]  }
0x28: {  	s2 =	sld [smem:$0x3FA7]  }
0x29: {  	s4 =	sld [smem:$0x3FA9]  }
0x2a: {  	p0 =	seq.s32 s5, $0x0;
	s5 =	sld [smem:$0x3FAA]  }
0x2b: {  	s6 =	sld [smem:$0x3FAB]  }
0x2c: {  	s7 =	sld [smem:$0x3FAC]  }
0x2d: {  	s3 =	simm.s32 $0x108;
	s8 =	sld [smem:$0x3FAD]  }
0x2e: {  	s3 =	simm.s32 @!p0 $0x1082;
	s9 =	sld [smem:$0x3FAE]  }
0x2f: {  	lr =	sadd.s32 s0, s3;
	s0 =	sld [smem:$0x3FA5]  }
0x30: {  	s3 =	sld [smem:$0x3FA8]  }
0x31: {  	[smem:$0x3FB1] =	sst s10  }
0x32: {  	s10 =	sld [smem:$0x3FAF];
	_ =	sdelay $0x3  }
0x33: {  	p0 =	seq.s32 s10, $0x1;
	s10 =	sld [smem:$0x3FB1];
	_ =	sdelay $0x3  }
0x34: {  	[smem:$0x3FB1] =	sst s10  }
0x35: {  	s10 =	sld [smem:$0x3FB0];
	_ =	sdelay $0x3  }
0x36: {  	p1 =	seq.s32 s10, $0x1;
	s10 =	sld [smem:$0x3FB1];
	_ =	sdelay $0x3  }
0x37: {  	[smem:$0x3FB1] =	sst s10  }
0x38: {  	s10 =	sld [smem:$0x3FB2]  }
0x39: {  	_ = 	snop;
	(pc) =	sbr.ind lr, $3  }
0x3a: {  	_ = 	snop  }
0x3b: {  	_ = 	snop  }
0x3c: {  	p2 =	seq.s32 s10, $0x1;
	s10 =	sld [smem:$0x3FB1]  }
0x3d: {  	_ =	shalt  }
0x3e: {  	_ =	shalt  }
0x3f: {  	_ =	shalt  }
0x40: {  	_ =	shalt  }
0x41: {  	_ =	shalt  }
0x42: {  	_ =	shalt  }
0x43: {  	_ =	shalt  }
0x44: {  	_ =	shalt  }
0x45: {  	_ =	shalt  }
0x46: {  	_ =	shalt  }
0x47: {  	_ =	shalt  }
0x48: {  	_ =	shalt  }
0x49: {  	_ =	shalt  }
0x4a: {  	_ =	shalt  }
0x4b: {  	_ =	shalt  }
0x4c: {  	_ =	shalt  }
0x4d: {  	_ =	shalt  }
0x4e: {  	_ =	shalt  }
0x4f: {  	_ =	shalt  }
0x50: {  	_ =	shalt  }
0x51: {  	_ =	shalt  }
0x52: {  	_ =	shalt  }
0x53: {  	_ =	shalt  }
0x54: {  	_ =	shalt  }
0x55: {  	_ =	shalt  }
0x56: {  	_ =	shalt  }
0x57: {  	_ =	shalt  }
0x58: {  	_ =	shalt  }
0x59: {  	_ =	shalt  }
0x5a: {  	_ =	shalt  }
0x5b: {  	_ =	shalt  }
0x5c: {  	_ =	shalt  }
0x5d: {  	_ =	shalt  }
0x5e: {  	_ =	shalt  }
0x5f: {  	_ =	shalt  }
0x60: {  	_ =	shalt  }
0x61: {  	_ =	shalt  }
0x62: {  	_ =	shalt  }
0x63: {  	_ =	shalt  }
0x64: {  	_ =	shalt  }
0x65: {  	_ =	shalt  }
0x66: {  	_ =	shalt  }
0x67: {  	_ =	shalt  }
0x68: {  	_ =	shalt  }
0x69: {  	_ =	shalt  }
0x6a: {  	_ =	shalt  }
0x6b: {  	_ =	shalt  }
0x6c: {  	_ =	shalt  }
0x6d: {  	_ =	shalt  }
0x6e: {  	_ =	shalt  }
0x6f: {  	_ =	shalt  }
0x70: {  	_ =	shalt  }
0x71: {  	_ =	shalt  }
0x72: {  	_ =	shalt  }
0x73: {  	_ =	shalt  }
0x74: {  	_ =	shalt  }
0x75: {  	_ =	shalt  }
0x76: {  	_ =	shalt  }
0x77: {  	_ =	shalt  }
0x78: {  	_ =	shalt  }
0x79: {  	_ =	shalt  }
0x7a: {  	_ =	shalt  }
0x7b: {  	_ =	shalt  }
0x7c: {  	_ =	shalt  }
0x7d: {  	_ =	shalt  }
0x7e: {  	_ =	shalt  }
0x7f: {  	_ =	shalt  }
0x80: {  	_ =	shalt  }
0x81: {  	_ =	shalt  }
0x82: {  	_ =	shalt  }
0x83: {  	_ =	shalt  }
0x84: {  	_ =	shalt  }
0x85: {  	_ =	shalt  }
0x86: {  	_ =	shalt  }
0x87: {  	_ =	shalt  }
.Lfunc_end0:
.L_simem_size_0:
called_computation.2_lowered:
.L_overlay_start_0:
0x88: {  	s2 =	sld [smem:$0x3FD9]  }
0x89: {  	s3 =	sld [smem:$0x3FFE];
	_ =	sdelay $0x1  }
0x8a: {  	s1 =	srdreg.scid  }
0x8b: {  	s0 =	sand.u32 $0x1, s1  }
0x8c: {  	s17 =	sshll.u32 s0, $0xA;
	s2 =	sadd.s32 s3, s2  }
0x8d: {  	s2 =	sadd.s32 s2, s17  }
0x8e: {  	[smem:$0x3FBD] =	sst s2  }
0x8f: {  	_ = 	snop  }
0x90: {  	s2 =	sld [smem:$0x3FD0];
	(tm) =	ssettm $0x1  }
0x91: {  	s18 =	sld [smem:$0x3FFB];
	_ =	sdelay $0x3  }
0x92: {  	_ =	strace s18  }
0x93: {  	s3 =	sld [smem:$0x3FFC];
	_ =	sdelay $0x3  }
0x94: {  	_ =	strace s3  }
0x95: {  	s3 =	sld [smem:$0x3FFD];
	_ =	sdelay $0x3  }
0x96: {  	_ =	strace s3  }
0x97: {  	_ =	strace $0x8FFFFFFF  }
0x98: {  	s19 =	sld [smem:$0x3FDB];
	_ =	sdelay $0x1  }
0x99: {  	s4 =	simm.s32 $_scs_section_size  }
0x9a: {  	s5 =	simm.s32 $_size__tile_overlayer_lowered;
	s6 =	simm.s32 $_tile_overlayer_lowered  }
0x9b: {  	s22 =	simm.s32 $0x1BFF;
	s21 =	sshll.u32 s6, $0x1;
	s3 =	sadd.s32 s4, s19  }
0x9c: {  	s7 =	simm.s32 $0x0;
	s20 =	sshll.u32 s5, $0x1;
	s5 =	sadd.s32 s21, s3  }
0x9d: {  	[timem:s7], [sflag:s22] =	dma.local [hbm:s5], s20  }
0x9e: {  	_ =	swait.ge [sflag:s22], s20  }
0x9f: {  	s4 =	ssub.s32 $0x0, s20;
	[sflag:s22] =	ssyncset.done $0x0  }
0xa0: {  	[sflag:s22] =	ssyncadd.s32 s4;
	_ =	sdelay $0x1  }
0xa1: {  	s23 =	simm.s32 $0x1B8B  }
0xa2: {  	_ =	swait.ge [sflag:s23], $0x1  }
0xa3: {  	[sflag:s23] =	ssyncset.done $0x0  }
0xa4: {  	s25 =	simm.s32 $0x1B8E;
	s24 =	sld [smem:$0x3FFE];
	[sflag:s23] =	ssyncadd.s32 $0xFFFFFFFF  }
0xa5: {  	s26 =	simm.s32 $execute0_lowered;
	[smem:$0x3FD2] =	sst s25  }
0xa6: {  	s5 =	sshll.u32 s26, $0x1;
	_ =	strace $0x8000004C;
	[dreg:$0x1] =	wrdreg $0xFFFFFFFF  }
0xa7: {  	s28 =	simm.s32 $_size_execute0_lowered;
	s3 =	sadd.s32 s3, s5;
	[dreg:$0x0] =	wrdreg $0x0  }
0xa8: {  	s5 =	sshll.u32 s28, $0x1;
	[dreg:$0x2] =	wrdreg s3  }
0xa9: {  	[dreg:$0x3] =	wrdreg s5  }
0xaa: {  	[dreg:$0x4] =	wrdreg $0xC0  }
0xab: {  	_ =	task [dreg:s7], $0x5FFFF  }
0xac: {  	[dreg:$0x1] =	wrdreg $0xFFFFFFFF  }
0xad: {  	[dreg:$0x0] =	wrdreg $0x60  }
0xae: {  	[dreg:$0x2] =	wrdreg s24  }
0xaf: {  	[dreg:$0x3] =	wrdreg s2  }
0xb0: {  	[dreg:$0x4] =	wrdreg $0x0  }
0xb1: {  	[dreg:$0x5] =	wrdreg $0x9  }
0xb2: {  	_ =	task.clear_ibuf [dreg:s7], $0x6FFFF;
	_ =	strace $0x9000004C  }
0xb3: {  	s29 =	simm.s32 $0x9;
	_ =	strace $0x8000004E  }
0xb4: {  	_ =	swait.ge [sflag:s29], $0x1  }
0xb5: {  	[sflag:s29] =	ssyncadd.s32 $0xFFFFFFFF  }
0xb6: {  	_ =	strace $0x9000004E  }
0xb7: {  	_ =	sfence  }
0xb8: {  	s30 =	sld [smem:$0x0];
	_ =	sdelay $0x2  }
0xb9: {  	s31 =	sshll.u32 s1, $0xD;
	s1 =	sshrl.u32 s1, $0x2  }
0xba: {  	s3 =	sand.u32 $0x4000, s31;
	s1 =	sadd.s32 s1, s30  }
0xbb: {  	s0 =	sor.u32 s3, s0;
	s1 =	sshll.u32 s1, $0x11  }
0xbc: {  	s0 =	sor.u32 s1, s0  }
0xbd: {  	s0 =	sadd.s32 $0x8F2B, s0  }
0xbe: {  	[sflag:s0] =	ssyncadd.remote.s32 $0x1  }
0xbf: {  	_ =	sfence.sel $0xFFFF  }
0xc0: {  	[dreg:$0x0] =	wrdreg $0xFFFFFFFF;
	(pc) =	sbr.abs _section_cstart, $3  }
0xc1: {  	[dreg:$0x1] =	wrdreg $0xFFFFFFFF  }
0xc2: {  	_ =	task.clear_ibuf [dreg:s7], $0x2FFFF;
	_ =	strace $0x9FFFFFFF  }
0xc3: {  	(tm) =	ssettm $0x7FFFFFFF  }
tec
execute0_lowered:
.L_overlay_start_1:
0x0: {  	(tag) =	ssettag $0x1  }
0x1: {  	s8 =	rddreg [dreg:$0x0]  }
0x2: {  	s1 =	rddreg [dreg:$0x1]  }
0x3: {  	s2 =	rddreg [dreg:$0x2]  }
0x4: {  	s0 =	rddreg [dreg:$0x3];
	s3 =	simm.s32 $0x0  }
0x5: {  	s6 =	srdreg.scid;
	s4 =	stileid.u32;
	s23 =	simm.s32 $0x14080  }
0x6: {  	s24 =	simm.s32 $0x80;
	s25 =	simm.s32 $0x1;
	s26 =	simm.s32 $0x0  }
0x7: {  	[smem:$0x7FF] =	sst s3;
	s5 =	sadd.s32 $0xDA00, s8;
	s9 =	sand.u32 $0x1, s6  }
0x8: {  	s6 =	sadd.s32 $0x3A00, s8;
	s11 =	smul.u32 $0x50000, s4;
	s7 =	sadd.s32 $0x35A00, s8  }
0x9: {  	s18 =	sadd.s32 $0x36200, s8;
	s13 =	smul.u32 $0x14000, s4;
	_ =	strace $0x8000004D  }
0xa: {  	s10 =	ssub.s32 $0x2, s9;
	s12 =	sshll.u32 s9, $0x4;
	s17 =	smul.u32 $0x140000, s9  }
0xb: {  	s30 =	sshrl.u32 s10, $0x1;
	s11 =	sshrl.u32 s11, $0x2;
	s14 =	sor.u32 s4, s12  }
0xc: {  	s15 =	sadd.s32 $0x4000, s13;
	s16 =	sadd.s32 $0x8000, s13;
	s20 =	sadd.s32 $0xC000, s13  }
0xd: {  	s21 =	sadd.s32 $0x10000, s13;
	s19 =	ssub.s32 s10, s30;
	s8 =	sadd.s32 s11, s2  }
0xe: {  	s9 =	sadd.s32 s15, s2;
	s10 =	sadd.s32 s16, s2;
	s11 =	sadd.s32 s20, s2  }
0xf: {  	s13 =	sadd.s32 s13, s17;
	s12 =	sadd.s32 s21, s2;
	s15 =	sadd.s32 s17, s15  }
0x10: {  	s16 =	sadd.s32 s17, s16;
	s20 =	sadd.s32 s17, s20;
	s21 =	sadd.s32 s17, s21  }
0x11: {  	s22 =	sshrl.u32 s13, $0x3;
	s13 =	smul.u32 $0x2800, s14;
	s15 =	sshrl.u32 s15, $0x3  }
0x12: {  	s16 =	sshrl.u32 s16, $0x3;
	s20 =	sshrl.u32 s20, $0x3;
	s31 =	sshrl.u32 s21, $0x3  }
0x13: {  	s19 =	smax.u32 s19, $0x1;
	s21 =	simm.s32 $0x2;
	s14 =	sadd.s32 s18, s22  }
0x14: {  	s15 =	sadd.s32 s18, s15;
	s16 =	sadd.s32 s18, s16;
	s17 =	sadd.s32 s18, s20  }
0x15: {  	s18 =	sadd.s32 s18, s31;
	s20 =	simm.s32 $0x14100;
	s22 =	simm.s32 $0x14000  }
.LBB2_1:
0x16: {  	[tilespmem:s20], [sflag:$0x2] =	stream.linear.gather [hbm4b:s7+s3], $0x4000, $0x38;
	[tilespmem:$0x18100] =	vst v63  }
0x17: {  	_ =	swait.ge [sflag:s21], $0x4000  }
0x18: {  	[sflag:s21] =	ssyncset.done $0x0  }
0x19: {  	[sflag:s21] =	ssyncadd.s32 $0xFFFFC000  }
0x1a: {  	[spmem:s8] =	stream.linear.scatter [tilespmem:s20], [sflag:$0x2], $0x4000, $0x38;
	[tilespmem:$0x18100] =	vst v63  }
0x1b: {  	_ =	swait.ge [sflag:s21], $0x4000  }
0x1c: {  	[sflag:s21] =	ssyncset.done $0x0  }
0x1d: {  	[sflag:s21] =	ssyncadd.s32 $0xFFFFC000  }
0x1e: {  	[spmem:s9] =	stream.linear.scatter [tilespmem:s20], [sflag:$0x2], $0x4000, $0x38;
	[tilespmem:$0x18100] =	vst v63  }
0x1f: {  	_ =	swait.ge [sflag:s21], $0x4000  }
0x20: {  	[sflag:s21] =	ssyncset.done $0x0  }
0x21: {  	[sflag:s21] =	ssyncadd.s32 $0xFFFFC000  }
0x22: {  	[spmem:s10] =	stream.linear.scatter [tilespmem:s20], [sflag:$0x2], $0x4000, $0x38;
	[tilespmem:$0x18100] =	vst v63  }
0x23: {  	_ =	swait.ge [sflag:s21], $0x4000  }
0x24: {  	[sflag:s21] =	ssyncset.done $0x0  }
0x25: {  	[sflag:s21] =	ssyncadd.s32 $0xFFFFC000  }
0x26: {  	[spmem:s11] =	stream.linear.scatter [tilespmem:s20], [sflag:$0x2], $0x4000, $0x38;
	[tilespmem:$0x18100] =	vst v63  }
0x27: {  	_ =	swait.ge [sflag:s21], $0x4000  }
0x28: {  	[sflag:s21] =	ssyncset.done $0x0  }
0x29: {  	s28 =	sand.u32 $0x3C00, s3;
	[sflag:s21] =	ssyncadd.s32 $0xFFFFC000  }
0x2a: {  	[spmem:s12] =	stream.linear.scatter [tilespmem:s20], [sflag:$0x2], $0x4000, $0x38;
	[tilespmem:$0x18100] =	vst v63  }
0x2b: {  	s29 =	sand.u32 $0x380, s3;
	s28 =	sadd.s32 s13, s28;
	_ =	swait.ge [sflag:s21], $0x4000  }
0x2c: {  	s28 =	sor.u32 s29, s28;
	[sflag:s21] =	ssyncset.done $0x0  }
0x2d: {  	s28 =	sshrl.u32 s28, $0x3;
	[sflag:s21] =	ssyncadd.s32 $0xFFFFC000  }
0x2e: {  	s29 =	sadd.s32 s1, s28;
	[bflag:$0x0] =	sbarrier.arrive $0xFFFF  }
0x2f: {  	[tilespmem:s22], [sflag:$0x2] =	stream.linear.gather [hbm4b:s29+s3], $0x80, $0x38;
	[tilespmem:$0x18100] =	vst v63  }
0x30: {  	_ =	swait.ge [sflag:s21], $0x80  }
0x31: {  	[sflag:s21] =	ssyncset.done $0x0  }
0x32: {  	s28 =	sadd.s32 s6, s28;
	[sflag:s21] =	ssyncadd.s32 $0xFFFFFF80  }
0x33: {  	[tilespmem:s23], [sflag:$0x2] =	stream.linear.gather [hbm4b:s28+s3], $0x80, $0x38;
	[tilespmem:$0x18100] =	vst v63  }
0x34: {  	_ =	swait.ge [sflag:s21], $0x80  }
0x35: {  	[sflag:s21] =	ssyncset.done $0x0  }
0x36: {  	[sflag:s21] =	ssyncadd.s32 $0xFFFFFF80  }
0x37: {  	[tilespmem:s20], [sflag:$0x1] =	stream.indirect.gather [hbm4b:s5+s24], $0x80, s22, s24, $0xb8;
	[tilespmem:$0x18100] =	vst v63  }
0x38: {  	_ =	swait.ge [sflag:s25], $0x4000  }
0x39: {  	s28 =	simm.s32 $0x80;
	[sflag:s25] =	ssyncset.done $0x0  }
0x3a: {  	s29 =	sand.u32 $0x3C00, s28;
	[sflag:s25] =	ssyncadd.s32 $0xFFFFC000  }
0x3b: {  	[spmem:s2] =	stream.indirect.scatter.add.f32 [tilespmem:s20], [sflag:$0x2], $0x80, s23, s24, $0xb8;
	[tilespmem:$0x18100] =	vst v63  }
0x3c: {  	s30 =	sand.u32 $0x380, s28;
	s29 =	sadd.s32 s13, s29;
	_ =	swait.ge [sflag:s21], $0x4000  }
0x3d: {  	s28 =	simm.s32 $0x100;
	s29 =	sor.u32 s30, s29;
	[sflag:s21] =	ssyncset.done $0x0  }
.LBB2_2:
0x3e: {  	s29 =	sshrl.u32 s29, $0x3  }
0x3f: {  	[sflag:s21] =	ssyncadd.s32 $0xFFFFC000;
	s30 =	smov.u32 s28;
	s31 =	sadd.s32 $0x80, s28  }
0x40: {  	p0 =	sne.s32 s28, $0x2700;
	s28 =	sadd.s32 s1, s29  }
0x41: {  	[tilespmem:s22], [sflag:$0x2] =	stream.linear.gather [hbm4b:s28+s3], $0x80, $0x38;
	[tilespmem:$0x18100] =	vst v63  }
0x42: {  	_ =	swait.ge [sflag:s21], $0x80  }
0x43: {  	[sflag:s21] =	ssyncset.done $0x0  }
0x44: {  	s28 =	sadd.s32 s6, s29;
	[sflag:s21] =	ssyncadd.s32 $0xFFFFFF80  }
0x45: {  	[tilespmem:s23], [sflag:$0x2] =	stream.linear.gather [hbm4b:s28+s3], $0x80, $0x38;
	[tilespmem:$0x18100] =	vst v63  }
0x46: {  	_ =	swait.ge [sflag:s21], $0x80  }
0x47: {  	[sflag:s21] =	ssyncset.done $0x0  }
0x48: {  	[sflag:s21] =	ssyncadd.s32 $0xFFFFFF80  }
0x49: {  	[tilespmem:s20], [sflag:$0x1] =	stream.indirect.gather [hbm4b:s5+s24], $0x80, s22, s24, $0xb8;
	[tilespmem:$0x18100] =	vst v63  }
0x4a: {  	_ =	swait.ge [sflag:s25], $0x4000  }
.Ltmp0:
0x4b: {  	[sflag:s25] =	ssyncset.done $0x0;
	(pc) =	sbr.rel @p0 .LBB2_2-.Ltmp0, $4  }
0x4c: {  	s28 =	sand.u32 $0x3C00, s30;
	[sflag:s25] =	ssyncadd.s32 $0xFFFFC000  }
0x4d: {  	[spmem:s2] =	stream.indirect.scatter.add.f32 [tilespmem:s20], [sflag:$0x2], $0x80, s23, s24, $0xb8;
	[tilespmem:$0x18100] =	vst v63  }
0x4e: {  	s29 =	sand.u32 $0x380, s30;
	s28 =	sadd.s32 s13, s28;
	_ =	swait.ge [sflag:s21], $0x4000  }
0x4f: {  	s29 =	sor.u32 s29, s28;
	s28 =	smov.u32 s31;
	[sflag:s21] =	ssyncset.done $0x0  }
0x50: {  	s28 =	sshrl.u32 s29, $0x3  }
0x51: {  	[sflag:s21] =	ssyncadd.s32 $0xFFFFC000;
	s29 =	sadd.s32 s1, s28  }
0x52: {  	[tilespmem:s22], [sflag:$0x2] =	stream.linear.gather [hbm4b:s29+s3], $0x80, $0x38;
	[tilespmem:$0x18100] =	vst v63  }
0x53: {  	_ =	swait.ge [sflag:s21], $0x80  }
0x54: {  	[sflag:s21] =	ssyncset.done $0x0  }
0x55: {  	s28 =	sadd.s32 s6, s28;
	[sflag:s21] =	ssyncadd.s32 $0xFFFFFF80  }
0x56: {  	[tilespmem:s23], [sflag:$0x2] =	stream.linear.gather [hbm4b:s28+s3], $0x80, $0x38;
	[tilespmem:$0x18100] =	vst v63  }
0x57: {  	_ =	swait.ge [sflag:s21], $0x80  }
0x58: {  	[sflag:s21] =	ssyncset.done $0x0  }
0x59: {  	[sflag:s21] =	ssyncadd.s32 $0xFFFFFF80  }
0x5a: {  	[tilespmem:s20], [sflag:$0x1] =	stream.indirect.gather [hbm4b:s5+s24], $0x80, s22, s24, $0xb8;
	[tilespmem:$0x18100] =	vst v63  }
0x5b: {  	_ =	swait.ge [sflag:s25], $0x4000  }
0x5c: {  	[sflag:s25] =	ssyncset.done $0x0  }
0x5d: {  	[sflag:s25] =	ssyncadd.s32 $0xFFFFC000  }
0x5e: {  	[spmem:s2] =	stream.indirect.scatter.add.f32 [tilespmem:s20], [sflag:$0x2], $0x80, s23, s24, $0xb8;
	[tilespmem:$0x18100] =	vst v63  }
0x5f: {  	_ =	swait.ge [sflag:s21], $0x4000  }
0x60: {  	[sflag:s21] =	ssyncset.done $0x0  }
0x61: {  	[sflag:s21] =	ssyncadd.s32 $0xFFFFC000  }
0x62: {  	[bflag:$0x0] =	sbarrier.arrive $0xFFFF  }
0x63: {  	[tilespmem:s20], [sflag:$0x2] =	stream.linear.gather [spmem:s8], $0x4000, $0x38;
	[tilespmem:$0x18100] =	vst v63  }
0x64: {  	_ =	swait.ge [sflag:s21], $0x4000  }
0x65: {  	[sflag:s21] =	ssyncset.done $0x0  }
0x66: {  	[sflag:s21] =	ssyncadd.s32 $0xFFFFC000  }
0x67: {  	[hbm4b:s14+s3] =	stream.linear.scatter [tilespmem:s20], [sflag:$0x2], $0x4000, $0x38;
	[tilespmem:$0x18100] =	vst v63  }
0x68: {  	_ =	swait.ge [sflag:s21], $0x4000  }
0x69: {  	[sflag:s21] =	ssyncset.done $0x0  }
0x6a: {  	[sflag:s21] =	ssyncadd.s32 $0xFFFFC000  }
0x6b: {  	[tilespmem:s20], [sflag:$0x2] =	stream.linear.gather [spmem:s9], $0x4000, $0x38;
	[tilespmem:$0x18100] =	vst v63  }
0x6c: {  	_ =	swait.ge [sflag:s21], $0x4000  }
0x6d: {  	[sflag:s21] =	ssyncset.done $0x0  }
0x6e: {  	[sflag:s21] =	ssyncadd.s32 $0xFFFFC000  }
0x6f: {  	[hbm4b:s15+s3] =	stream.linear.scatter [tilespmem:s20], [sflag:$0x2], $0x4000, $0x38;
	[tilespmem:$0x18100] =	vst v63  }
0x70: {  	_ =	swait.ge [sflag:s21], $0x4000  }
0x71: {  	[sflag:s21] =	ssyncset.done $0x0  }
0x72: {  	[sflag:s21] =	ssyncadd.s32 $0xFFFFC000  }
0x73: {  	[tilespmem:s20], [sflag:$0x2] =	stream.linear.gather [spmem:s10], $0x4000, $0x38;
	[tilespmem:$0x18100] =	vst v63  }
0x74: {  	_ =	swait.ge [sflag:s21], $0x4000  }
0x75: {  	[sflag:s21] =	ssyncset.done $0x0  }
0x76: {  	[sflag:s21] =	ssyncadd.s32 $0xFFFFC000  }
0x77: {  	[hbm4b:s16+s3] =	stream.linear.scatter [tilespmem:s20], [sflag:$0x2], $0x4000, $0x38;
	[tilespmem:$0x18100] =	vst v63  }
0x78: {  	_ =	swait.ge [sflag:s21], $0x4000  }
0x79: {  	[sflag:s21] =	ssyncset.done $0x0  }
0x7a: {  	[sflag:s21] =	ssyncadd.s32 $0xFFFFC000  }
0x7b: {  	[tilespmem:s20], [sflag:$0x2] =	stream.linear.gather [spmem:s11], $0x4000, $0x38;
	[tilespmem:$0x18100] =	vst v63  }
0x7c: {  	_ =	swait.ge [sflag:s21], $0x4000  }
0x7d: {  	[sflag:s21] =	ssyncset.done $0x0  }
0x7e: {  	[sflag:s21] =	ssyncadd.s32 $0xFFFFC000  }
0x7f: {  	[hbm4b:s17+s3] =	stream.linear.scatter [tilespmem:s20], [sflag:$0x2], $0x4000, $0x38;
	[tilespmem:$0x18100] =	vst v63  }
0x80: {  	_ =	swait.ge [sflag:s21], $0x4000  }
0x81: {  	[sflag:s21] =	ssyncset.done $0x0  }
0x82: {  	[sflag:s21] =	ssyncadd.s32 $0xFFFFC000  }
0x83: {  	[tilespmem:s20], [sflag:$0x2] =	stream.linear.gather [spmem:s12], $0x4000, $0x38;
	[tilespmem:$0x18100] =	vst v63  }
0x84: {  	s26 =	sadd.s32 $0x1, s26;
	_ =	swait.ge [sflag:s21], $0x4000  }
0x85: {  	p0 =	sne.s32 s26, s19;
	[sflag:s21] =	ssyncset.done $0x0  }
.Ltmp1:
0x86: {  	[sflag:s21] =	ssyncadd.s32 $0xFFFFC000;
	(pc) =	sbr.rel @p0 .LBB2_1-.Ltmp1, $4  }
0x87: {  	[hbm4b:s18+s3] =	stream.linear.scatter [tilespmem:s20], [sflag:$0x2], $0x4000, $0x38;
	[tilespmem:$0x18100] =	vst v63  }
0x88: {  	_ =	swait.ge [sflag:s21], $0x4000  }
0x89: {  	[sflag:s21] =	ssyncset.done $0x0  }
0x8a: {  	[sflag:s21] =	ssyncadd.s32 $0xFFFFC000  }
0x8b: {  	_ =	sfence.sel $0x180000  }
0x8c: {  	[bflag:$0x0] =	sbarrier.arrive $0xFFFF  }
0x8d: {  	p0 =	sne.s32 s4, $0x0;
	_ =	strace $0x9000004D  }
0x8e: {  	s0 =	sadd.s32 @!p0 $0x100000, s0;
	[bflag:$0x2] =	sbarrier.arrive $0xFFFF  }
0x8f: {  	[sflag:s0] =	ssyncadd.tile.s32 @!p0 $0x1;
	_ =	shalt  }
.Lfunc_end2:
_tile_overlayer_lowered:
.L_overlay_start_2:
0x90: {  	(tag) =	ssettag $0x2  }
0x91: {  	s0 =	rddreg [dreg:$0x0];
	s2 =	stileid.u32  }
0x92: {  	s1 =	rddreg [dreg:$0x1];
	p0 =	sne.s32 s2, $0x0  }
0x93: {  	s3 =	rddreg [dreg:$0x2];
	[bflag:$0x3] =	sbarrier.arrive $0xFFFF;
	s2 =	simm.s32 @!p0 $0x1C02  }
0x94: {  	[timem:s3], [sflag:s2] =	dma.local @!p0 [hbm:s0], s1  }
0x95: {  	s0 =	simm.s32 @!p0 $0x2  }
0x96: {  	_ =	swait.ge @!p0 [sflag:s0], s1  }
0x97: {  	s1 =	ssub.s32 @!p0 $0x0, s1;
	[sflag:s0] =	ssyncset.done @!p0 $0x0  }
0x98: {  	[sflag:s0] =	ssyncadd.s32 @!p0 s1  }
0x99: {  	[bflag:$0x3] =	sbarrier.arrive $0xFFFF  }
0x9a: {  	_ =	shalt  }

// kernel: kernel.18.cloned.1.call-start
scs
__scs_entry_jumppad:
0x0: {  	(pc) =	sbr.rel $0x88, $3  }
0x1: {  	(tag) =	ssettag $0x0;
	lr =	simm.s32 $0x1  }
0x2: {  	[smem:$0x3F96] =	sst lr;
	_ =	strace $0xD0000000  }
0x3: {  	_ = 	snop  }
0x4: {  	_ = 	snop  }
0x5: {  	_ = 	snop  }
0x6: {  	_ = 	snop  }
0x7: {  	_ = 	snop  }
__scs_overlays_trampoline_lowered:
0x8: {  	[smem:$0x3FA5] =	sst s0  }
0x9: {  	[smem:$0x3FA6] =	sst s1  }
0xa: {  	[smem:$0x3FA7] =	sst s2  }
0xb: {  	[smem:$0x3FA8] =	sst s3  }
0xc: {  	[smem:$0x3FA9] =	sst s4  }
0xd: {  	[smem:$0x3FAA] =	sst s5  }
0xe: {  	[smem:$0x3FAB] =	sst s6  }
0xf: {  	[smem:$0x3FAC] =	sst s7  }
0x10: {  	[smem:$0x3FAD] =	sst s8  }
0x11: {  	[smem:$0x3FAE] =	sst s9;
	s0 =	simm.s32 @!p0 $0x0  }
0x12: {  	s1 =	sld [smem:$0x3F94];
	s0 =	simm.s32 @p0 $0x1  }
0x13: {  	[smem:$0x3FAF] =	sst s0;
	s0 =	simm.s32 @!p1 $0x0  }
0x14: {  	s2 =	sld [smem:$0x3F93];
	s0 =	simm.s32 @p1 $0x1  }
0x15: {  	[smem:$0x3FB0] =	sst s0;
	s0 =	simm.s32 @!p2 $0x0  }
0x16: {  	s3 =	sld [smem:$0x3FDB];
	s0 =	simm.s32 @p2 $0x1  }
0x17: {  	s4 =	simm.s32 $0x1BF5;
	[smem:$0x3FB2] =	sst s0  }
0x18: {  	s0 =	sld [smem:$0x3F95];
	_ =	swait.ge [sflag:s4], $0x0  }
0x19: {  	s7 =	sld [smem:$0x3F96]  }
0x1a: {  	s8 =	sadd.s32 $0xFFFFE003, lr  }
0x1b: {  	s9 =	sadd.s32 $0xFFFFFEF7, lr;
	s5 =	simm.s32 $0xFFFFFFFF;
	p2 =	slt.u32 s8, $0xFFFFF086  }
0x1c: {  	p1 =	slt.u32 s9, $0xF7A;
	s5 =	simm.s32 @!p2 $0x0  }
0x1d: {  	s5 =	simm.s32 @p1 $0x1;
	p0 =	seq.s32 s7, s2  }
0x1e: {  	s7 =	smul.u32 @!p0 $0xF7A, s2;
	p2 =	seq.s32 @!p0 s5, $0x0  }
0x1f: {  	s9 =	smul.u32 $0xF7A, s1;
	s8 =	simm.s32 @!p0 $0x1BF5;
	p2 =	por !p2, p0  }
0x20: {  	[sflag:s8] =	ssyncset.s32 @!p0 $0xFFFFF086;
	s6 =	sadd.s32 @!p0 s3, s7;
	s7 =	simm.s32 @!p0 $0x108  }
0x21: {  	s3 =	sadd.s32 s3, s9;
	s6 =	sadd.s32 @!p0 $0x88, s6;
	s7 =	simm.s32 @p2 $0x1082  }
0x22: {  	[simem:s7], [sflag:s8] =	dma.local @!p0 [hbm:s6], $0xF7A  }
0x23: {  	s9 =	sor.u32 $0xD0000000, s2;
	s6 =	simm.s32 $0x108;
	_ =	swait.ge @!p0 [sflag:s8], $0x0  }
0x24: {  	s3 =	sadd.s32 $0x88, s3;
	s6 =	simm.s32 @!p1 $0x1082;
	[sflag:s4] =	ssyncset.s32 $0xFFFFF086  }
0x25: {  	[simem:s6], [sflag:s4] =	dma.local [hbm:s3], $0xF7A  }
0x26: {  	[smem:$0x3F96] =	sst s1;
	(tag) =	ssettag s2;
	_ =	strace s9  }
0x27: {  	s1 =	sld [smem:$0x3FA6]  }
0x28: {  	s2 =	sld [smem:$0x3FA7]  }
0x29: {  	s4 =	sld [smem:$0x3FA9]  }
0x2a: {  	p0 =	seq.s32 s5, $0x0;
	s5 =	sld [smem:$0x3FAA]  }
0x2b: {  	s6 =	sld [smem:$0x3FAB]  }
0x2c: {  	s7 =	sld [smem:$0x3FAC]  }
0x2d: {  	s3 =	simm.s32 $0x108;
	s8 =	sld [smem:$0x3FAD]  }
0x2e: {  	s3 =	simm.s32 @!p0 $0x1082;
	s9 =	sld [smem:$0x3FAE]  }
0x2f: {  	lr =	sadd.s32 s0, s3;
	s0 =	sld [smem:$0x3FA5]  }
0x30: {  	s3 =	sld [smem:$0x3FA8]  }
0x31: {  	[smem:$0x3FB1] =	sst s10  }
0x32: {  	s10 =	sld [smem:$0x3FAF];
	_ =	sdelay $0x3  }
0x33: {  	p0 =	seq.s32 s10, $0x1;
	s10 =	sld [smem:$0x3FB1];
	_ =	sdelay $0x3  }
0x34: {  	[smem:$0x3FB1] =	sst s10  }
0x35: {  	s10 =	sld [smem:$0x3FB0];
	_ =	sdelay $0x3  }
0x36: {  	p1 =	seq.s32 s10, $0x1;
	s10 =	sld [smem:$0x3FB1];
	_ =	sdelay $0x3  }
0x37: {  	[smem:$0x3FB1] =	sst s10  }
0x38: {  	s10 =	sld [smem:$0x3FB2]  }
0x39: {  	_ = 	snop;
	(pc) =	sbr.ind lr, $3  }
0x3a: {  	_ = 	snop  }
0x3b: {  	_ = 	snop  }
0x3c: {  	p2 =	seq.s32 s10, $0x1;
	s10 =	sld [smem:$0x3FB1]  }
0x3d: {  	_ =	shalt  }
0x3e: {  	_ =	shalt  }
0x3f: {  	_ =	shalt  }
0x40: {  	_ =	shalt  }
0x41: {  	_ =	shalt  }
0x42: {  	_ =	shalt  }
0x43: {  	_ =	shalt  }
0x44: {  	_ =	shalt  }
0x45: {  	_ =	shalt  }
0x46: {  	_ =	shalt  }
0x47: {  	_ =	shalt  }
0x48: {  	_ =	shalt  }
0x49: {  	_ =	shalt  }
0x4a: {  	_ =	shalt  }
0x4b: {  	_ =	shalt  }
0x4c: {  	_ =	shalt  }
0x4d: {  	_ =	shalt  }
0x4e: {  	_ =	shalt  }
0x4f: {  	_ =	shalt  }
0x50: {  	_ =	shalt  }
0x51: {  	_ =	shalt  }
0x52: {  	_ =	shalt  }
0x53: {  	_ =	shalt  }
0x54: {  	_ =	shalt  }
0x55: {  	_ =	shalt  }
0x56: {  	_ =	shalt  }
0x57: {  	_ =	shalt  }
0x58: {  	_ =	shalt  }
0x59: {  	_ =	shalt  }
0x5a: {  	_ =	shalt  }
0x5b: {  	_ =	shalt  }
0x5c: {  	_ =	shalt  }
0x5d: {  	_ =	shalt  }
0x5e: {  	_ =	shalt  }
0x5f: {  	_ =	shalt  }
0x60: {  	_ =	shalt  }
0x61: {  	_ =	shalt  }
0x62: {  	_ =	shalt  }
0x63: {  	_ =	shalt  }
0x64: {  	_ =	shalt  }
0x65: {  	_ =	shalt  }
0x66: {  	_ =	shalt  }
0x67: {  	_ =	shalt  }
0x68: {  	_ =	shalt  }
0x69: {  	_ =	shalt  }
0x6a: {  	_ =	shalt  }
0x6b: {  	_ =	shalt  }
0x6c: {  	_ =	shalt  }
0x6d: {  	_ =	shalt  }
0x6e: {  	_ =	shalt  }
0x6f: {  	_ =	shalt  }
0x70: {  	_ =	shalt  }
0x71: {  	_ =	shalt  }
0x72: {  	_ =	shalt  }
0x73: {  	_ =	shalt  }
0x74: {  	_ =	shalt  }
0x75: {  	_ =	shalt  }
0x76: {  	_ =	shalt  }
0x77: {  	_ =	shalt  }
0x78: {  	_ =	shalt  }
0x79: {  	_ =	shalt  }
0x7a: {  	_ =	shalt  }
0x7b: {  	_ =	shalt  }
0x7c: {  	_ =	shalt  }
0x7d: {  	_ =	shalt  }
0x7e: {  	_ =	shalt  }
0x7f: {  	_ =	shalt  }
0x80: {  	_ =	shalt  }
0x81: {  	_ =	shalt  }
0x82: {  	_ =	shalt  }
0x83: {  	_ =	shalt  }
0x84: {  	_ =	shalt  }
0x85: {  	_ =	shalt  }
0x86: {  	_ =	shalt  }
0x87: {  	_ =	shalt  }
.Lfunc_end0:
.L_simem_size_0:
called_computation.3_lowered:
.L_overlay_start_0:
0x88: {  	s2 =	sld [smem:$0x3FD9]  }
0x89: {  	s3 =	sld [smem:$0x3FFE];
	_ =	sdelay $0x1  }
0x8a: {  	s1 =	srdreg.scid  }
0x8b: {  	s0 =	sand.u32 $0x1, s1  }
0x8c: {  	s17 =	sshll.u32 s0, $0xA;
	s2 =	sadd.s32 s3, s2  }
0x8d: {  	s2 =	sadd.s32 s2, s17  }
0x8e: {  	[smem:$0x3FBD] =	sst s2  }
0x8f: {  	_ = 	snop  }
0x90: {  	s2 =	sld [smem:$0x3FD0];
	(tm) =	ssettm $0x1  }
0x91: {  	s18 =	sld [smem:$0x3FFB];
	_ =	sdelay $0x3  }
0x92: {  	_ =	strace s18  }
0x93: {  	s3 =	sld [smem:$0x3FFC];
	_ =	sdelay $0x3  }
0x94: {  	_ =	strace s3  }
0x95: {  	s3 =	sld [smem:$0x3FFD];
	_ =	sdelay $0x3  }
0x96: {  	_ =	strace s3  }
0x97: {  	_ =	strace $0x8FFFFFFF  }
0x98: {  	s19 =	sld [smem:$0x3FDB];
	_ =	sdelay $0x1  }
0x99: {  	s4 =	simm.s32 $_scs_section_size  }
0x9a: {  	s5 =	simm.s32 $_size__tile_overlayer_lowered;
	s6 =	simm.s32 $_tile_overlayer_lowered  }
0x9b: {  	s22 =	simm.s32 $0x1BFF;
	s21 =	sshll.u32 s6, $0x1;
	s3 =	sadd.s32 s4, s19  }
0x9c: {  	s7 =	simm.s32 $0x0;
	s20 =	sshll.u32 s5, $0x1;
	s5 =	sadd.s32 s21, s3  }
0x9d: {  	[timem:s7], [sflag:s22] =	dma.local [hbm:s5], s20  }
0x9e: {  	_ =	swait.ge [sflag:s22], s20  }
0x9f: {  	s4 =	ssub.s32 $0x0, s20;
	[sflag:s22] =	ssyncset.done $0x0  }
0xa0: {  	[sflag:s22] =	ssyncadd.s32 s4;
	_ =	sdelay $0x1  }
0xa1: {  	s23 =	simm.s32 $0x1B8B  }
0xa2: {  	_ =	swait.ge [sflag:s23], $0x1  }
0xa3: {  	[sflag:s23] =	ssyncset.done $0x0  }
0xa4: {  	s25 =	simm.s32 $0x1B8E;
	s24 =	sld [smem:$0x3FFE];
	[sflag:s23] =	ssyncadd.s32 $0xFFFFFFFF  }
0xa5: {  	s26 =	simm.s32 $execute0_lowered;
	[smem:$0x3FD2] =	sst s25  }
0xa6: {  	s5 =	sshll.u32 s26, $0x1;
	_ =	strace $0x8000004F;
	[dreg:$0x1] =	wrdreg $0xFFFFFFFF  }
0xa7: {  	s28 =	simm.s32 $_size_execute0_lowered;
	s3 =	sadd.s32 s3, s5;
	[dreg:$0x0] =	wrdreg $0x0  }
0xa8: {  	s5 =	sshll.u32 s28, $0x1;
	[dreg:$0x2] =	wrdreg s3  }
0xa9: {  	[dreg:$0x3] =	wrdreg s5  }
0xaa: {  	[dreg:$0x4] =	wrdreg $0xC0  }
0xab: {  	_ =	task [dreg:s7], $0x5FFFF  }
0xac: {  	[dreg:$0x1] =	wrdreg $0xFFFFFFFF  }
0xad: {  	[dreg:$0x0] =	wrdreg $0x60  }
0xae: {  	[dreg:$0x2] =	wrdreg s24  }
0xaf: {  	[dreg:$0x3] =	wrdreg s2  }
0xb0: {  	[dreg:$0x4] =	wrdreg $0x0  }
0xb1: {  	[dreg:$0x5] =	wrdreg $0x9  }
0xb2: {  	_ =	task.clear_ibuf [dreg:s7], $0x6FFFF;
	_ =	strace $0x9000004F  }
0xb3: {  	s29 =	simm.s32 $0x9;
	_ =	strace $0x80000051  }
0xb4: {  	_ =	swait.ge [sflag:s29], $0x1  }
0xb5: {  	[sflag:s29] =	ssyncadd.s32 $0xFFFFFFFF  }
0xb6: {  	_ =	strace $0x90000051  }
0xb7: {  	_ =	sfence  }
0xb8: {  	s30 =	sld [smem:$0x0];
	_ =	sdelay $0x2  }
0xb9: {  	s31 =	sshll.u32 s1, $0xD;
	s1 =	sshrl.u32 s1, $0x2  }
0xba: {  	s3 =	sand.u32 $0x4000, s31;
	s1 =	sadd.s32 s1, s30  }
0xbb: {  	s0 =	sor.u32 s3, s0;
	s1 =	sshll.u32 s1, $0x11  }
0xbc: {  	s0 =	sor.u32 s1, s0  }
0xbd: {  	s0 =	sadd.s32 $0x8F2B, s0  }
0xbe: {  	[sflag:s0] =	ssyncadd.remote.s32 $0x1  }
0xbf: {  	_ =	sfence.sel $0xFFFF  }
0xc0: {  	[dreg:$0x0] =	wrdreg $0xFFFFFFFF;
	(pc) =	sbr.abs _section_cstart, $3  }
0xc1: {  	[dreg:$0x1] =	wrdreg $0xFFFFFFFF  }
0xc2: {  	_ =	task.clear_ibuf [dreg:s7], $0x2FFFF;
	_ =	strace $0x9FFFFFFF  }
0xc3: {  	(tm) =	ssettm $0x7FFFFFFF  }
tec
execute0_lowered:
.L_overlay_start_1:
0x0: {  	(tag) =	ssettag $0x1  }
0x1: {  	s8 =	rddreg [dreg:$0x0]  }
0x2: {  	s1 =	rddreg [dreg:$0x1]  }
0x3: {  	s2 =	rddreg [dreg:$0x2]  }
0x4: {  	s0 =	rddreg [dreg:$0x3];
	s3 =	simm.s32 $0x0  }
0x5: {  	s6 =	srdreg.scid;
	s4 =	stileid.u32;
	s23 =	simm.s32 $0x14080  }
0x6: {  	s24 =	simm.s32 $0x80;
	s25 =	simm.s32 $0x1;
	s26 =	simm.s32 $0x0  }
0x7: {  	[smem:$0x7FF] =	sst s3;
	s5 =	sadd.s32 $0xDA00, s8;
	s9 =	sand.u32 $0x1, s6  }
0x8: {  	s6 =	sadd.s32 $0x3A00, s8;
	s11 =	smul.u32 $0x50000, s4;
	s7 =	sadd.s32 $0x35A00, s8  }
0x9: {  	s18 =	sadd.s32 $0x36200, s8;
	s13 =	smul.u32 $0x14000, s4;
	_ =	strace $0x80000050  }
0xa: {  	s10 =	ssub.s32 $0x2, s9;
	s12 =	sshll.u32 s9, $0x4;
	s17 =	smul.u32 $0x140000, s9  }
0xb: {  	s30 =	sshrl.u32 s10, $0x1;
	s11 =	sshrl.u32 s11, $0x2;
	s14 =	sor.u32 s4, s12  }
0xc: {  	s15 =	sadd.s32 $0x4000, s13;
	s16 =	sadd.s32 $0x8000, s13;
	s20 =	sadd.s32 $0xC000, s13  }
0xd: {  	s21 =	sadd.s32 $0x10000, s13;
	s19 =	ssub.s32 s10, s30;
	s8 =	sadd.s32 s11, s2  }
0xe: {  	s9 =	sadd.s32 s15, s2;
	s10 =	sadd.s32 s16, s2;
	s11 =	sadd.s32 s20, s2  }
0xf: {  	s13 =	sadd.s32 s13, s17;
	s12 =	sadd.s32 s21, s2;
	s15 =	sadd.s32 s17, s15  }
0x10: {  	s16 =	sadd.s32 s17, s16;
	s20 =	sadd.s32 s17, s20;
	s21 =	sadd.s32 s17, s21  }
0x11: {  	s22 =	sshrl.u32 s13, $0x3;
	s13 =	smul.u32 $0x2800, s14;
	s15 =	sshrl.u32 s15, $0x3  }
0x12: {  	s16 =	sshrl.u32 s16, $0x3;
	s20 =	sshrl.u32 s20, $0x3;
	s31 =	sshrl.u32 s21, $0x3  }
0x13: {  	s19 =	smax.u32 s19, $0x1;
	s21 =	simm.s32 $0x2;
	s14 =	sadd.s32 s18, s22  }
0x14: {  	s15 =	sadd.s32 s18, s15;
	s16 =	sadd.s32 s18, s16;
	s17 =	sadd.s32 s18, s20  }
0x15: {  	s18 =	sadd.s32 s18, s31;
	s20 =	simm.s32 $0x14100;
	s22 =	simm.s32 $0x14000  }
.LBB2_1:
0x16: {  	[tilespmem:s20], [sflag:$0x2] =	stream.linear.gather [hbm4b:s7+s3], $0x4000, $0x38;
	[tilespmem:$0x18100] =	vst v63  }
0x17: {  	_ =	swait.ge [sflag:s21], $0x4000  }
0x18: {  	[sflag:s21] =	ssyncset.done $0x0  }
0x19: {  	[sflag:s21] =	ssyncadd.s32 $0xFFFFC000  }
0x1a: {  	[spmem:s8] =	stream.linear.scatter [tilespmem:s20], [sflag:$0x2], $0x4000, $0x38;
	[tilespmem:$0x18100] =	vst v63  }
0x1b: {  	_ =	swait.ge [sflag:s21], $0x4000  }
0x1c: {  	[sflag:s21] =	ssyncset.done $0x0  }
0x1d: {  	[sflag:s21] =	ssyncadd.s32 $0xFFFFC000  }
0x1e: {  	[spmem:s9] =	stream.linear.scatter [tilespmem:s20], [sflag:$0x2], $0x4000, $0x38;
	[tilespmem:$0x18100] =	vst v63  }
0x1f: {  	_ =	swait.ge [sflag:s21], $0x4000  }
0x20: {  	[sflag:s21] =	ssyncset.done $0x0  }
0x21: {  	[sflag:s21] =	ssyncadd.s32 $0xFFFFC000  }
0x22: {  	[spmem:s10] =	stream.linear.scatter [tilespmem:s20], [sflag:$0x2], $0x4000, $0x38;
	[tilespmem:$0x18100] =	vst v63  }
0x23: {  	_ =	swait.ge [sflag:s21], $0x4000  }
0x24: {  	[sflag:s21] =	ssyncset.done $0x0  }
0x25: {  	[sflag:s21] =	ssyncadd.s32 $0xFFFFC000  }
0x26: {  	[spmem:s11] =	stream.linear.scatter [tilespmem:s20], [sflag:$0x2], $0x4000, $0x38;
	[tilespmem:$0x18100] =	vst v63  }
0x27: {  	_ =	swait.ge [sflag:s21], $0x4000  }
0x28: {  	[sflag:s21] =	ssyncset.done $0x0  }
0x29: {  	s28 =	sand.u32 $0x3C00, s3;
	[sflag:s21] =	ssyncadd.s32 $0xFFFFC000  }
0x2a: {  	[spmem:s12] =	stream.linear.scatter [tilespmem:s20], [sflag:$0x2], $0x4000, $0x38;
	[tilespmem:$0x18100] =	vst v63  }
0x2b: {  	s29 =	sand.u32 $0x380, s3;
	s28 =	sadd.s32 s13, s28;
	_ =	swait.ge [sflag:s21], $0x4000  }
0x2c: {  	s28 =	sor.u32 s29, s28;
	[sflag:s21] =	ssyncset.done $0x0  }
0x2d: {  	s28 =	sshrl.u32 s28, $0x3;
	[sflag:s21] =	ssyncadd.s32 $0xFFFFC000  }
0x2e: {  	s29 =	sadd.s32 s1, s28;
	[bflag:$0x0] =	sbarrier.arrive $0xFFFF  }
0x2f: {  	[tilespmem:s22], [sflag:$0x2] =	stream.linear.gather [hbm4b:s29+s3], $0x80, $0x38;
	[tilespmem:$0x18100] =	vst v63  }
0x30: {  	_ =	swait.ge [sflag:s21], $0x80  }
0x31: {  	[sflag:s21] =	ssyncset.done $0x0  }
0x32: {  	s28 =	sadd.s32 s6, s28;
	[sflag:s21] =	ssyncadd.s32 $0xFFFFFF80  }
0x33: {  	[tilespmem:s23], [sflag:$0x2] =	stream.linear.gather [hbm4b:s28+s3], $0x80, $0x38;
	[tilespmem:$0x18100] =	vst v63  }
0x34: {  	_ =	swait.ge [sflag:s21], $0x80  }
0x35: {  	[sflag:s21] =	ssyncset.done $0x0  }
0x36: {  	[sflag:s21] =	ssyncadd.s32 $0xFFFFFF80  }
0x37: {  	[tilespmem:s20], [sflag:$0x1] =	stream.indirect.gather [hbm4b:s5+s24], $0x80, s22, s24, $0xb8;
	[tilespmem:$0x18100] =	vst v63  }
0x38: {  	_ =	swait.ge [sflag:s25], $0x4000  }
0x39: {  	s28 =	simm.s32 $0x80;
	[sflag:s25] =	ssyncset.done $0x0  }
0x3a: {  	s29 =	sand.u32 $0x3C00, s28;
	[sflag:s25] =	ssyncadd.s32 $0xFFFFC000  }
0x3b: {  	[spmem:s2] =	stream.indirect.scatter.add.f32 [tilespmem:s20], [sflag:$0x2], $0x80, s23, s24, $0xb8;
	[tilespmem:$0x18100] =	vst v63  }
0x3c: {  	s30 =	sand.u32 $0x380, s28;
	s29 =	sadd.s32 s13, s29;
	_ =	swait.ge [sflag:s21], $0x4000  }
0x3d: {  	s28 =	simm.s32 $0x100;
	s29 =	sor.u32 s30, s29;
	[sflag:s21] =	ssyncset.done $0x0  }
.LBB2_2:
0x3e: {  	s29 =	sshrl.u32 s29, $0x3  }
0x3f: {  	[sflag:s21] =	ssyncadd.s32 $0xFFFFC000;
	s30 =	smov.u32 s28;
	s31 =	sadd.s32 $0x80, s28  }
0x40: {  	p0 =	sne.s32 s28, $0x2700;
	s28 =	sadd.s32 s1, s29  }
0x41: {  	[tilespmem:s22], [sflag:$0x2] =	stream.linear.gather [hbm4b:s28+s3], $0x80, $0x38;
	[tilespmem:$0x18100] =	vst v63  }
0x42: {  	_ =	swait.ge [sflag:s21], $0x80  }
0x43: {  	[sflag:s21] =	ssyncset.done $0x0  }
0x44: {  	s28 =	sadd.s32 s6, s29;
	[sflag:s21] =	ssyncadd.s32 $0xFFFFFF80  }
0x45: {  	[tilespmem:s23], [sflag:$0x2] =	stream.linear.gather [hbm4b:s28+s3], $0x80, $0x38;
	[tilespmem:$0x18100] =	vst v63  }
0x46: {  	_ =	swait.ge [sflag:s21], $0x80  }
0x47: {  	[sflag:s21] =	ssyncset.done $0x0  }
0x48: {  	[sflag:s21] =	ssyncadd.s32 $0xFFFFFF80  }
0x49: {  	[tilespmem:s20], [sflag:$0x1] =	stream.indirect.gather [hbm4b:s5+s24], $0x80, s22, s24, $0xb8;
	[tilespmem:$0x18100] =	vst v63  }
0x4a: {  	_ =	swait.ge [sflag:s25], $0x4000  }
.Ltmp0:
0x4b: {  	[sflag:s25] =	ssyncset.done $0x0;
	(pc) =	sbr.rel @p0 .LBB2_2-.Ltmp0, $4  }
0x4c: {  	s28 =	sand.u32 $0x3C00, s30;
	[sflag:s25] =	ssyncadd.s32 $0xFFFFC000  }
0x4d: {  	[spmem:s2] =	stream.indirect.scatter.add.f32 [tilespmem:s20], [sflag:$0x2], $0x80, s23, s24, $0xb8;
	[tilespmem:$0x18100] =	vst v63  }
0x4e: {  	s29 =	sand.u32 $0x380, s30;
	s28 =	sadd.s32 s13, s28;
	_ =	swait.ge [sflag:s21], $0x4000  }
0x4f: {  	s29 =	sor.u32 s29, s28;
	s28 =	smov.u32 s31;
	[sflag:s21] =	ssyncset.done $0x0  }
0x50: {  	s28 =	sshrl.u32 s29, $0x3  }
0x51: {  	[sflag:s21] =	ssyncadd.s32 $0xFFFFC000;
	s29 =	sadd.s32 s1, s28  }
0x52: {  	[tilespmem:s22], [sflag:$0x2] =	stream.linear.gather [hbm4b:s29+s3], $0x80, $0x38;
	[tilespmem:$0x18100] =	vst v63  }
0x53: {  	_ =	swait.ge [sflag:s21], $0x80  }
0x54: {  	[sflag:s21] =	ssyncset.done $0x0  }
0x55: {  	s28 =	sadd.s32 s6, s28;
	[sflag:s21] =	ssyncadd.s32 $0xFFFFFF80  }
0x56: {  	[tilespmem:s23], [sflag:$0x2] =	stream.linear.gather [hbm4b:s28+s3], $0x80, $0x38;
	[tilespmem:$0x18100] =	vst v63  }
0x57: {  	_ =	swait.ge [sflag:s21], $0x80  }
0x58: {  	[sflag:s21] =	ssyncset.done $0x0  }
0x59: {  	[sflag:s21] =	ssyncadd.s32 $0xFFFFFF80  }
0x5a: {  	[tilespmem:s20], [sflag:$0x1] =	stream.indirect.gather [hbm4b:s5+s24], $0x80, s22, s24, $0xb8;
	[tilespmem:$0x18100] =	vst v63  }
0x5b: {  	_ =	swait.ge [sflag:s25], $0x4000  }
0x5c: {  	[sflag:s25] =	ssyncset.done $0x0  }
0x5d: {  	[sflag:s25] =	ssyncadd.s32 $0xFFFFC000  }
0x5e: {  	[spmem:s2] =	stream.indirect.scatter.add.f32 [tilespmem:s20], [sflag:$0x2], $0x80, s23, s24, $0xb8;
	[tilespmem:$0x18100] =	vst v63  }
0x5f: {  	_ =	swait.ge [sflag:s21], $0x4000  }
0x60: {  	[sflag:s21] =	ssyncset.done $0x0  }
0x61: {  	[sflag:s21] =	ssyncadd.s32 $0xFFFFC000  }
0x62: {  	[bflag:$0x0] =	sbarrier.arrive $0xFFFF  }
0x63: {  	[tilespmem:s20], [sflag:$0x2] =	stream.linear.gather [spmem:s8], $0x4000, $0x38;
	[tilespmem:$0x18100] =	vst v63  }
0x64: {  	_ =	swait.ge [sflag:s21], $0x4000  }
0x65: {  	[sflag:s21] =	ssyncset.done $0x0  }
0x66: {  	[sflag:s21] =	ssyncadd.s32 $0xFFFFC000  }
0x67: {  	[hbm4b:s14+s3] =	stream.linear.scatter [tilespmem:s20], [sflag:$0x2], $0x4000, $0x38;
	[tilespmem:$0x18100] =	vst v63  }
0x68: {  	_ =	swait.ge [sflag:s21], $0x4000  }
0x69: {  	[sflag:s21] =	ssyncset.done $0x0  }
0x6a: {  	[sflag:s21] =	ssyncadd.s32 $0xFFFFC000  }
0x6b: {  	[tilespmem:s20], [sflag:$0x2] =	stream.linear.gather [spmem:s9], $0x4000, $0x38;
	[tilespmem:$0x18100] =	vst v63  }
0x6c: {  	_ =	swait.ge [sflag:s21], $0x4000  }
0x6d: {  	[sflag:s21] =	ssyncset.done $0x0  }
0x6e: {  	[sflag:s21] =	ssyncadd.s32 $0xFFFFC000  }
0x6f: {  	[hbm4b:s15+s3] =	stream.linear.scatter [tilespmem:s20], [sflag:$0x2], $0x4000, $0x38;
	[tilespmem:$0x18100] =	vst v63  }
0x70: {  	_ =	swait.ge [sflag:s21], $0x4000  }
0x71: {  	[sflag:s21] =	ssyncset.done $0x0  }
0x72: {  	[sflag:s21] =	ssyncadd.s32 $0xFFFFC000  }
0x73: {  	[tilespmem:s20], [sflag:$0x2] =	stream.linear.gather [spmem:s10], $0x4000, $0x38;
	[tilespmem:$0x18100] =	vst v63  }
0x74: {  	_ =	swait.ge [sflag:s21], $0x4000  }
0x75: {  	[sflag:s21] =	ssyncset.done $0x0  }
0x76: {  	[sflag:s21] =	ssyncadd.s32 $0xFFFFC000  }
0x77: {  	[hbm4b:s16+s3] =	stream.linear.scatter [tilespmem:s20], [sflag:$0x2], $0x4000, $0x38;
	[tilespmem:$0x18100] =	vst v63  }
0x78: {  	_ =	swait.ge [sflag:s21], $0x4000  }
0x79: {  	[sflag:s21] =	ssyncset.done $0x0  }
0x7a: {  	[sflag:s21] =	ssyncadd.s32 $0xFFFFC000  }
0x7b: {  	[tilespmem:s20], [sflag:$0x2] =	stream.linear.gather [spmem:s11], $0x4000, $0x38;
	[tilespmem:$0x18100] =	vst v63  }
0x7c: {  	_ =	swait.ge [sflag:s21], $0x4000  }
0x7d: {  	[sflag:s21] =	ssyncset.done $0x0  }
0x7e: {  	[sflag:s21] =	ssyncadd.s32 $0xFFFFC000  }
0x7f: {  	[hbm4b:s17+s3] =	stream.linear.scatter [tilespmem:s20], [sflag:$0x2], $0x4000, $0x38;
	[tilespmem:$0x18100] =	vst v63  }
0x80: {  	_ =	swait.ge [sflag:s21], $0x4000  }
0x81: {  	[sflag:s21] =	ssyncset.done $0x0  }
0x82: {  	[sflag:s21] =	ssyncadd.s32 $0xFFFFC000  }
0x83: {  	[tilespmem:s20], [sflag:$0x2] =	stream.linear.gather [spmem:s12], $0x4000, $0x38;
	[tilespmem:$0x18100] =	vst v63  }
0x84: {  	s26 =	sadd.s32 $0x1, s26;
	_ =	swait.ge [sflag:s21], $0x4000  }
0x85: {  	p0 =	sne.s32 s26, s19;
	[sflag:s21] =	ssyncset.done $0x0  }
.Ltmp1:
0x86: {  	[sflag:s21] =	ssyncadd.s32 $0xFFFFC000;
	(pc) =	sbr.rel @p0 .LBB2_1-.Ltmp1, $4  }
0x87: {  	[hbm4b:s18+s3] =	stream.linear.scatter [tilespmem:s20], [sflag:$0x2], $0x4000, $0x38;
	[tilespmem:$0x18100] =	vst v63  }
0x88: {  	_ =	swait.ge [sflag:s21], $0x4000  }
0x89: {  	[sflag:s21] =	ssyncset.done $0x0  }
0x8a: {  	[sflag:s21] =	ssyncadd.s32 $0xFFFFC000  }
0x8b: {  	_ =	sfence.sel $0x180000  }
0x8c: {  	[bflag:$0x0] =	sbarrier.arrive $0xFFFF  }
0x8d: {  	p0 =	sne.s32 s4, $0x0;
	_ =	strace $0x90000050  }
0x8e: {  	s0 =	sadd.s32 @!p0 $0x100000, s0;
	[bflag:$0x2] =	sbarrier.arrive $0xFFFF  }
0x8f: {  	[sflag:s0] =	ssyncadd.tile.s32 @!p0 $0x1;
	_ =	shalt  }
.Lfunc_end2:
_tile_overlayer_lowered:
.L_overlay_start_2:
0x90: {  	(tag) =	ssettag $0x2  }
0x91: {  	s0 =	rddreg [dreg:$0x0];
	s2 =	stileid.u32  }
0x92: {  	s1 =	rddreg [dreg:$0x1];
	p0 =	sne.s32 s2, $0x0  }
0x93: {  	s3 =	rddreg [dreg:$0x2];
	[bflag:$0x3] =	sbarrier.arrive $0xFFFF;
	s2 =	simm.s32 @!p0 $0x1C02  }
0x94: {  	[timem:s3], [sflag:s2] =	dma.local @!p0 [hbm:s0], s1  }
0x95: {  	s0 =	simm.s32 @!p0 $0x2  }
0x96: {  	_ =	swait.ge @!p0 [sflag:s0], s1  }
0x97: {  	s1 =	ssub.s32 @!p0 $0x0, s1;
	[sflag:s0] =	ssyncset.done @!p0 $0x0  }
0x98: {  	[sflag:s0] =	ssyncadd.s32 @!p0 s1  }
0x99: {  	[bflag:$0x3] =	sbarrier.arrive $0xFFFF  }
0x9a: {  	_ =	shalt  }

// kernel: kernel.9.cloned.1.call-start
scs
__scs_entry_jumppad:
0x0: {  	(pc) =	sbr.rel $0x88, $3  }
0x1: {  	(tag) =	ssettag $0x0;
	lr =	simm.s32 $0x1  }
0x2: {  	[smem:$0x3F96] =	sst lr;
	_ =	strace $0xD0000000  }
0x3: {  	_ = 	snop  }
0x4: {  	_ = 	snop  }
0x5: {  	_ = 	snop  }
0x6: {  	_ = 	snop  }
0x7: {  	_ = 	snop  }
__scs_overlays_trampoline_lowered:
0x8: {  	[smem:$0x3FA5] =	sst s0  }
0x9: {  	[smem:$0x3FA6] =	sst s1  }
0xa: {  	[smem:$0x3FA7] =	sst s2  }
0xb: {  	[smem:$0x3FA8] =	sst s3  }
0xc: {  	[smem:$0x3FA9] =	sst s4  }
0xd: {  	[smem:$0x3FAA] =	sst s5  }
0xe: {  	[smem:$0x3FAB] =	sst s6  }
0xf: {  	[smem:$0x3FAC] =	sst s7  }
0x10: {  	[smem:$0x3FAD] =	sst s8  }
0x11: {  	[smem:$0x3FAE] =	sst s9;
	s0 =	simm.s32 @!p0 $0x0  }
0x12: {  	s1 =	sld [smem:$0x3F94];
	s0 =	simm.s32 @p0 $0x1  }
0x13: {  	[smem:$0x3FAF] =	sst s0;
	s0 =	simm.s32 @!p1 $0x0  }
0x14: {  	s2 =	sld [smem:$0x3F93];
	s0 =	simm.s32 @p1 $0x1  }
0x15: {  	[smem:$0x3FB0] =	sst s0;
	s0 =	simm.s32 @!p2 $0x0  }
0x16: {  	s3 =	sld [smem:$0x3FDB];
	s0 =	simm.s32 @p2 $0x1  }
0x17: {  	s4 =	simm.s32 $0x1BF5;
	[smem:$0x3FB2] =	sst s0  }
0x18: {  	s0 =	sld [smem:$0x3F95];
	_ =	swait.ge [sflag:s4], $0x0  }
0x19: {  	s7 =	sld [smem:$0x3F96]  }
0x1a: {  	s8 =	sadd.s32 $0xFFFFE003, lr  }
0x1b: {  	s9 =	sadd.s32 $0xFFFFFEF7, lr;
	s5 =	simm.s32 $0xFFFFFFFF;
	p2 =	slt.u32 s8, $0xFFFFF086  }
0x1c: {  	p1 =	slt.u32 s9, $0xF7A;
	s5 =	simm.s32 @!p2 $0x0  }
0x1d: {  	s5 =	simm.s32 @p1 $0x1;
	p0 =	seq.s32 s7, s2  }
0x1e: {  	s7 =	smul.u32 @!p0 $0xF7A, s2;
	p2 =	seq.s32 @!p0 s5, $0x0  }
0x1f: {  	s9 =	smul.u32 $0xF7A, s1;
	s8 =	simm.s32 @!p0 $0x1BF5;
	p2 =	por !p2, p0  }
0x20: {  	[sflag:s8] =	ssyncset.s32 @!p0 $0xFFFFF086;
	s6 =	sadd.s32 @!p0 s3, s7;
	s7 =	simm.s32 @!p0 $0x108  }
0x21: {  	s3 =	sadd.s32 s3, s9;
	s6 =	sadd.s32 @!p0 $0x88, s6;
	s7 =	simm.s32 @p2 $0x1082  }
0x22: {  	[simem:s7], [sflag:s8] =	dma.local @!p0 [hbm:s6], $0xF7A  }
0x23: {  	s9 =	sor.u32 $0xD0000000, s2;
	s6 =	simm.s32 $0x108;
	_ =	swait.ge @!p0 [sflag:s8], $0x0  }
0x24: {  	s3 =	sadd.s32 $0x88, s3;
	s6 =	simm.s32 @!p1 $0x1082;
	[sflag:s4] =	ssyncset.s32 $0xFFFFF086  }
0x25: {  	[simem:s6], [sflag:s4] =	dma.local [hbm:s3], $0xF7A  }
0x26: {  	[smem:$0x3F96] =	sst s1;
	(tag) =	ssettag s2;
	_ =	strace s9  }
0x27: {  	s1 =	sld [smem:$0x3FA6]  }
0x28: {  	s2 =	sld [smem:$0x3FA7]  }
0x29: {  	s4 =	sld [smem:$0x3FA9]  }
0x2a: {  	p0 =	seq.s32 s5, $0x0;
	s5 =	sld [smem:$0x3FAA]  }
0x2b: {  	s6 =	sld [smem:$0x3FAB]  }
0x2c: {  	s7 =	sld [smem:$0x3FAC]  }
0x2d: {  	s3 =	simm.s32 $0x108;
	s8 =	sld [smem:$0x3FAD]  }
0x2e: {  	s3 =	simm.s32 @!p0 $0x1082;
	s9 =	sld [smem:$0x3FAE]  }
0x2f: {  	lr =	sadd.s32 s0, s3;
	s0 =	sld [smem:$0x3FA5]  }
0x30: {  	s3 =	sld [smem:$0x3FA8]  }
0x31: {  	[smem:$0x3FB1] =	sst s10  }
0x32: {  	s10 =	sld [smem:$0x3FAF];
	_ =	sdelay $0x3  }
0x33: {  	p0 =	seq.s32 s10, $0x1;
	s10 =	sld [smem:$0x3FB1];
	_ =	sdelay $0x3  }
0x34: {  	[smem:$0x3FB1] =	sst s10  }
0x35: {  	s10 =	sld [smem:$0x3FB0];
	_ =	sdelay $0x3  }
0x36: {  	p1 =	seq.s32 s10, $0x1;
	s10 =	sld [smem:$0x3FB1];
	_ =	sdelay $0x3  }
0x37: {  	[smem:$0x3FB1] =	sst s10  }
0x38: {  	s10 =	sld [smem:$0x3FB2]  }
0x39: {  	_ = 	snop;
	(pc) =	sbr.ind lr, $3  }
0x3a: {  	_ = 	snop  }
0x3b: {  	_ = 	snop  }
0x3c: {  	p2 =	seq.s32 s10, $0x1;
	s10 =	sld [smem:$0x3FB1]  }
0x3d: {  	_ =	shalt  }
0x3e: {  	_ =	shalt  }
0x3f: {  	_ =	shalt  }
0x40: {  	_ =	shalt  }
0x41: {  	_ =	shalt  }
0x42: {  	_ =	shalt  }
0x43: {  	_ =	shalt  }
0x44: {  	_ =	shalt  }
0x45: {  	_ =	shalt  }
0x46: {  	_ =	shalt  }
0x47: {  	_ =	shalt  }
0x48: {  	_ =	shalt  }
0x49: {  	_ =	shalt  }
0x4a: {  	_ =	shalt  }
0x4b: {  	_ =	shalt  }
0x4c: {  	_ =	shalt  }
0x4d: {  	_ =	shalt  }
0x4e: {  	_ =	shalt  }
0x4f: {  	_ =	shalt  }
0x50: {  	_ =	shalt  }
0x51: {  	_ =	shalt  }
0x52: {  	_ =	shalt  }
0x53: {  	_ =	shalt  }
0x54: {  	_ =	shalt  }
0x55: {  	_ =	shalt  }
0x56: {  	_ =	shalt  }
0x57: {  	_ =	shalt  }
0x58: {  	_ =	shalt  }
0x59: {  	_ =	shalt  }
0x5a: {  	_ =	shalt  }
0x5b: {  	_ =	shalt  }
0x5c: {  	_ =	shalt  }
0x5d: {  	_ =	shalt  }
0x5e: {  	_ =	shalt  }
0x5f: {  	_ =	shalt  }
0x60: {  	_ =	shalt  }
0x61: {  	_ =	shalt  }
0x62: {  	_ =	shalt  }
0x63: {  	_ =	shalt  }
0x64: {  	_ =	shalt  }
0x65: {  	_ =	shalt  }
0x66: {  	_ =	shalt  }
0x67: {  	_ =	shalt  }
0x68: {  	_ =	shalt  }
0x69: {  	_ =	shalt  }
0x6a: {  	_ =	shalt  }
0x6b: {  	_ =	shalt  }
0x6c: {  	_ =	shalt  }
0x6d: {  	_ =	shalt  }
0x6e: {  	_ =	shalt  }
0x6f: {  	_ =	shalt  }
0x70: {  	_ =	shalt  }
0x71: {  	_ =	shalt  }
0x72: {  	_ =	shalt  }
0x73: {  	_ =	shalt  }
0x74: {  	_ =	shalt  }
0x75: {  	_ =	shalt  }
0x76: {  	_ =	shalt  }
0x77: {  	_ =	shalt  }
0x78: {  	_ =	shalt  }
0x79: {  	_ =	shalt  }
0x7a: {  	_ =	shalt  }
0x7b: {  	_ =	shalt  }
0x7c: {  	_ =	shalt  }
0x7d: {  	_ =	shalt  }
0x7e: {  	_ =	shalt  }
0x7f: {  	_ =	shalt  }
0x80: {  	_ =	shalt  }
0x81: {  	_ =	shalt  }
0x82: {  	_ =	shalt  }
0x83: {  	_ =	shalt  }
0x84: {  	_ =	shalt  }
0x85: {  	_ =	shalt  }
0x86: {  	_ =	shalt  }
0x87: {  	_ =	shalt  }
.Lfunc_end0:
.L_simem_size_0:
called_computation_lowered:
.L_overlay_start_0:
0x88: {  	s2 =	sld [smem:$0x3FD9]  }
0x89: {  	s3 =	sld [smem:$0x3FFE];
	_ =	sdelay $0x1  }
0x8a: {  	s1 =	srdreg.scid  }
0x8b: {  	s0 =	sand.u32 $0x1, s1  }
0x8c: {  	s17 =	sshll.u32 s0, $0xA;
	s2 =	sadd.s32 s3, s2  }
0x8d: {  	s2 =	sadd.s32 s2, s17  }
0x8e: {  	[smem:$0x3FBD] =	sst s2  }
0x8f: {  	_ = 	snop  }
0x90: {  	(tm) =	ssettm $0x1  }
0x91: {  	s18 =	sld [smem:$0x3FFB];
	_ =	sdelay $0x3  }
0x92: {  	_ =	strace s18  }
0x93: {  	s2 =	sld [smem:$0x3FFC];
	_ =	sdelay $0x3  }
0x94: {  	_ =	strace s2  }
0x95: {  	s2 =	sld [smem:$0x3FFD];
	_ =	sdelay $0x3  }
0x96: {  	_ =	strace s2  }
0x97: {  	_ =	strace $0x8FFFFFFF  }
0x98: {  	s19 =	sld [smem:$0x3FDB];
	_ =	sdelay $0x1  }
0x99: {  	s20 =	simm.s32 $_scs_section_size  }
0x9a: {  	s4 =	simm.s32 $_size__tile_overlayer_lowered;
	s5 =	simm.s32 $_tile_overlayer_lowered  }
0x9b: {  	s6 =	simm.s32 $0x1BFF;
	s21 =	sshll.u32 s5, $0x1;
	s3 =	sadd.s32 s20, s19  }
0x9c: {  	s22 =	simm.s32 $0x0;
	s4 =	sshll.u32 s4, $0x1;
	s5 =	sadd.s32 s21, s3  }
0x9d: {  	[timem:s22], [sflag:s6] =	dma.local [hbm:s5], s4  }
0x9e: {  	_ =	swait.ge [sflag:s6], s4  }
0x9f: {  	s4 =	ssub.s32 $0x0, s4;
	[sflag:s6] =	ssyncset.done $0x0  }
0xa0: {  	[sflag:s6] =	ssyncadd.s32 s4;
	_ =	sdelay $0x1  }
0xa1: {  	s23 =	simm.s32 $0x1B8B  }
0xa2: {  	_ =	swait.ge [sflag:s23], $0x1  }
0xa3: {  	[sflag:s23] =	ssyncset.done $0x0  }
0xa4: {  	[sflag:s23] =	ssyncadd.s32 $0xFFFFFFFF  }
0xa5: {  	s4 =	sld [smem:$0x0]  }
0xa6: {  	s5 =	sand.u32 $0xFFFFFFFE, s1  }
0xa7: {  	p0 =	sne.s32 s1, s5  }
0xa8: {  	s5 =	sshll.u32 @p0 s5, $0xE  }
0xa9: {  	s5 =	sadd.s32 @p0 $0x11B8D, s5;
	s6 =	sshll.u32 @p0 s4, $0x11  }
0xaa: {  	s5 =	sor.u32 @p0 s6, s5  }
0xab: {  	[sflag:s5] =	ssyncadd.remote.s32 @p0 $0x1;
	_ =	sdelay $0x1  }
0xac: {  	s5 =	simm.s32 @p0 $0x1B8D  }
0xad: {  	_ =	swait.eq @p0 [sflag:s5], $0x1  }
0xae: {  	[sflag:s5] =	ssyncadd.s32 @p0 $0xFFFFFFFF  }
0xaf: {  	s6 =	sshll.u32 @!p0 s1, $0xE  }
0xb0: {  	s6 =	sor.u32 @!p0 $0x4000, s6;
	s5 =	simm.s32 @!p0 $0x1B8D  }
0xb1: {  	s4 =	sshll.u32 @!p0 s4, $0x11;
	s6 =	sadd.s32 @!p0 $0x11B8D, s6;
	_ =	swait.eq @!p0 [sflag:s5], $0x1  }
0xb2: {  	s4 =	sor.u32 @!p0 s4, s6;
	[sflag:s5] =	ssyncadd.s32 @!p0 $0xFFFFFFFF  }
0xb3: {  	s25 =	simm.s32 $0x1B8E;
	s24 =	sld [smem:$0x3FFE];
	[sflag:s4] =	ssyncadd.remote.s32 @!p0 $0x1  }
0xb4: {  	s26 =	simm.s32 $execute0_lowered;
	[smem:$0x3FD2] =	sst s25  }
0xb5: {  	s5 =	sshll.u32 s26, $0x1;
	_ =	strace $0x80000049;
	[dreg:$0x1] =	wrdreg $0xFFFFFFFF  }
0xb6: {  	s28 =	simm.s32 $_size_execute0_lowered;
	s3 =	sadd.s32 s3, s5;
	[dreg:$0x0] =	wrdreg $0x0  }
0xb7: {  	s5 =	sshll.u32 s28, $0x1;
	[dreg:$0x2] =	wrdreg s3  }
0xb8: {  	[dreg:$0x3] =	wrdreg s5  }
0xb9: {  	[dreg:$0x4] =	wrdreg $0xC0  }
0xba: {  	_ =	task [dreg:s22], $0x5FFFF  }
0xbb: {  	[dreg:$0x1] =	wrdreg $0xFFFFFFFF  }
0xbc: {  	[dreg:$0x0] =	wrdreg $0x60  }
0xbd: {  	[dreg:$0x2] =	wrdreg s24  }
0xbe: {  	[dreg:$0x3] =	wrdreg $0x0  }
0xbf: {  	[dreg:$0x4] =	wrdreg $0x9  }
0xc0: {  	_ =	task.clear_ibuf [dreg:s22], $0x5FFFF;
	_ =	strace $0x90000049  }
0xc1: {  	s29 =	simm.s32 $0x9;
	_ =	strace $0x8000004B  }
0xc2: {  	_ =	swait.ge [sflag:s29], $0x1  }
0xc3: {  	[sflag:s29] =	ssyncadd.s32 $0xFFFFFFFF  }
0xc4: {  	_ =	strace $0x9000004B  }
0xc5: {  	_ =	sfence  }
0xc6: {  	s30 =	sld [smem:$0x0];
	_ =	sdelay $0x2  }
0xc7: {  	s31 =	sshll.u32 s1, $0xD;
	s1 =	sshrl.u32 s1, $0x2  }
0xc8: {  	s4 =	sand.u32 $0x4000, s31;
	s1 =	sadd.s32 s1, s30  }
0xc9: {  	s0 =	sor.u32 s4, s0;
	s1 =	sshll.u32 s1, $0x11  }
0xca: {  	s0 =	sor.u32 s1, s0  }
0xcb: {  	s0 =	sadd.s32 $0x8F2B, s0  }
0xcc: {  	[sflag:s0] =	ssyncadd.remote.s32 $0x1  }
0xcd: {  	_ =	sfence.sel $0xFFFF  }
0xce: {  	[dreg:$0x0] =	wrdreg $0xFFFFFFFF;
	(pc) =	sbr.abs _section_cstart, $3  }
0xcf: {  	[dreg:$0x1] =	wrdreg $0xFFFFFFFF  }
0xd0: {  	_ =	task.clear_ibuf [dreg:s22], $0x2FFFF;
	_ =	strace $0x9FFFFFFF  }
0xd1: {  	(tm) =	ssettm $0x7FFFFFFF  }
tec
execute0_lowered:
.L_overlay_start_1:
0x0: {  	(tag) =	ssettag $0x1  }
0x1: {  	s7 =	rddreg [dreg:$0x0]  }
0x2: {  	s1 =	rddreg [dreg:$0x1]  }
0x3: {  	s0 =	rddreg [dreg:$0x2];
	s2 =	simm.s32 $0x0;
	s6 =	srdreg.scid  }
0x4: {  	s3 =	stileid.u32;
	s22 =	simm.s32 $0x80;
	s23 =	simm.s32 $0x0  }
0x5: {  	[smem:$0x7FF] =	sst s2;
	s4 =	sadd.s32 $0x3A00, s7;
	s5 =	sadd.s32 $0x35A00, s7  }
0x6: {  	s8 =	sand.u32 $0x1, s6;
	s6 =	sadd.s32 $0x86200, s7;
	s10 =	smul.u32 $0x50000, s3  }
0x7: {  	s17 =	sadd.s32 $0x86A00, s7;
	s11 =	smul.u32 $0x14000, s3;
	_ =	strace $0x8000004A  }
0x8: {  	s9 =	ssub.s32 $0x2, s8;
	s30 =	sshll.u32 s8, $0x4;
	s19 =	smul.u32 $0x140000, s8  }
0x9: {  	s29 =	sshrl.u32 s9, $0x1;
	s31 =	sshrl.u32 s10, $0x2;
	s12 =	sor.u32 s3, s30  }
0xa: {  	s13 =	sadd.s32 $0x4000, s11;
	s15 =	sadd.s32 $0x8000, s11;
	s16 =	sadd.s32 $0xC000, s11  }
0xb: {  	s20 =	sadd.s32 $0x10000, s11;
	s18 =	ssub.s32 s9, s29;
	s7 =	sadd.s32 s31, s1  }
0xc: {  	s8 =	sadd.s32 s13, s1;
	s9 =	sadd.s32 s15, s1;
	s10 =	sadd.s32 s16, s1  }
0xd: {  	s14 =	sadd.s32 s11, s19;
	s13 =	sadd.s32 s19, s13;
	s11 =	sadd.s32 s20, s1  }
0xe: {  	s12 =	smul.u32 $0x2800, s12;
	s15 =	sadd.s32 s19, s15;
	s16 =	sadd.s32 s19, s16  }
0xf: {  	s19 =	sadd.s32 s19, s20;
	s20 =	simm.s32 $0x1;
	s14 =	sshrl.u32 s14, $0x3  }
0x10: {  	s21 =	sshrl.u32 s13, $0x3;
	s15 =	sshrl.u32 s15, $0x3;
	s16 =	sshrl.u32 s16, $0x3  }
0x11: {  	s19 =	sshrl.u32 s19, $0x3;
	s18 =	smax.u32 s18, $0x1;
	s13 =	sadd.s32 s17, s14  }
0x12: {  	s14 =	sadd.s32 s17, s21;
	s15 =	sadd.s32 s17, s15;
	s16 =	sadd.s32 s17, s16  }
0x13: {  	s17 =	sadd.s32 s17, s19;
	s19 =	simm.s32 $0x14080;
	s21 =	simm.s32 $0x14000  }
.LBB2_1:
0x14: {  	[tilespmem:s19], [sflag:$0x1] =	stream.linear.gather [hbm4b:s5+s2], $0x4000, $0x38;
	[tilespmem:$0x18080] =	vst v63  }
0x15: {  	_ =	swait.ge [sflag:s20], $0x4000  }
0x16: {  	[sflag:s20] =	ssyncset.done $0x0  }
0x17: {  	[sflag:s20] =	ssyncadd.s32 $0xFFFFC000  }
0x18: {  	[spmem:s7] =	stream.linear.scatter [tilespmem:s19], [sflag:$0x1], $0x4000, $0x38;
	[tilespmem:$0x18080] =	vst v63  }
0x19: {  	_ =	swait.ge [sflag:s20], $0x4000  }
0x1a: {  	[sflag:s20] =	ssyncset.done $0x0  }
0x1b: {  	[sflag:s20] =	ssyncadd.s32 $0xFFFFC000  }
0x1c: {  	[spmem:s8] =	stream.linear.scatter [tilespmem:s19], [sflag:$0x1], $0x4000, $0x38;
	[tilespmem:$0x18080] =	vst v63  }
0x1d: {  	_ =	swait.ge [sflag:s20], $0x4000  }
0x1e: {  	[sflag:s20] =	ssyncset.done $0x0  }
0x1f: {  	[sflag:s20] =	ssyncadd.s32 $0xFFFFC000  }
0x20: {  	[spmem:s9] =	stream.linear.scatter [tilespmem:s19], [sflag:$0x1], $0x4000, $0x38;
	[tilespmem:$0x18080] =	vst v63  }
0x21: {  	_ =	swait.ge [sflag:s20], $0x4000  }
0x22: {  	[sflag:s20] =	ssyncset.done $0x0  }
0x23: {  	[sflag:s20] =	ssyncadd.s32 $0xFFFFC000  }
0x24: {  	[spmem:s10] =	stream.linear.scatter [tilespmem:s19], [sflag:$0x1], $0x4000, $0x38;
	[tilespmem:$0x18080] =	vst v63  }
0x25: {  	_ =	swait.ge [sflag:s20], $0x4000  }
0x26: {  	[sflag:s20] =	ssyncset.done $0x0  }
0x27: {  	[sflag:s20] =	ssyncadd.s32 $0xFFFFC000  }
0x28: {  	[spmem:s11] =	stream.linear.scatter [tilespmem:s19], [sflag:$0x1], $0x4000, $0x38;
	[tilespmem:$0x18080] =	vst v63  }
0x29: {  	_ =	swait.ge [sflag:s20], $0x4000  }
0x2a: {  	[sflag:s20] =	ssyncset.done $0x0  }
0x2b: {  	s24 =	sand.u32 $0x3C00, s2;
	[sflag:s20] =	ssyncadd.s32 $0xFFFFC000  }
0x2c: {  	[tilespmem:s19], [sflag:$0x1] =	stream.linear.gather [hbm4b:s6+s2], $0x4000, $0x38;
	[tilespmem:$0x18080] =	vst v63  }
0x2d: {  	s25 =	sand.u32 $0x380, s2;
	s24 =	sadd.s32 s12, s24;
	_ =	swait.ge [sflag:s20], $0x4000  }
0x2e: {  	s24 =	sor.u32 s25, s24;
	[sflag:s20] =	ssyncset.done $0x0  }
0x2f: {  	s24 =	sshrl.u32 s24, $0x3;
	[sflag:s20] =	ssyncadd.s32 $0xFFFFC000  }
0x30: {  	s24 =	sadd.s32 s4, s24;
	[bflag:$0x0] =	sbarrier.arrive $0xFFFF  }
0x31: {  	[tilespmem:s21], [sflag:$0x1] =	stream.linear.gather [hbm4b:s24+s2], $0x80, $0x38;
	[tilespmem:$0x18080] =	vst v63  }
0x32: {  	_ =	swait.ge [sflag:s20], $0x80  }
0x33: {  	s30 =	simm.s32 $0x80;
	[sflag:s20] =	ssyncset.done $0x0  }
0x34: {  	s31 =	sand.u32 $0x3C00, s30;
	[sflag:s20] =	ssyncadd.s32 $0xFFFFFF80  }
0x35: {  	[spmem:s1] =	stream.indirect.scatter.add.f32 [tilespmem:s19], [sflag:$0x1], $0x80, s21, s22, $0xb8;
	[tilespmem:$0x18080] =	vst v63  }
0x36: {  	s26 =	sand.u32 $0x380, s30;
	s25 =	sadd.s32 s12, s31;
	_ =	swait.ge [sflag:s20], $0x4000  }
0x37: {  	s25 =	sor.u32 s26, s25;
	s24 =	simm.s32 $0x100;
	[sflag:s20] =	ssyncset.done $0x0  }
.LBB2_2:
0x38: {  	s25 =	sshrl.u32 s25, $0x3  }
0x39: {  	[sflag:s20] =	ssyncadd.s32 $0xFFFFC000;
	s26 =	smov.u32 s24;
	s28 =	sadd.s32 $0x80, s24  }
0x3a: {  	p0 =	sne.s32 s24, $0x2700;
	s24 =	sadd.s32 s4, s25  }
0x3b: {  	[tilespmem:s21], [sflag:$0x1] =	stream.linear.gather [hbm4b:s24+s2], $0x80, $0x38;
	[tilespmem:$0x18080] =	vst v63  }
0x3c: {  	_ =	swait.ge [sflag:s20], $0x80  }
.Ltmp0:
0x3d: {  	[sflag:s20] =	ssyncset.done $0x0;
	(pc) =	sbr.rel @p0 .LBB2_2-.Ltmp0, $4  }
0x3e: {  	s24 =	sand.u32 $0x3C00, s26;
	[sflag:s20] =	ssyncadd.s32 $0xFFFFFF80  }
0x3f: {  	[spmem:s1] =	stream.indirect.scatter.add.f32 [tilespmem:s19], [sflag:$0x1], $0x80, s21, s22, $0xb8;
	[tilespmem:$0x18080] =	vst v63  }
0x40: {  	s25 =	sand.u32 $0x380, s26;
	s24 =	sadd.s32 s12, s24;
	_ =	swait.ge [sflag:s20], $0x4000  }
0x41: {  	s25 =	sor.u32 s25, s24;
	s24 =	smov.u32 s28;
	[sflag:s20] =	ssyncset.done $0x0  }
0x42: {  	s24 =	sshrl.u32 s25, $0x3  }
0x43: {  	[sflag:s20] =	ssyncadd.s32 $0xFFFFC000;
	s24 =	sadd.s32 s4, s24  }
0x44: {  	[tilespmem:s21], [sflag:$0x1] =	stream.linear.gather [hbm4b:s24+s2], $0x80, $0x38;
	[tilespmem:$0x18080] =	vst v63  }
0x45: {  	_ =	swait.ge [sflag:s20], $0x80  }
0x46: {  	[sflag:s20] =	ssyncset.done $0x0  }
0x47: {  	[sflag:s20] =	ssyncadd.s32 $0xFFFFFF80  }
0x48: {  	[spmem:s1] =	stream.indirect.scatter.add.f32 [tilespmem:s19], [sflag:$0x1], $0x80, s21, s22, $0xb8;
	[tilespmem:$0x18080] =	vst v63  }
0x49: {  	_ =	swait.ge [sflag:s20], $0x4000  }
0x4a: {  	[sflag:s20] =	ssyncset.done $0x0  }
0x4b: {  	[sflag:s20] =	ssyncadd.s32 $0xFFFFC000  }
0x4c: {  	[bflag:$0x0] =	sbarrier.arrive $0xFFFF  }
0x4d: {  	[tilespmem:s19], [sflag:$0x1] =	stream.linear.gather [spmem:s7], $0x4000, $0x38;
	[tilespmem:$0x18080] =	vst v63  }
0x4e: {  	_ =	swait.ge [sflag:s20], $0x4000  }
0x4f: {  	[sflag:s20] =	ssyncset.done $0x0  }
0x50: {  	[sflag:s20] =	ssyncadd.s32 $0xFFFFC000  }
0x51: {  	[hbm4b:s13+s2] =	stream.linear.scatter [tilespmem:s19], [sflag:$0x1], $0x4000, $0x38;
	[tilespmem:$0x18080] =	vst v63  }
0x52: {  	_ =	swait.ge [sflag:s20], $0x4000  }
0x53: {  	[sflag:s20] =	ssyncset.done $0x0  }
0x54: {  	[sflag:s20] =	ssyncadd.s32 $0xFFFFC000  }
0x55: {  	[tilespmem:s19], [sflag:$0x1] =	stream.linear.gather [spmem:s8], $0x4000, $0x38;
	[tilespmem:$0x18080] =	vst v63  }
0x56: {  	_ =	swait.ge [sflag:s20], $0x4000  }
0x57: {  	[sflag:s20] =	ssyncset.done $0x0  }
0x58: {  	[sflag:s20] =	ssyncadd.s32 $0xFFFFC000  }
0x59: {  	[hbm4b:s14+s2] =	stream.linear.scatter [tilespmem:s19], [sflag:$0x1], $0x4000, $0x38;
	[tilespmem:$0x18080] =	vst v63  }
0x5a: {  	_ =	swait.ge [sflag:s20], $0x4000  }
0x5b: {  	[sflag:s20] =	ssyncset.done $0x0  }
0x5c: {  	[sflag:s20] =	ssyncadd.s32 $0xFFFFC000  }
0x5d: {  	[tilespmem:s19], [sflag:$0x1] =	stream.linear.gather [spmem:s9], $0x4000, $0x38;
	[tilespmem:$0x18080] =	vst v63  }
0x5e: {  	_ =	swait.ge [sflag:s20], $0x4000  }
0x5f: {  	[sflag:s20] =	ssyncset.done $0x0  }
0x60: {  	[sflag:s20] =	ssyncadd.s32 $0xFFFFC000  }
0x61: {  	[hbm4b:s15+s2] =	stream.linear.scatter [tilespmem:s19], [sflag:$0x1], $0x4000, $0x38;
	[tilespmem:$0x18080] =	vst v63  }
0x62: {  	_ =	swait.ge [sflag:s20], $0x4000  }
0x63: {  	[sflag:s20] =	ssyncset.done $0x0  }
0x64: {  	[sflag:s20] =	ssyncadd.s32 $0xFFFFC000  }
0x65: {  	[tilespmem:s19], [sflag:$0x1] =	stream.linear.gather [spmem:s10], $0x4000, $0x38;
	[tilespmem:$0x18080] =	vst v63  }
0x66: {  	_ =	swait.ge [sflag:s20], $0x4000  }
0x67: {  	[sflag:s20] =	ssyncset.done $0x0  }
0x68: {  	[sflag:s20] =	ssyncadd.s32 $0xFFFFC000  }
0x69: {  	[hbm4b:s16+s2] =	stream.linear.scatter [tilespmem:s19], [sflag:$0x1], $0x4000, $0x38;
	[tilespmem:$0x18080] =	vst v63  }
0x6a: {  	_ =	swait.ge [sflag:s20], $0x4000  }
0x6b: {  	[sflag:s20] =	ssyncset.done $0x0  }
0x6c: {  	[sflag:s20] =	ssyncadd.s32 $0xFFFFC000  }
0x6d: {  	[tilespmem:s19], [sflag:$0x1] =	stream.linear.gather [spmem:s11], $0x4000, $0x38;
	[tilespmem:$0x18080] =	vst v63  }
0x6e: {  	s23 =	sadd.s32 $0x1, s23;
	_ =	swait.ge [sflag:s20], $0x4000  }
0x6f: {  	p0 =	sne.s32 s23, s18;
	[sflag:s20] =	ssyncset.done $0x0  }
.Ltmp1:
0x70: {  	[sflag:s20] =	ssyncadd.s32 $0xFFFFC000;
	(pc) =	sbr.rel @p0 .LBB2_1-.Ltmp1, $4  }
0x71: {  	[hbm4b:s17+s2] =	stream.linear.scatter [tilespmem:s19], [sflag:$0x1], $0x4000, $0x38;
	[tilespmem:$0x18080] =	vst v63  }
0x72: {  	_ =	swait.ge [sflag:s20], $0x4000  }
0x73: {  	[sflag:s20] =	ssyncset.done $0x0  }
0x74: {  	[sflag:s20] =	ssyncadd.s32 $0xFFFFC000  }
0x75: {  	_ =	sfence.sel $0x180000  }
0x76: {  	[bflag:$0x0] =	sbarrier.arrive $0xFFFF  }
0x77: {  	p0 =	sne.s32 s3, $0x0;
	_ =	strace $0x9000004A  }
0x78: {  	s0 =	sadd.s32 @!p0 $0x100000, s0;
	[bflag:$0x2] =	sbarrier.arrive $0xFFFF  }
0x79: {  	[sflag:s0] =	ssyncadd.tile.s32 @!p0 $0x1;
	_ =	shalt  }
.Lfunc_end2:
_tile_overlayer_lowered:
.L_overlay_start_2:
0x7a: {  	(tag) =	ssettag $0x2  }
0x7b: {  	s0 =	rddreg [dreg:$0x0];
	s2 =	stileid.u32  }
0x7c: {  	s1 =	rddreg [dreg:$0x1];
	p0 =	sne.s32 s2, $0x0  }
0x7d: {  	s3 =	rddreg [dreg:$0x2];
	[bflag:$0x3] =	sbarrier.arrive $0xFFFF;
	s2 =	simm.s32 @!p0 $0x1C01  }
0x7e: {  	[timem:s3], [sflag:s2] =	dma.local @!p0 [hbm:s0], s1  }
0x7f: {  	s0 =	simm.s32 @!p0 $0x1  }
0x80: {  	_ =	swait.ge @!p0 [sflag:s0], s1  }
0x81: {  	s1 =	ssub.s32 @!p0 $0x0, s1;
	[sflag:s0] =	ssyncset.done @!p0 $0x0  }
0x82: {  	[sflag:s0] =	ssyncadd.s32 @!p0 s1  }
0x83: {  	[bflag:$0x3] =	sbarrier.arrive $0xFFFF  }
0x84: {  	_ =	shalt  }

</sc_bundles>
